<compile_context>
chip_gen: v7x
topology: tpu7x:2x2x1
jax: 0.10.2.dev20260603
libtpu: 0.0.44.dev20260713+nightly
codegen_flags: <defaults>
</compile_context>

<pallas_src>
import functools

import jax
import jax.numpy as jnp
from jax import lax
from jax.experimental import pallas as pl
from jax.experimental.pallas import tpu as pltpu
from jax.experimental.pallas import tpu_sc as plsc

N_NODES = 10000
D = 128
R = 8
N_EDGES = 160000

NC = 2
NS = 16
BATCH = 64
NB = 160
NCHUNK = 4
CB = NB // NCHUNK
NBT = NS * NB
E_PAD = NBT * BATCH
N_PAD = 10112
SLAB = N_PAD // NS
SLAB_LAST = N_NODES - 15 * SLAB
NBUF = 4


def _relmm_body(f_ref, w_ref, o_ref):
    o_ref[0] = jnp.dot(f_ref[...], w_ref[0],
                       preferred_element_type=jnp.float32)


def _rel_matmul(feat, weight):
    return pl.pallas_call(
        _relmm_body,
        grid=(R,),
        in_specs=[
            pl.BlockSpec((N_NODES, D), lambda r: (0, 0)),
            pl.BlockSpec((1, D, D), lambda r: (r, 0, 0)),
        ],
        out_specs=pl.BlockSpec((1, N_NODES, D), lambda r: (r, 0, 0)),
        out_shape=jax.ShapeDtypeStruct((R, N_NODES, D), jnp.float32),
    )(feat, weight)


def _sc_gather_scatter(f_table, src_w, et_w, dst_w):
    mesh = plsc.VectorSubcoreMesh(core_axis_name="c", subcore_axis_name="s")

    @functools.partial(
        pl.kernel,
        mesh=mesh,
        out_type=jax.ShapeDtypeStruct((N_NODES, D), jnp.float32),
        scratch_types=[
            pltpu.VMEM((CB, BATCH), jnp.int32),
            pltpu.VMEM((CB, BATCH), jnp.int32),
            pltpu.VMEM((BATCH, D), jnp.float32),
            pltpu.VMEM((BATCH, D), jnp.float32),
            pltpu.VMEM((BATCH, D), jnp.float32),
            pltpu.VMEM((BATCH, D), jnp.float32),
            pltpu.VMEM_SHARED((N_PAD, D), jnp.float32),
            pltpu.SemaphoreType.DMA,
            pltpu.SemaphoreType.DMA,
            pltpu.SemaphoreType.DMA,
            pltpu.SemaphoreType.DMA,
        ],
    )
    def sc_kern(f_hbm, src_hbm, et_hbm, dst_hbm, out_hbm,
                key_v, dst_v, rows0, rows1, rows2, rows3, acc,
                sem0, sem1, sem2, sem3):
        cid = lax.axis_index("c")
        sid = lax.axis_index("s")

        @pl.when(cid == 0)
        def _all_work():
            zero16 = jnp.zeros((16,), jnp.float32)

            def zero_body(i, _):
                for c in range(D // 16):
                    rows0[i, pl.ds(c * 16, 16)] = zero16
                return _

            lax.fori_loop(0, BATCH, zero_body, None)
            for k in range(SLAB // BATCH):
                pltpu.sync_copy(
                    rows0, acc.at[pl.ds(sid * SLAB + k * BATCH, BATCH)])
            rem = SLAB % BATCH
            if rem:
                pltpu.sync_copy(
                    rows0.at[pl.ds(0, rem)],
                    acc.at[pl.ds(sid * SLAB + (SLAB // BATCH) * BATCH,
                                 rem)])

            plsc.subcore_barrier()

            bufs = (rows0, rows1, rows2, rows3)
            sems = (sem0, sem1, sem2, sem3)

            def gstart(bidx, b):
                pltpu.async_copy(f_hbm.at[key_v.at[bidx]], bufs[b], sems[b])

            for ci in range(NCHUNK):
                bofs = sid * NB + ci * CB

                pltpu.sync_copy(et_hbm.at[pl.ds(bofs, CB)],
                                key_v.at[pl.ds(0, CB)])
                pltpu.sync_copy(src_hbm.at[pl.ds(bofs, CB)],
                                dst_v.at[pl.ds(0, CB)])

                def key_body(j, _):
                    for c in range(BATCH // 16):
                        sl = pl.ds(c * 16, 16)
                        key_v[j, sl] = key_v[j, sl] * N_NODES + dst_v[j, sl]
                    return _

                lax.fori_loop(0, CB, key_body, None)

                pltpu.sync_copy(dst_hbm.at[pl.ds(bofs, CB)],
                                dst_v.at[pl.ds(0, CB)])

                def pipe_body(j, _):
                    for b in range(NBUF):
                        idx = j * NBUF + b
                        pltpu.make_async_copy(
                            f_hbm.at[pl.ds(0, BATCH)], bufs[b], sems[b]
                        ).wait()
                        pltpu.sync_copy(bufs[b], acc.at[dst_v.at[idx]],
                                        add=True)

                        @pl.when(idx + NBUF < CB)
                        def _start_next():
                            gstart(idx + NBUF, b)
                    return _

                for b in range(NBUF):
                    gstart(b, b)
                lax.fori_loop(0, CB // NBUF, pipe_body, None)

            plsc.subcore_barrier()

            @pl.when(sid < NS - 1)
            def _out_full():
                pltpu.sync_copy(acc.at[pl.ds(sid * SLAB, SLAB)],
                                out_hbm.at[pl.ds(sid * SLAB, SLAB)])

            @pl.when(sid == NS - 1)
            def _out_last():
                pltpu.sync_copy(
                    acc.at[pl.ds((NS - 1) * SLAB, SLAB_LAST)],
                    out_hbm.at[pl.ds((NS - 1) * SLAB, SLAB_LAST)])

    return sc_kern(f_table, src_w, et_w, dst_w)


def kernel(feat, edge_index, etypes, weight):
    src = edge_index[0]
    dst = edge_index[1]
    pad = E_PAD - N_EDGES
    ar = jnp.arange(pad, dtype=jnp.int32)
    src_p = jnp.concatenate([src, (ar * 37) % N_NODES])
    et_p = jnp.concatenate([etypes, ar % R])
    dst_p = jnp.concatenate([dst, N_NODES + ar % (N_PAD - N_NODES)])

    f_table = _rel_matmul(feat, weight).reshape(N_NODES * R, D)
    return _sc_gather_scatter(
        f_table,
        src_p.reshape(NBT, BATCH),
        et_p.reshape(NBT, BATCH),
        dst_p.reshape(NBT, BATCH),
    )

# --- scband reference (transcript-rebuilt; emitter-appended) ---
"""Pipeline reference for scband-rgcngather-mm-3908420239950 (READ-ONLY COPY).

The authoritative reference and input builder live on the scoring server;
editing this copy changes nothing except your own understanding.
"""

import jax, jax.numpy as jnp
import numpy as np

N_NODES = 10000
N_EDGES = 160000
D_FEAT = 128
N_RELS = 8


def setup_inputs(seed: int = 0) -> dict:
    key = jax.random.key(seed)
    k1, k2, k3, k4 = jax.random.split(key, 4)
    feat = jax.random.normal(k1, (N_NODES, D_FEAT), dtype=jnp.float32)
    edge_index = jax.random.randint(k2, (2, N_EDGES), 0, N_NODES, dtype=jnp.int32)
    etypes = jax.random.randint(k3, (N_EDGES,), 0, N_RELS, dtype=jnp.int32)
    # learned parameter: per-relation weight bank [R, d_in, d_out]
    weight = jax.random.normal(k4, (N_RELS, D_FEAT, D_FEAT), dtype=jnp.float32) * 0.05
    return {"feat": feat, "edge_index": edge_index, "etypes": etypes, "weight": weight}


def reference(feat, edge_index, etypes, weight):
    # RGCN gather_mm message passing:
    #   per edge e: m_e = h_src[e] @ W[etype[e]]   (gather_mm)
    #   per node v: h'_v = sum_{e: dst(e)=v} m_e   (scatter-add / segment_sum)
    src = edge_index[0]
    dst = edge_index[1]
    h_src = jnp.take(feat, src, axis=0)  # gather source features [E, D]
    # relation-typed matmul without materializing [E, D, D] weight gather:
    # compute h_src @ W[r] for each relation and select by etype mask
    m = jnp.zeros((N_EDGES, D_FEAT), dtype=jnp.float32)
    for r in range(N_RELS):
        mask = (etypes == r)[:, None]
        m = m + jnp.where(mask, h_src @ weight[r], 0.0)
    # fn.sum('m', 'h'): scatter-add messages into destination nodes
    out = jax.ops.segment_sum(m, dst, num_segments=N_NODES)
    return out

if __name__ == "__main__":
    import jax
    _d = setup_inputs()
    print(jax.jit(kernel)(*tuple(_d.values())))

</pallas_src>

<mosaic_0001>
#map = affine_map<(d0, d1) -> (0, 0)>
module attributes {stable_mosaic.version = 14 : i64} {
  func.func @sc_kern(%arg0: i32, %arg1: i32, %arg2: memref<80000x128xf32, #tpu.memory_space<hbm>>, %arg3: memref<2560x64xi32, #tpu.memory_space<hbm>>, %arg4: memref<2560x64xi32, #tpu.memory_space<hbm>>, %arg5: memref<2560x64xi32, #tpu.memory_space<hbm>>, %arg6: memref<10000x128xf32, #tpu.memory_space<hbm>>, %arg7: memref<40x64xi32, #tpu.memory_space<vmem>>, %arg8: memref<40x64xi32, #tpu.memory_space<vmem>>, %arg9: memref<64x128xf32, #tpu.memory_space<vmem>>, %arg10: memref<64x128xf32, #tpu.memory_space<vmem>>, %arg11: memref<64x128xf32, #tpu.memory_space<vmem>>, %arg12: memref<64x128xf32, #tpu.memory_space<vmem>>, %arg13: memref<10112x128xf32, #tpu.memory_space<vmem_shared>>, %arg14: memref<!tpu.dma_semaphore, #tpu.memory_space<semaphore_mem>>, %arg15: memref<!tpu.dma_semaphore, #tpu.memory_space<semaphore_mem>>, %arg16: memref<!tpu.dma_semaphore, #tpu.memory_space<semaphore_mem>>, %arg17: memref<!tpu.dma_semaphore, #tpu.memory_space<semaphore_mem>>) attributes {dimension_semantics = [#tpu.dimension_semantics<core_parallel>, #tpu.dimension_semantics<subcore_parallel>], iteration_bounds = array<i64: 2, 16>, scalar_prefetch = 0 : i64, scratch_operands = 11 : i64, tpu.core_type = #tpu.core_type<sc_vector_subcore>, window_params = [{transform_indices = #map}, {transform_indices = #map}, {transform_indices = #map}, {transform_indices = #map}, {transform_indices = #map}]} {
    %eq3A = arith.constant 0 : i32
    %eq3A_0 = arith.cmpi eq, %arg0, %eq3A : i32
    %convert_element_type3A = arith.extui %eq3A_0 : i1 to i32
    %cond3A = arith.constant 0 : i32
    %cond3A_1 = arith.cmpi ne, %convert_element_type3A, %cond3A : i32
    scf.if %cond3A_1 {
      %broadcast_in_dim3A = arith.constant 0.000000e+00 : f32
      %broadcast_in_dim3A_2 = vector.broadcast %broadcast_in_dim3A : f32 to vector<16xf32>
      %scan3A = arith.constant 0 : i32
      %scan3A_3 = arith.constant 64 : i32
      %scan3A_4 = arith.addi %scan3A, %scan3A_3 : i32
      %scan3A_5 = arith.constant 1 : i32
      scf.for %scan3A_222 = %scan3A to %scan3A_4 step %scan3A_5  : i32 {
        %swap3A = arith.index_cast %scan3A_222 : i32 to index
        %swap3A_223 = arith.constant 0 : index
        %swap3A_224 = tpu.vector_load %arg9[%swap3A, %swap3A_223] {strides = array<i32>} : memref<64x128xf32, #tpu.memory_space<vmem>>, vector<1x16xf32>,
        %swap3A_225 = vector.shape_cast %swap3A_224 : vector<1x16xf32> to vector<16xf32>
        %swap3A_226 = vector.shape_cast %broadcast_in_dim3A_2 : vector<16xf32> to vector<1x16xf32>
        tpu.vector_store %arg9[%swap3A, %swap3A_223], %swap3A_226 {strides = array<i32>} : memref<64x128xf32, #tpu.memory_space<vmem>>, vector<1x16xf32>,
        %swap3A_227 = arith.index_cast %scan3A_222 : i32 to index
        %swap3A_228 = arith.constant 16 : index
        %swap3A_229 = tpu.vector_load %arg9[%swap3A_227, %swap3A_228] {strides = array<i32>} : memref<64x128xf32, #tpu.memory_space<vmem>>, vector<1x16xf32>,
        %swap3A_230 = vector.shape_cast %swap3A_229 : vector<1x16xf32> to vector<16xf32>
        %swap3A_231 = vector.shape_cast %broadcast_in_dim3A_2 : vector<16xf32> to vector<1x16xf32>
        tpu.vector_store %arg9[%swap3A_227, %swap3A_228], %swap3A_231 {strides = array<i32>} : memref<64x128xf32, #tpu.memory_space<vmem>>, vector<1x16xf32>,
        %swap3A_232 = arith.index_cast %scan3A_222 : i32 to index
        %swap3A_233 = arith.constant 32 : index
        %swap3A_234 = tpu.vector_load %arg9[%swap3A_232, %swap3A_233] {strides = array<i32>} : memref<64x128xf32, #tpu.memory_space<vmem>>, vector<1x16xf32>,
        %swap3A_235 = vector.shape_cast %swap3A_234 : vector<1x16xf32> to vector<16xf32>
        %swap3A_236 = vector.shape_cast %broadcast_in_dim3A_2 : vector<16xf32> to vector<1x16xf32>
        tpu.vector_store %arg9[%swap3A_232, %swap3A_233], %swap3A_236 {strides = array<i32>} : memref<64x128xf32, #tpu.memory_space<vmem>>, vector<1x16xf32>,
        %swap3A_237 = arith.index_cast %scan3A_222 : i32 to index
        %swap3A_238 = arith.constant 48 : index
        %swap3A_239 = tpu.vector_load %arg9[%swap3A_237, %swap3A_238] {strides = array<i32>} : memref<64x128xf32, #tpu.memory_space<vmem>>, vector<1x16xf32>,
        %swap3A_240 = vector.shape_cast %swap3A_239 : vector<1x16xf32> to vector<16xf32>
        %swap3A_241 = vector.shape_cast %broadcast_in_dim3A_2 : vector<16xf32> to vector<1x16xf32>
        tpu.vector_store %arg9[%swap3A_237, %swap3A_238], %swap3A_241 {strides = array<i32>} : memref<64x128xf32, #tpu.memory_space<vmem>>, vector<1x16xf32>,
        %swap3A_242 = arith.index_cast %scan3A_222 : i32 to index
        %swap3A_243 = arith.constant 64 : index
        %swap3A_244 = tpu.vector_load %arg9[%swap3A_242, %swap3A_243] {strides = array<i32>} : memref<64x128xf32, #tpu.memory_space<vmem>>, vector<1x16xf32>,
        %swap3A_245 = vector.shape_cast %swap3A_244 : vector<1x16xf32> to vector<16xf32>
        %swap3A_246 = vector.shape_cast %broadcast_in_dim3A_2 : vector<16xf32> to vector<1x16xf32>
        tpu.vector_store %arg9[%swap3A_242, %swap3A_243], %swap3A_246 {strides = array<i32>} : memref<64x128xf32, #tpu.memory_space<vmem>>, vector<1x16xf32>,
        %swap3A_247 = arith.index_cast %scan3A_222 : i32 to index
        %swap3A_248 = arith.constant 80 : index
        %swap3A_249 = tpu.vector_load %arg9[%swap3A_247, %swap3A_248] {strides = array<i32>} : memref<64x128xf32, #tpu.memory_space<vmem>>, vector<1x16xf32>,
        %swap3A_250 = vector.shape_cast %swap3A_249 : vector<1x16xf32> to vector<16xf32>
        %swap3A_251 = vector.shape_cast %broadcast_in_dim3A_2 : vector<16xf32> to vector<1x16xf32>
        tpu.vector_store %arg9[%swap3A_247, %swap3A_248], %swap3A_251 {strides = array<i32>} : memref<64x128xf32, #tpu.memory_space<vmem>>, vector<1x16xf32>,
        %swap3A_252 = arith.index_cast %scan3A_222 : i32 to index
        %swap3A_253 = arith.constant 96 : index
        %swap3A_254 = tpu.vector_load %arg9[%swap3A_252, %swap3A_253] {strides = array<i32>} : memref<64x128xf32, #tpu.memory_space<vmem>>, vector<1x16xf32>,
        %swap3A_255 = vector.shape_cast %swap3A_254 : vector<1x16xf32> to vector<16xf32>
        %swap3A_256 = vector.shape_cast %broadcast_in_dim3A_2 : vector<16xf32> to vector<1x16xf32>
        tpu.vector_store %arg9[%swap3A_252, %swap3A_253], %swap3A_256 {strides = array<i32>} : memref<64x128xf32, #tpu.memory_space<vmem>>, vector<1x16xf32>,
        %swap3A_257 = arith.index_cast %scan3A_222 : i32 to index
        %swap3A_258 = arith.constant 112 : index
        %swap3A_259 = tpu.vector_load %arg9[%swap3A_257, %swap3A_258] {strides = array<i32>} : memref<64x128xf32, #tpu.memory_space<vmem>>, vector<1x16xf32>,
        %swap3A_260 = vector.shape_cast %swap3A_259 : vector<1x16xf32> to vector<16xf32>
        %swap3A_261 = vector.shape_cast %broadcast_in_dim3A_2 : vector<16xf32> to vector<1x16xf32>
        tpu.vector_store %arg9[%swap3A_257, %swap3A_258], %swap3A_261 {strides = array<i32>} : memref<64x128xf32, #tpu.memory_space<vmem>>, vector<1x16xf32>,
      }
      %scan3A_6 = arith.constant 64 : i32
      %mul3A = arith.constant 632 : i32
      %mul3A_7 = arith.muli %arg1, %mul3A : i32
      %add3A = arith.constant 0 : i32
      %add3A_8 = arith.addi %mul3A_7, %add3A : i32
      "tpu.region"() ({
        %run_scoped3A = tpu.sem_alloc : memref<!tpu.dma_semaphore, #tpu.memory_space<semaphore_mem>>
        %dma_start3A_222 = arith.constant 0 : i32
        %dma_start3A_223 = tpu.memref_slice %arg13[%add3A_8, %dma_start3A_222] : memref<10112x128xf32, #tpu.memory_space<vmem_shared>> -> memref<64x128xf32, #tpu.memory_space<vmem_shared>>
        %dma_start3A_224 = arith.constant 0 : i32
        %dma_start3A_225 = tpu.memref_slice %arg13[%add3A_8, %dma_start3A_224] : memref<10112x128xf32, #tpu.memory_space<vmem_shared>> -> memref<64x128xf32, #tpu.memory_space<vmem_shared>>
        tpu.enqueue_dma source(%arg9 : memref<64x128xf32, #tpu.memory_space<vmem>>) target(%dma_start3A_225 : memref<64x128xf32, #tpu.memory_space<vmem_shared>>) target_semaphore(%run_scoped3A : memref<!tpu.dma_semaphore, #tpu.memory_space<semaphore_mem>>)
        %dma_wait3A = arith.constant 0 : i32
        %dma_wait3A_226 = tpu.memref_slice %arg13[%add3A_8, %dma_wait3A] : memref<10112x128xf32, #tpu.memory_space<vmem_shared>> -> memref<64x128xf32, #tpu.memory_space<vmem_shared>>
        %dma_wait3A_227 = arith.constant 0 : i32
        %dma_wait3A_228 = tpu.memref_slice %arg13[%add3A_8, %dma_wait3A_227] : memref<10112x128xf32, #tpu.memory_space<vmem_shared>> -> memref<64x128xf32, #tpu.memory_space<vmem_shared>>
        tpu.wait_dma2 semaphore(%run_scoped3A : memref<!tpu.dma_semaphore, #tpu.memory_space<semaphore_mem>>) src(%arg9 : memref<64x128xf32, #tpu.memory_space<vmem>>) dst(%dma_wait3A_228 : memref<64x128xf32, #tpu.memory_space<vmem_shared>>)
        tpu.yield
      }) : () -> ()
      %mul3A_9 = arith.constant 632 : i32
      %mul3A_10 = arith.muli %arg1, %mul3A_9 : i32
      %add3A_11 = arith.constant 64 : i32
      %add3A_12 = arith.addi %mul3A_10, %add3A_11 : i32
      "tpu.region"() ({
        %run_scoped3A = tpu.sem_alloc : memref<!tpu.dma_semaphore, #tpu.memory_space<semaphore_mem>>
        %dma_start3A_222 = arith.constant 0 : i32
        %dma_start3A_223 = tpu.memref_slice %arg13[%add3A_12, %dma_start3A_222] : memref<10112x128xf32, #tpu.memory_space<vmem_shared>> -> memref<64x128xf32, #tpu.memory_space<vmem_shared>>
        %dma_start3A_224 = arith.constant 0 : i32
        %dma_start3A_225 = tpu.memref_slice %arg13[%add3A_12, %dma_start3A_224] : memref<10112x128xf32, #tpu.memory_space<vmem_shared>> -> memref<64x128xf32, #tpu.memory_space<vmem_shared>>
        tpu.enqueue_dma source(%arg9 : memref<64x128xf32, #tpu.memory_space<vmem>>) target(%dma_start3A_225 : memref<64x128xf32, #tpu.memory_space<vmem_shared>>) target_semaphore(%run_scoped3A : memref<!tpu.dma_semaphore, #tpu.memory_space<semaphore_mem>>)
        %dma_wait3A = arith.constant 0 : i32
        %dma_wait3A_226 = tpu.memref_slice %arg13[%add3A_12, %dma_wait3A] : memref<10112x128xf32, #tpu.memory_space<vmem_shared>> -> memref<64x128xf32, #tpu.memory_space<vmem_shared>>
        %dma_wait3A_227 = arith.constant 0 : i32
        %dma_wait3A_228 = tpu.memref_slice %arg13[%add3A_12, %dma_wait3A_227] : memref<10112x128xf32, #tpu.memory_space<vmem_shared>> -> memref<64x128xf32, #tpu.memory_space<vmem_shared>>
        tpu.wait_dma2 semaphore(%run_scoped3A : memref<!tpu.dma_semaphore, #tpu.memory_space<semaphore_mem>>) src(%arg9 : memref<64x128xf32, #tpu.memory_space<vmem>>) dst(%dma_wait3A_228 : memref<64x128xf32, #tpu.memory_space<vmem_shared>>)
        tpu.yield
      }) : () -> ()
      %mul3A_13 = arith.constant 632 : i32
      %mul3A_14 = arith.muli %arg1, %mul3A_13 : i32
      %add3A_15 = arith.constant 128 : i32
      %add3A_16 = arith.addi %mul3A_14, %add3A_15 : i32
      "tpu.region"() ({
        %run_scoped3A = tpu.sem_alloc : memref<!tpu.dma_semaphore, #tpu.memory_space<semaphore_mem>>
        %dma_start3A_222 = arith.constant 0 : i32
        %dma_start3A_223 = tpu.memref_slice %arg13[%add3A_16, %dma_start3A_222] : memref<10112x128xf32, #tpu.memory_space<vmem_shared>> -> memref<64x128xf32, #tpu.memory_space<vmem_shared>>
        %dma_start3A_224 = arith.constant 0 : i32
        %dma_start3A_225 = tpu.memref_slice %arg13[%add3A_16, %dma_start3A_224] : memref<10112x128xf32, #tpu.memory_space<vmem_shared>> -> memref<64x128xf32, #tpu.memory_space<vmem_shared>>
        tpu.enqueue_dma source(%arg9 : memref<64x128xf32, #tpu.memory_space<vmem>>) target(%dma_start3A_225 : memref<64x128xf32, #tpu.memory_space<vmem_shared>>) target_semaphore(%run_scoped3A : memref<!tpu.dma_semaphore, #tpu.memory_space<semaphore_mem>>)
        %dma_wait3A = arith.constant 0 : i32
        %dma_wait3A_226 = tpu.memref_slice %arg13[%add3A_16, %dma_wait3A] : memref<10112x128xf32, #tpu.memory_space<vmem_shared>> -> memref<64x128xf32, #tpu.memory_space<vmem_shared>>
        %dma_wait3A_227 = arith.constant 0 : i32
        %dma_wait3A_228 = tpu.memref_slice %arg13[%add3A_16, %dma_wait3A_227] : memref<10112x128xf32, #tpu.memory_space<vmem_shared>> -> memref<64x128xf32, #tpu.memory_space<vmem_shared>>
        tpu.wait_dma2 semaphore(%run_scoped3A : memref<!tpu.dma_semaphore, #tpu.memory_space<semaphore_mem>>) src(%arg9 : memref<64x128xf32, #tpu.memory_space<vmem>>) dst(%dma_wait3A_228 : memref<64x128xf32, #tpu.memory_space<vmem_shared>>)
        tpu.yield
      }) : () -> ()
      %mul3A_17 = arith.constant 632 : i32
      %mul3A_18 = arith.muli %arg1, %mul3A_17 : i32
      %add3A_19 = arith.constant 192 : i32
      %add3A_20 = arith.addi %mul3A_18, %add3A_19 : i32
      "tpu.region"() ({
        %run_scoped3A = tpu.sem_alloc : memref<!tpu.dma_semaphore, #tpu.memory_space<semaphore_mem>>
        %dma_start3A_222 = arith.constant 0 : i32
        %dma_start3A_223 = tpu.memref_slice %arg13[%add3A_20, %dma_start3A_222] : memref<10112x128xf32, #tpu.memory_space<vmem_shared>> -> memref<64x128xf32, #tpu.memory_space<vmem_shared>>
        %dma_start3A_224 = arith.constant 0 : i32
        %dma_start3A_225 = tpu.memref_slice %arg13[%add3A_20, %dma_start3A_224] : memref<10112x128xf32, #tpu.memory_space<vmem_shared>> -> memref<64x128xf32, #tpu.memory_space<vmem_shared>>
        tpu.enqueue_dma source(%arg9 : memref<64x128xf32, #tpu.memory_space<vmem>>) target(%dma_start3A_225 : memref<64x128xf32, #tpu.memory_space<vmem_shared>>) target_semaphore(%run_scoped3A : memref<!tpu.dma_semaphore, #tpu.memory_space<semaphore_mem>>)
        %dma_wait3A = arith.constant 0 : i32
        %dma_wait3A_226 = tpu.memref_slice %arg13[%add3A_20, %dma_wait3A] : memref<10112x128xf32, #tpu.memory_space<vmem_shared>> -> memref<64x128xf32, #tpu.memory_space<vmem_shared>>
        %dma_wait3A_227 = arith.constant 0 : i32
        %dma_wait3A_228 = tpu.memref_slice %arg13[%add3A_20, %dma_wait3A_227] : memref<10112x128xf32, #tpu.memory_space<vmem_shared>> -> memref<64x128xf32, #tpu.memory_space<vmem_shared>>
        tpu.wait_dma2 semaphore(%run_scoped3A : memref<!tpu.dma_semaphore, #tpu.memory_space<semaphore_mem>>) src(%arg9 : memref<64x128xf32, #tpu.memory_space<vmem>>) dst(%dma_wait3A_228 : memref<64x128xf32, #tpu.memory_space<vmem_shared>>)
        tpu.yield
      }) : () -> ()
      %mul3A_21 = arith.constant 632 : i32
      %mul3A_22 = arith.muli %arg1, %mul3A_21 : i32
      %add3A_23 = arith.constant 256 : i32
      %add3A_24 = arith.addi %mul3A_22, %add3A_23 : i32
      "tpu.region"() ({
        %run_scoped3A = tpu.sem_alloc : memref<!tpu.dma_semaphore, #tpu.memory_space<semaphore_mem>>
        %dma_start3A_222 = arith.constant 0 : i32
        %dma_start3A_223 = tpu.memref_slice %arg13[%add3A_24, %dma_start3A_222] : memref<10112x128xf32, #tpu.memory_space<vmem_shared>> -> memref<64x128xf32, #tpu.memory_space<vmem_shared>>
        %dma_start3A_224 = arith.constant 0 : i32
        %dma_start3A_225 = tpu.memref_slice %arg13[%add3A_24, %dma_start3A_224] : memref<10112x128xf32, #tpu.memory_space<vmem_shared>> -> memref<64x128xf32, #tpu.memory_space<vmem_shared>>
        tpu.enqueue_dma source(%arg9 : memref<64x128xf32, #tpu.memory_space<vmem>>) target(%dma_start3A_225 : memref<64x128xf32, #tpu.memory_space<vmem_shared>>) target_semaphore(%run_scoped3A : memref<!tpu.dma_semaphore, #tpu.memory_space<semaphore_mem>>)
        %dma_wait3A = arith.constant 0 : i32
        %dma_wait3A_226 = tpu.memref_slice %arg13[%add3A_24, %dma_wait3A] : memref<10112x128xf32, #tpu.memory_space<vmem_shared>> -> memref<64x128xf32, #tpu.memory_space<vmem_shared>>
        %dma_wait3A_227 = arith.constant 0 : i32
        %dma_wait3A_228 = tpu.memref_slice %arg13[%add3A_24, %dma_wait3A_227] : memref<10112x128xf32, #tpu.memory_space<vmem_shared>> -> memref<64x128xf32, #tpu.memory_space<vmem_shared>>
        tpu.wait_dma2 semaphore(%run_scoped3A : memref<!tpu.dma_semaphore, #tpu.memory_space<semaphore_mem>>) src(%arg9 : memref<64x128xf32, #tpu.memory_space<vmem>>) dst(%dma_wait3A_228 : memref<64x128xf32, #tpu.memory_space<vmem_shared>>)
        tpu.yield
      }) : () -> ()
      %mul3A_25 = arith.constant 632 : i32
      %mul3A_26 = arith.muli %arg1, %mul3A_25 : i32
      %add3A_27 = arith.constant 320 : i32
      %add3A_28 = arith.addi %mul3A_26, %add3A_27 : i32
      "tpu.region"() ({
        %run_scoped3A = tpu.sem_alloc : memref<!tpu.dma_semaphore, #tpu.memory_space<semaphore_mem>>
        %dma_start3A_222 = arith.constant 0 : i32
        %dma_start3A_223 = tpu.memref_slice %arg13[%add3A_28, %dma_start3A_222] : memref<10112x128xf32, #tpu.memory_space<vmem_shared>> -> memref<64x128xf32, #tpu.memory_space<vmem_shared>>
        %dma_start3A_224 = arith.constant 0 : i32
        %dma_start3A_225 = tpu.memref_slice %arg13[%add3A_28, %dma_start3A_224] : memref<10112x128xf32, #tpu.memory_space<vmem_shared>> -> memref<64x128xf32, #tpu.memory_space<vmem_shared>>
        tpu.enqueue_dma source(%arg9 : memref<64x128xf32, #tpu.memory_space<vmem>>) target(%dma_start3A_225 : memref<64x128xf32, #tpu.memory_space<vmem_shared>>) target_semaphore(%run_scoped3A : memref<!tpu.dma_semaphore, #tpu.memory_space<semaphore_mem>>)
        %dma_wait3A = arith.constant 0 : i32
        %dma_wait3A_226 = tpu.memref_slice %arg13[%add3A_28, %dma_wait3A] : memref<10112x128xf32, #tpu.memory_space<vmem_shared>> -> memref<64x128xf32, #tpu.memory_space<vmem_shared>>
        %dma_wait3A_227 = arith.constant 0 : i32
        %dma_wait3A_228 = tpu.memref_slice %arg13[%add3A_28, %dma_wait3A_227] : memref<10112x128xf32, #tpu.memory_space<vmem_shared>> -> memref<64x128xf32, #tpu.memory_space<vmem_shared>>
        tpu.wait_dma2 semaphore(%run_scoped3A : memref<!tpu.dma_semaphore, #tpu.memory_space<semaphore_mem>>) src(%arg9 : memref<64x128xf32, #tpu.memory_space<vmem>>) dst(%dma_wait3A_228 : memref<64x128xf32, #tpu.memory_space<vmem_shared>>)
        tpu.yield
      }) : () -> ()
      %mul3A_29 = arith.constant 632 : i32
      %mul3A_30 = arith.muli %arg1, %mul3A_29 : i32
      %add3A_31 = arith.constant 384 : i32
      %add3A_32 = arith.addi %mul3A_30, %add3A_31 : i32
      "tpu.region"() ({
        %run_scoped3A = tpu.sem_alloc : memref<!tpu.dma_semaphore, #tpu.memory_space<semaphore_mem>>
        %dma_start3A_222 = arith.constant 0 : i32
        %dma_start3A_223 = tpu.memref_slice %arg13[%add3A_32, %dma_start3A_222] : memref<10112x128xf32, #tpu.memory_space<vmem_shared>> -> memref<64x128xf32, #tpu.memory_space<vmem_shared>>
        %dma_start3A_224 = arith.constant 0 : i32
        %dma_start3A_225 = tpu.memref_slice %arg13[%add3A_32, %dma_start3A_224] : memref<10112x128xf32, #tpu.memory_space<vmem_shared>> -> memref<64x128xf32, #tpu.memory_space<vmem_shared>>
        tpu.enqueue_dma source(%arg9 : memref<64x128xf32, #tpu.memory_space<vmem>>) target(%dma_start3A_225 : memref<64x128xf32, #tpu.memory_space<vmem_shared>>) target_semaphore(%run_scoped3A : memref<!tpu.dma_semaphore, #tpu.memory_space<semaphore_mem>>)
        %dma_wait3A = arith.constant 0 : i32
        %dma_wait3A_226 = tpu.memref_slice %arg13[%add3A_32, %dma_wait3A] : memref<10112x128xf32, #tpu.memory_space<vmem_shared>> -> memref<64x128xf32, #tpu.memory_space<vmem_shared>>
        %dma_wait3A_227 = arith.constant 0 : i32
        %dma_wait3A_228 = tpu.memref_slice %arg13[%add3A_32, %dma_wait3A_227] : memref<10112x128xf32, #tpu.memory_space<vmem_shared>> -> memref<64x128xf32, #tpu.memory_space<vmem_shared>>
        tpu.wait_dma2 semaphore(%run_scoped3A : memref<!tpu.dma_semaphore, #tpu.memory_space<semaphore_mem>>) src(%arg9 : memref<64x128xf32, #tpu.memory_space<vmem>>) dst(%dma_wait3A_228 : memref<64x128xf32, #tpu.memory_space<vmem_shared>>)
        tpu.yield
      }) : () -> ()
      %mul3A_33 = arith.constant 632 : i32
      %mul3A_34 = arith.muli %arg1, %mul3A_33 : i32
      %add3A_35 = arith.constant 448 : i32
      %add3A_36 = arith.addi %mul3A_34, %add3A_35 : i32
      "tpu.region"() ({
        %run_scoped3A = tpu.sem_alloc : memref<!tpu.dma_semaphore, #tpu.memory_space<semaphore_mem>>
        %dma_start3A_222 = arith.constant 0 : i32
        %dma_start3A_223 = tpu.memref_slice %arg13[%add3A_36, %dma_start3A_222] : memref<10112x128xf32, #tpu.memory_space<vmem_shared>> -> memref<64x128xf32, #tpu.memory_space<vmem_shared>>
        %dma_start3A_224 = arith.constant 0 : i32
        %dma_start3A_225 = tpu.memref_slice %arg13[%add3A_36, %dma_start3A_224] : memref<10112x128xf32, #tpu.memory_space<vmem_shared>> -> memref<64x128xf32, #tpu.memory_space<vmem_shared>>
        tpu.enqueue_dma source(%arg9 : memref<64x128xf32, #tpu.memory_space<vmem>>) target(%dma_start3A_225 : memref<64x128xf32, #tpu.memory_space<vmem_shared>>) target_semaphore(%run_scoped3A : memref<!tpu.dma_semaphore, #tpu.memory_space<semaphore_mem>>)
        %dma_wait3A = arith.constant 0 : i32
        %dma_wait3A_226 = tpu.memref_slice %arg13[%add3A_36, %dma_wait3A] : memref<10112x128xf32, #tpu.memory_space<vmem_shared>> -> memref<64x128xf32, #tpu.memory_space<vmem_shared>>
        %dma_wait3A_227 = arith.constant 0 : i32
        %dma_wait3A_228 = tpu.memref_slice %arg13[%add3A_36, %dma_wait3A_227] : memref<10112x128xf32, #tpu.memory_space<vmem_shared>> -> memref<64x128xf32, #tpu.memory_space<vmem_shared>>
        tpu.wait_dma2 semaphore(%run_scoped3A : memref<!tpu.dma_semaphore, #tpu.memory_space<semaphore_mem>>) src(%arg9 : memref<64x128xf32, #tpu.memory_space<vmem>>) dst(%dma_wait3A_228 : memref<64x128xf32, #tpu.memory_space<vmem_shared>>)
        tpu.yield
      }) : () -> ()
      %mul3A_37 = arith.constant 632 : i32
      %mul3A_38 = arith.muli %arg1, %mul3A_37 : i32
      %add3A_39 = arith.constant 512 : i32
      %add3A_40 = arith.addi %mul3A_38, %add3A_39 : i32
      "tpu.region"() ({
        %run_scoped3A = tpu.sem_alloc : memref<!tpu.dma_semaphore, #tpu.memory_space<semaphore_mem>>
        %dma_start3A_222 = arith.constant 0 : i32
        %dma_start3A_223 = tpu.memref_slice %arg13[%add3A_40, %dma_start3A_222] : memref<10112x128xf32, #tpu.memory_space<vmem_shared>> -> memref<64x128xf32, #tpu.memory_space<vmem_shared>>
        %dma_start3A_224 = arith.constant 0 : i32
        %dma_start3A_225 = tpu.memref_slice %arg13[%add3A_40, %dma_start3A_224] : memref<10112x128xf32, #tpu.memory_space<vmem_shared>> -> memref<64x128xf32, #tpu.memory_space<vmem_shared>>
        tpu.enqueue_dma source(%arg9 : memref<64x128xf32, #tpu.memory_space<vmem>>) target(%dma_start3A_225 : memref<64x128xf32, #tpu.memory_space<vmem_shared>>) target_semaphore(%run_scoped3A : memref<!tpu.dma_semaphore, #tpu.memory_space<semaphore_mem>>)
        %dma_wait3A = arith.constant 0 : i32
        %dma_wait3A_226 = tpu.memref_slice %arg13[%add3A_40, %dma_wait3A] : memref<10112x128xf32, #tpu.memory_space<vmem_shared>> -> memref<64x128xf32, #tpu.memory_space<vmem_shared>>
        %dma_wait3A_227 = arith.constant 0 : i32
        %dma_wait3A_228 = tpu.memref_slice %arg13[%add3A_40, %dma_wait3A_227] : memref<10112x128xf32, #tpu.memory_space<vmem_shared>> -> memref<64x128xf32, #tpu.memory_space<vmem_shared>>
        tpu.wait_dma2 semaphore(%run_scoped3A : memref<!tpu.dma_semaphore, #tpu.memory_space<semaphore_mem>>) src(%arg9 : memref<64x128xf32, #tpu.memory_space<vmem>>) dst(%dma_wait3A_228 : memref<64x128xf32, #tpu.memory_space<vmem_shared>>)
        tpu.yield
      }) : () -> ()
      %mul3A_41 = arith.constant 632 : i32
      %mul3A_42 = arith.muli %arg1, %mul3A_41 : i32
      %add3A_43 = arith.constant 576 : i32
      %add3A_44 = arith.addi %mul3A_42, %add3A_43 : i32
      "tpu.region"() ({
        %run_scoped3A = tpu.sem_alloc : memref<!tpu.dma_semaphore, #tpu.memory_space<semaphore_mem>>
        %dma_start3A_222 = arith.constant 0 : i32
        %dma_start3A_223 = arith.constant 0 : i32
        %dma_start3A_224 = tpu.memref_slice %arg9[%dma_start3A_222, %dma_start3A_223] : memref<64x128xf32, #tpu.memory_space<vmem>> -> memref<56x128xf32, #tpu.memory_space<vmem>>
        %dma_start3A_225 = arith.constant 0 : i32
        %dma_start3A_226 = tpu.memref_slice %arg13[%add3A_44, %dma_start3A_225] : memref<10112x128xf32, #tpu.memory_space<vmem_shared>> -> memref<56x128xf32, #tpu.memory_space<vmem_shared>>
        %dma_start3A_227 = arith.constant 0 : i32
        %dma_start3A_228 = tpu.memref_slice %arg13[%add3A_44, %dma_start3A_227] : memref<10112x128xf32, #tpu.memory_space<vmem_shared>> -> memref<56x128xf32, #tpu.memory_space<vmem_shared>>
        %dma_start3A_229 = arith.constant 0 : i32
        %dma_start3A_230 = arith.constant 0 : i32
        %dma_start3A_231 = tpu.memref_slice %arg9[%dma_start3A_229, %dma_start3A_230] : memref<64x128xf32, #tpu.memory_space<vmem>> -> memref<56x128xf32, #tpu.memory_space<vmem>>
        tpu.enqueue_dma source(%dma_start3A_231 : memref<56x128xf32, #tpu.memory_space<vmem>>) target(%dma_start3A_228 : memref<56x128xf32, #tpu.memory_space<vmem_shared>>) target_semaphore(%run_scoped3A : memref<!tpu.dma_semaphore, #tpu.memory_space<semaphore_mem>>)
        %dma_wait3A = arith.constant 0 : i32
        %dma_wait3A_232 = arith.constant 0 : i32
        %dma_wait3A_233 = tpu.memref_slice %arg9[%dma_wait3A, %dma_wait3A_232] : memref<64x128xf32, #tpu.memory_space<vmem>> -> memref<56x128xf32, #tpu.memory_space<vmem>>
        %dma_wait3A_234 = arith.constant 0 : i32
        %dma_wait3A_235 = tpu.memref_slice %arg13[%add3A_44, %dma_wait3A_234] : memref<10112x128xf32, #tpu.memory_space<vmem_shared>> -> memref<56x128xf32, #tpu.memory_space<vmem_shared>>
        %dma_wait3A_236 = arith.constant 0 : i32
        %dma_wait3A_237 = tpu.memref_slice %arg13[%add3A_44, %dma_wait3A_236] : memref<10112x128xf32, #tpu.memory_space<vmem_shared>> -> memref<56x128xf32, #tpu.memory_space<vmem_shared>>
        %dma_wait3A_238 = arith.constant 0 : i32
        %dma_wait3A_239 = arith.constant 0 : i32
        %dma_wait3A_240 = tpu.memref_slice %arg9[%dma_wait3A_238, %dma_wait3A_239] : memref<64x128xf32, #tpu.memory_space<vmem>> -> memref<56x128xf32, #tpu.memory_space<vmem>>
        tpu.wait_dma2 semaphore(%run_scoped3A : memref<!tpu.dma_semaphore, #tpu.memory_space<semaphore_mem>>) src(%dma_wait3A_240 : memref<56x128xf32, #tpu.memory_space<vmem>>) dst(%dma_wait3A_237 : memref<56x128xf32, #tpu.memory_space<vmem_shared>>)
        tpu.yield
      }) : () -> ()
      %barrier3A = arith.constant 0 : index
      tpu.barrier barrier_id(%barrier3A)
      %mul3A_45 = arith.constant 160 : i32
      %mul3A_46 = arith.muli %arg1, %mul3A_45 : i32
      %add3A_47 = arith.constant 0 : i32
      %add3A_48 = arith.addi %mul3A_46, %add3A_47 : i32
      "tpu.region"() ({
        %run_scoped3A = tpu.sem_alloc : memref<!tpu.dma_semaphore, #tpu.memory_space<semaphore_mem>>
        %dma_start3A_222 = arith.constant 0 : i32
        %dma_start3A_223 = arith.constant 0 : i32
        %dma_start3A_224 = tpu.memref_slice %arg7[%dma_start3A_222, %dma_start3A_223] : memref<40x64xi32, #tpu.memory_space<vmem>> -> memref<40x64xi32, #tpu.memory_space<vmem>>
        %dma_start3A_225 = arith.constant 0 : i32
        %dma_start3A_226 = tpu.memref_slice %arg4[%add3A_48, %dma_start3A_225] : memref<2560x64xi32, #tpu.memory_space<hbm>> -> memref<40x64xi32, #tpu.memory_space<hbm>>
        %dma_start3A_227 = arith.constant 0 : i32
        %dma_start3A_228 = arith.constant 0 : i32
        %dma_start3A_229 = tpu.memref_slice %arg7[%dma_start3A_227, %dma_start3A_228] : memref<40x64xi32, #tpu.memory_space<vmem>> -> memref<40x64xi32, #tpu.memory_space<vmem>>
        %dma_start3A_230 = arith.constant 0 : i32
        %dma_start3A_231 = tpu.memref_slice %arg4[%add3A_48, %dma_start3A_230] : memref<2560x64xi32, #tpu.memory_space<hbm>> -> memref<40x64xi32, #tpu.memory_space<hbm>>
        tpu.enqueue_dma source(%dma_start3A_231 : memref<40x64xi32, #tpu.memory_space<hbm>>) target(%dma_start3A_229 : memref<40x64xi32, #tpu.memory_space<vmem>>) target_semaphore(%run_scoped3A : memref<!tpu.dma_semaphore, #tpu.memory_space<semaphore_mem>>)
        %dma_wait3A = arith.constant 0 : i32
        %dma_wait3A_232 = arith.constant 0 : i32
        %dma_wait3A_233 = tpu.memref_slice %arg7[%dma_wait3A, %dma_wait3A_232] : memref<40x64xi32, #tpu.memory_space<vmem>> -> memref<40x64xi32, #tpu.memory_space<vmem>>
        %dma_wait3A_234 = arith.constant 0 : i32
        %dma_wait3A_235 = tpu.memref_slice %arg4[%add3A_48, %dma_wait3A_234] : memref<2560x64xi32, #tpu.memory_space<hbm>> -> memref<40x64xi32, #tpu.memory_space<hbm>>
        %dma_wait3A_236 = arith.constant 0 : i32
        %dma_wait3A_237 = arith.constant 0 : i32
        %dma_wait3A_238 = tpu.memref_slice %arg7[%dma_wait3A_236, %dma_wait3A_237] : memref<40x64xi32, #tpu.memory_space<vmem>> -> memref<40x64xi32, #tpu.memory_space<vmem>>
        %dma_wait3A_239 = arith.constant 0 : i32
        %dma_wait3A_240 = tpu.memref_slice %arg4[%add3A_48, %dma_wait3A_239] : memref<2560x64xi32, #tpu.memory_space<hbm>> -> memref<40x64xi32, #tpu.memory_space<hbm>>
        tpu.wait_dma2 semaphore(%run_scoped3A : memref<!tpu.dma_semaphore, #tpu.memory_space<semaphore_mem>>) src(%dma_wait3A_240 : memref<40x64xi32, #tpu.memory_space<hbm>>) dst(%dma_wait3A_238 : memref<40x64xi32, #tpu.memory_space<vmem>>)
        tpu.yield
      }) : () -> ()
      "tpu.region"() ({
        %run_scoped3A = tpu.sem_alloc : memref<!tpu.dma_semaphore, #tpu.memory_space<semaphore_mem>>
        %dma_start3A_222 = arith.constant 0 : i32
        %dma_start3A_223 = arith.constant 0 : i32
        %dma_start3A_224 = tpu.memref_slice %arg8[%dma_start3A_222, %dma_start3A_223] : memref<40x64xi32, #tpu.memory_space<vmem>> -> memref<40x64xi32, #tpu.memory_space<vmem>>
        %dma_start3A_225 = arith.constant 0 : i32
        %dma_start3A_226 = tpu.memref_slice %arg3[%add3A_48, %dma_start3A_225] : memref<2560x64xi32, #tpu.memory_space<hbm>> -> memref<40x64xi32, #tpu.memory_space<hbm>>
        %dma_start3A_227 = arith.constant 0 : i32
        %dma_start3A_228 = arith.constant 0 : i32
        %dma_start3A_229 = tpu.memref_slice %arg8[%dma_start3A_227, %dma_start3A_228] : memref<40x64xi32, #tpu.memory_space<vmem>> -> memref<40x64xi32, #tpu.memory_space<vmem>>
        %dma_start3A_230 = arith.constant 0 : i32
        %dma_start3A_231 = tpu.memref_slice %arg3[%add3A_48, %dma_start3A_230] : memref<2560x64xi32, #tpu.memory_space<hbm>> -> memref<40x64xi32, #tpu.memory_space<hbm>>
        tpu.enqueue_dma source(%dma_start3A_231 : memref<40x64xi32, #tpu.memory_space<hbm>>) target(%dma_start3A_229 : memref<40x64xi32, #tpu.memory_space<vmem>>) target_semaphore(%run_scoped3A : memref<!tpu.dma_semaphore, #tpu.memory_space<semaphore_mem>>)
        %dma_wait3A = arith.constant 0 : i32
        %dma_wait3A_232 = arith.constant 0 : i32
        %dma_wait3A_233 = tpu.memref_slice %arg8[%dma_wait3A, %dma_wait3A_232] : memref<40x64xi32, #tpu.memory_space<vmem>> -> memref<40x64xi32, #tpu.memory_space<vmem>>
        %dma_wait3A_234 = arith.constant 0 : i32
        %dma_wait3A_235 = tpu.memref_slice %arg3[%add3A_48, %dma_wait3A_234] : memref<2560x64xi32, #tpu.memory_space<hbm>> -> memref<40x64xi32, #tpu.memory_space<hbm>>
        %dma_wait3A_236 = arith.constant 0 : i32
        %dma_wait3A_237 = arith.constant 0 : i32
        %dma_wait3A_238 = tpu.memref_slice %arg8[%dma_wait3A_236, %dma_wait3A_237] : memref<40x64xi32, #tpu.memory_space<vmem>> -> memref<40x64xi32, #tpu.memory_space<vmem>>
        %dma_wait3A_239 = arith.constant 0 : i32
        %dma_wait3A_240 = tpu.memref_slice %arg3[%add3A_48, %dma_wait3A_239] : memref<2560x64xi32, #tpu.memory_space<hbm>> -> memref<40x64xi32, #tpu.memory_space<hbm>>
        tpu.wait_dma2 semaphore(%run_scoped3A : memref<!tpu.dma_semaphore, #tpu.memory_space<semaphore_mem>>) src(%dma_wait3A_240 : memref<40x64xi32, #tpu.memory_space<hbm>>) dst(%dma_wait3A_238 : memref<40x64xi32, #tpu.memory_space<vmem>>)
        tpu.yield
      }) : () -> ()
      %scan3A_49 = arith.constant 0 : i32
      %scan3A_50 = arith.constant 40 : i32
      %scan3A_51 = arith.addi %scan3A_49, %scan3A_50 : i32
      %scan3A_52 = arith.constant 1 : i32
      scf.for %scan3A_222 = %scan3A_49 to %scan3A_51 step %scan3A_52  : i32 {
        %get3A = arith.index_cast %scan3A_222 : i32 to index
        %get3A_223 = arith.constant 0 : index
        %get3A_224 = tpu.vector_load %arg7[%get3A, %get3A_223] {strides = array<i32>} : memref<40x64xi32, #tpu.memory_space<vmem>>, vector<1x16xi32>,
        %get3A_225 = vector.shape_cast %get3A_224 : vector<1x16xi32> to vector<16xi32>
        %mul3A_226 = arith.constant 10000 : i32
        %mul3A_227 = vector.broadcast %mul3A_226 : i32 to vector<16xi32>
        %mul3A_228 = arith.muli %get3A_225, %mul3A_227 : vector<16xi32>
        %get3A_229 = arith.index_cast %scan3A_222 : i32 to index
        %get3A_230 = arith.constant 0 : index
        %get3A_231 = tpu.vector_load %arg8[%get3A_229, %get3A_230] {strides = array<i32>} : memref<40x64xi32, #tpu.memory_space<vmem>>, vector<1x16xi32>,
        %get3A_232 = vector.shape_cast %get3A_231 : vector<1x16xi32> to vector<16xi32>
        %add3A_233 = arith.addi %mul3A_228, %get3A_232 : vector<16xi32>
        %swap3A = arith.index_cast %scan3A_222 : i32 to index
        %swap3A_234 = arith.constant 0 : index
        %swap3A_235 = tpu.vector_load %arg7[%swap3A, %swap3A_234] {strides = array<i32>} : memref<40x64xi32, #tpu.memory_space<vmem>>, vector<1x16xi32>,
        %swap3A_236 = vector.shape_cast %swap3A_235 : vector<1x16xi32> to vector<16xi32>
        %swap3A_237 = vector.shape_cast %add3A_233 : vector<16xi32> to vector<1x16xi32>
        tpu.vector_store %arg7[%swap3A, %swap3A_234], %swap3A_237 {strides = array<i32>} : memref<40x64xi32, #tpu.memory_space<vmem>>, vector<1x16xi32>,
        %get3A_238 = arith.index_cast %scan3A_222 : i32 to index
        %get3A_239 = arith.constant 16 : index
        %get3A_240 = tpu.vector_load %arg7[%get3A_238, %get3A_239] {strides = array<i32>} : memref<40x64xi32, #tpu.memory_space<vmem>>, vector<1x16xi32>,
        %get3A_241 = vector.shape_cast %get3A_240 : vector<1x16xi32> to vector<16xi32>
        %mul3A_242 = arith.constant 10000 : i32
        %mul3A_243 = vector.broadcast %mul3A_242 : i32 to vector<16xi32>
        %mul3A_244 = arith.muli %get3A_241, %mul3A_243 : vector<16xi32>
        %get3A_245 = arith.index_cast %scan3A_222 : i32 to index
        %get3A_246 = arith.constant 16 : index
        %get3A_247 = tpu.vector_load %arg8[%get3A_245, %get3A_246] {strides = array<i32>} : memref<40x64xi32, #tpu.memory_space<vmem>>, vector<1x16xi32>,
        %get3A_248 = vector.shape_cast %get3A_247 : vector<1x16xi32> to vector<16xi32>
        %add3A_249 = arith.addi %mul3A_244, %get3A_248 : vector<16xi32>
        %swap3A_250 = arith.index_cast %scan3A_222 : i32 to index
        %swap3A_251 = arith.constant 16 : index
        %swap3A_252 = tpu.vector_load %arg7[%swap3A_250, %swap3A_251] {strides = array<i32>} : memref<40x64xi32, #tpu.memory_space<vmem>>, vector<1x16xi32>,
        %swap3A_253 = vector.shape_cast %swap3A_252 : vector<1x16xi32> to vector<16xi32>
        %swap3A_254 = vector.shape_cast %add3A_249 : vector<16xi32> to vector<1x16xi32>
        tpu.vector_store %arg7[%swap3A_250, %swap3A_251], %swap3A_254 {strides = array<i32>} : memref<40x64xi32, #tpu.memory_space<vmem>>, vector<1x16xi32>,
        %get3A_255 = arith.index_cast %scan3A_222 : i32 to index
        %get3A_256 = arith.constant 32 : index
        %get3A_257 = tpu.vector_load %arg7[%get3A_255, %get3A_256] {strides = array<i32>} : memref<40x64xi32, #tpu.memory_space<vmem>>, vector<1x16xi32>,
        %get3A_258 = vector.shape_cast %get3A_257 : vector<1x16xi32> to vector<16xi32>
        %mul3A_259 = arith.constant 10000 : i32
        %mul3A_260 = vector.broadcast %mul3A_259 : i32 to vector<16xi32>
        %mul3A_261 = arith.muli %get3A_258, %mul3A_260 : vector<16xi32>
        %get3A_262 = arith.index_cast %scan3A_222 : i32 to index
        %get3A_263 = arith.constant 32 : index
        %get3A_264 = tpu.vector_load %arg8[%get3A_262, %get3A_263] {strides = array<i32>} : memref<40x64xi32, #tpu.memory_space<vmem>>, vector<1x16xi32>,
        %get3A_265 = vector.shape_cast %get3A_264 : vector<1x16xi32> to vector<16xi32>
        %add3A_266 = arith.addi %mul3A_261, %get3A_265 : vector<16xi32>
        %swap3A_267 = arith.index_cast %scan3A_222 : i32 to index
        %swap3A_268 = arith.constant 32 : index
        %swap3A_269 = tpu.vector_load %arg7[%swap3A_267, %swap3A_268] {strides = array<i32>} : memref<40x64xi32, #tpu.memory_space<vmem>>, vector<1x16xi32>,
        %swap3A_270 = vector.shape_cast %swap3A_269 : vector<1x16xi32> to vector<16xi32>
        %swap3A_271 = vector.shape_cast %add3A_266 : vector<16xi32> to vector<1x16xi32>
        tpu.vector_store %arg7[%swap3A_267, %swap3A_268], %swap3A_271 {strides = array<i32>} : memref<40x64xi32, #tpu.memory_space<vmem>>, vector<1x16xi32>,
        %get3A_272 = arith.index_cast %scan3A_222 : i32 to index
        %get3A_273 = arith.constant 48 : index
        %get3A_274 = tpu.vector_load %arg7[%get3A_272, %get3A_273] {strides = array<i32>} : memref<40x64xi32, #tpu.memory_space<vmem>>, vector<1x16xi32>,
        %get3A_275 = vector.shape_cast %get3A_274 : vector<1x16xi32> to vector<16xi32>
        %mul3A_276 = arith.constant 10000 : i32
        %mul3A_277 = vector.broadcast %mul3A_276 : i32 to vector<16xi32>
        %mul3A_278 = arith.muli %get3A_275, %mul3A_277 : vector<16xi32>
        %get3A_279 = arith.index_cast %scan3A_222 : i32 to index
        %get3A_280 = arith.constant 48 : index
        %get3A_281 = tpu.vector_load %arg8[%get3A_279, %get3A_280] {strides = array<i32>} : memref<40x64xi32, #tpu.memory_space<vmem>>, vector<1x16xi32>,
        %get3A_282 = vector.shape_cast %get3A_281 : vector<1x16xi32> to vector<16xi32>
        %add3A_283 = arith.addi %mul3A_278, %get3A_282 : vector<16xi32>
        %swap3A_284 = arith.index_cast %scan3A_222 : i32 to index
        %swap3A_285 = arith.constant 48 : index
        %swap3A_286 = tpu.vector_load %arg7[%swap3A_284, %swap3A_285] {strides = array<i32>} : memref<40x64xi32, #tpu.memory_space<vmem>>, vector<1x16xi32>,
        %swap3A_287 = vector.shape_cast %swap3A_286 : vector<1x16xi32> to vector<16xi32>
        %swap3A_288 = vector.shape_cast %add3A_283 : vector<16xi32> to vector<1x16xi32>
        tpu.vector_store %arg7[%swap3A_284, %swap3A_285], %swap3A_288 {strides = array<i32>} : memref<40x64xi32, #tpu.memory_space<vmem>>, vector<1x16xi32>,
      }
      %scan3A_53 = arith.constant 40 : i32
      "tpu.region"() ({
        %run_scoped3A = tpu.sem_alloc : memref<!tpu.dma_semaphore, #tpu.memory_space<semaphore_mem>>
        %dma_start3A_222 = arith.constant 0 : i32
        %dma_start3A_223 = arith.constant 0 : i32
        %dma_start3A_224 = tpu.memref_slice %arg8[%dma_start3A_222, %dma_start3A_223] : memref<40x64xi32, #tpu.memory_space<vmem>> -> memref<40x64xi32, #tpu.memory_space<vmem>>
        %dma_start3A_225 = arith.constant 0 : i32
        %dma_start3A_226 = tpu.memref_slice %arg5[%add3A_48, %dma_start3A_225] : memref<2560x64xi32, #tpu.memory_space<hbm>> -> memref<40x64xi32, #tpu.memory_space<hbm>>
        %dma_start3A_227 = arith.constant 0 : i32
        %dma_start3A_228 = arith.constant 0 : i32
        %dma_start3A_229 = tpu.memref_slice %arg8[%dma_start3A_227, %dma_start3A_228] : memref<40x64xi32, #tpu.memory_space<vmem>> -> memref<40x64xi32, #tpu.memory_space<vmem>>
        %dma_start3A_230 = arith.constant 0 : i32
        %dma_start3A_231 = tpu.memref_slice %arg5[%add3A_48, %dma_start3A_230] : memref<2560x64xi32, #tpu.memory_space<hbm>> -> memref<40x64xi32, #tpu.memory_space<hbm>>
        tpu.enqueue_dma source(%dma_start3A_231 : memref<40x64xi32, #tpu.memory_space<hbm>>) target(%dma_start3A_229 : memref<40x64xi32, #tpu.memory_space<vmem>>) target_semaphore(%run_scoped3A : memref<!tpu.dma_semaphore, #tpu.memory_space<semaphore_mem>>)
        %dma_wait3A = arith.constant 0 : i32
        %dma_wait3A_232 = arith.constant 0 : i32
        %dma_wait3A_233 = tpu.memref_slice %arg8[%dma_wait3A, %dma_wait3A_232] : memref<40x64xi32, #tpu.memory_space<vmem>> -> memref<40x64xi32, #tpu.memory_space<vmem>>
        %dma_wait3A_234 = arith.constant 0 : i32
        %dma_wait3A_235 = tpu.memref_slice %arg5[%add3A_48, %dma_wait3A_234] : memref<2560x64xi32, #tpu.memory_space<hbm>> -> memref<40x64xi32, #tpu.memory_space<hbm>>
        %dma_wait3A_236 = arith.constant 0 : i32
        %dma_wait3A_237 = arith.constant 0 : i32
        %dma_wait3A_238 = tpu.memref_slice %arg8[%dma_wait3A_236, %dma_wait3A_237] : memref<40x64xi32, #tpu.memory_space<vmem>> -> memref<40x64xi32, #tpu.memory_space<vmem>>
        %dma_wait3A_239 = arith.constant 0 : i32
        %dma_wait3A_240 = tpu.memref_slice %arg5[%add3A_48, %dma_wait3A_239] : memref<2560x64xi32, #tpu.memory_space<hbm>> -> memref<40x64xi32, #tpu.memory_space<hbm>>
        tpu.wait_dma2 semaphore(%run_scoped3A : memref<!tpu.dma_semaphore, #tpu.memory_space<semaphore_mem>>) src(%dma_wait3A_240 : memref<40x64xi32, #tpu.memory_space<hbm>>) dst(%dma_wait3A_238 : memref<40x64xi32, #tpu.memory_space<vmem>>)
        tpu.yield
      }) : () -> ()
      %dma_start3A = arith.constant 0 : i32
      %dma_start3A_54 = arith.constant 0 : i32
      %dma_start3A_55 = tpu.memref_slice %arg7[%dma_start3A, %dma_start3A_54] : memref<40x64xi32, #tpu.memory_space<vmem>> -> memref<1x64xi32, #tpu.memory_space<vmem>>
      %dma_start3A_56 = tpu.memref_squeeze %dma_start3A_55 : memref<1x64xi32, #tpu.memory_space<vmem>> -> memref<64xi32, #tpu.memory_space<vmem>>
      %dma_start3A_57 = arith.constant 0 : i32
      %dma_start3A_58 = arith.constant 0 : i32
      %dma_start3A_59 = tpu.memref_slice %arg2[%dma_start3A_57, %dma_start3A_58] : memref<80000x128xf32, #tpu.memory_space<hbm>> -> memref<80000x128xf32, #tpu.memory_space<hbm>>
      tpu.enqueue_indirect_dma source(%dma_start3A_59 : memref<80000x128xf32, #tpu.memory_space<hbm>>) target(%arg9 : memref<64x128xf32, #tpu.memory_space<vmem>>) offsets(%dma_start3A_56 : memref<64xi32, #tpu.memory_space<vmem>>) semaphore(%arg14 : memref<!tpu.dma_semaphore, #tpu.memory_space<semaphore_mem>>)
      %dma_start3A_60 = arith.constant 1 : i32
      %dma_start3A_61 = arith.constant 0 : i32
      %dma_start3A_62 = tpu.memref_slice %arg7[%dma_start3A_60, %dma_start3A_61] : memref<40x64xi32, #tpu.memory_space<vmem>> -> memref<1x64xi32, #tpu.memory_space<vmem>>
      %dma_start3A_63 = tpu.memref_squeeze %dma_start3A_62 : memref<1x64xi32, #tpu.memory_space<vmem>> -> memref<64xi32, #tpu.memory_space<vmem>>
      %dma_start3A_64 = arith.constant 0 : i32
      %dma_start3A_65 = arith.constant 0 : i32
      %dma_start3A_66 = tpu.memref_slice %arg2[%dma_start3A_64, %dma_start3A_65] : memref<80000x128xf32, #tpu.memory_space<hbm>> -> memref<80000x128xf32, #tpu.memory_space<hbm>>
      tpu.enqueue_indirect_dma source(%dma_start3A_66 : memref<80000x128xf32, #tpu.memory_space<hbm>>) target(%arg10 : memref<64x128xf32, #tpu.memory_space<vmem>>) offsets(%dma_start3A_63 : memref<64xi32, #tpu.memory_space<vmem>>) semaphore(%arg15 : memref<!tpu.dma_semaphore, #tpu.memory_space<semaphore_mem>>)
      %dma_start3A_67 = arith.constant 2 : i32
      %dma_start3A_68 = arith.constant 0 : i32
      %dma_start3A_69 = tpu.memref_slice %arg7[%dma_start3A_67, %dma_start3A_68] : memref<40x64xi32, #tpu.memory_space<vmem>> -> memref<1x64xi32, #tpu.memory_space<vmem>>
      %dma_start3A_70 = tpu.memref_squeeze %dma_start3A_69 : memref<1x64xi32, #tpu.memory_space<vmem>> -> memref<64xi32, #tpu.memory_space<vmem>>
      %dma_start3A_71 = arith.constant 0 : i32
      %dma_start3A_72 = arith.constant 0 : i32
      %dma_start3A_73 = tpu.memref_slice %arg2[%dma_start3A_71, %dma_start3A_72] : memref<80000x128xf32, #tpu.memory_space<hbm>> -> memref<80000x128xf32, #tpu.memory_space<hbm>>
      tpu.enqueue_indirect_dma source(%dma_start3A_73 : memref<80000x128xf32, #tpu.memory_space<hbm>>) target(%arg11 : memref<64x128xf32, #tpu.memory_space<vmem>>) offsets(%dma_start3A_70 : memref<64xi32, #tpu.memory_space<vmem>>) semaphore(%arg16 : memref<!tpu.dma_semaphore, #tpu.memory_space<semaphore_mem>>)
      %dma_start3A_74 = arith.constant 3 : i32
      %dma_start3A_75 = arith.constant 0 : i32
      %dma_start3A_76 = tpu.memref_slice %arg7[%dma_start3A_74, %dma_start3A_75] : memref<40x64xi32, #tpu.memory_space<vmem>> -> memref<1x64xi32, #tpu.memory_space<vmem>>
      %dma_start3A_77 = tpu.memref_squeeze %dma_start3A_76 : memref<1x64xi32, #tpu.memory_space<vmem>> -> memref<64xi32, #tpu.memory_space<vmem>>
      %dma_start3A_78 = arith.constant 0 : i32
      %dma_start3A_79 = arith.constant 0 : i32
      %dma_start3A_80 = tpu.memref_slice %arg2[%dma_start3A_78, %dma_start3A_79] : memref<80000x128xf32, #tpu.memory_space<hbm>> -> memref<80000x128xf32, #tpu.memory_space<hbm>>
      tpu.enqueue_indirect_dma source(%dma_start3A_80 : memref<80000x128xf32, #tpu.memory_space<hbm>>) target(%arg12 : memref<64x128xf32, #tpu.memory_space<vmem>>) offsets(%dma_start3A_77 : memref<64xi32, #tpu.memory_space<vmem>>) semaphore(%arg17 : memref<!tpu.dma_semaphore, #tpu.memory_space<semaphore_mem>>)
      %scan3A_81 = arith.constant 0 : i32
      %scan3A_82 = arith.constant 10 : i32
      %scan3A_83 = arith.addi %scan3A_81, %scan3A_82 : i32
      %scan3A_84 = arith.constant 1 : i32
      scf.for %scan3A_222 = %scan3A_81 to %scan3A_83 step %scan3A_84  : i32 {
        %mul3A_223 = arith.constant 4 : i32
        %mul3A_224 = arith.muli %scan3A_222, %mul3A_223 : i32
        %add3A_225 = arith.constant 0 : i32
        %add3A_226 = arith.addi %mul3A_224, %add3A_225 : i32
        %dma_wait3A = arith.constant 0 : i32
        %dma_wait3A_227 = arith.constant 0 : i32
        %dma_wait3A_228 = tpu.memref_slice %arg2[%dma_wait3A, %dma_wait3A_227] : memref<80000x128xf32, #tpu.memory_space<hbm>> -> memref<64x128xf32, #tpu.memory_space<hbm>>
        %dma_wait3A_229 = arith.constant 0 : i32
        %dma_wait3A_230 = arith.constant 0 : i32
        %dma_wait3A_231 = tpu.memref_slice %arg2[%dma_wait3A_229, %dma_wait3A_230] : memref<80000x128xf32, #tpu.memory_space<hbm>> -> memref<64x128xf32, #tpu.memory_space<hbm>>
        tpu.wait_dma2 semaphore(%arg14 : memref<!tpu.dma_semaphore, #tpu.memory_space<semaphore_mem>>) src(%dma_wait3A_231 : memref<64x128xf32, #tpu.memory_space<hbm>>) dst(%arg9 : memref<64x128xf32, #tpu.memory_space<vmem>>)
        "tpu.region"() ({
          %run_scoped3A = tpu.sem_alloc : memref<!tpu.dma_semaphore, #tpu.memory_space<semaphore_mem>>
          %dma_start3A_290 = arith.constant 0 : i32
          %dma_start3A_291 = tpu.memref_slice %arg8[%add3A_226, %dma_start3A_290] : memref<40x64xi32, #tpu.memory_space<vmem>> -> memref<1x64xi32, #tpu.memory_space<vmem>>
          %dma_start3A_292 = tpu.memref_squeeze %dma_start3A_291 : memref<1x64xi32, #tpu.memory_space<vmem>> -> memref<64xi32, #tpu.memory_space<vmem>>
          %dma_start3A_293 = arith.constant 0 : i32
          %dma_start3A_294 = arith.constant 0 : i32
          %dma_start3A_295 = tpu.memref_slice %arg13[%dma_start3A_293, %dma_start3A_294] : memref<10112x128xf32, #tpu.memory_space<vmem_shared>> -> memref<10112x128xf32, #tpu.memory_space<vmem_shared>>
          tpu.enqueue_indirect_dma source(%arg9 : memref<64x128xf32, #tpu.memory_space<vmem>>) target(%dma_start3A_295 : memref<10112x128xf32, #tpu.memory_space<vmem_shared>>) offsets(%dma_start3A_292 : memref<64xi32, #tpu.memory_space<vmem>>) semaphore(%run_scoped3A : memref<!tpu.dma_semaphore, #tpu.memory_space<semaphore_mem>>) {add = true}
          %dma_wait3A_296 = arith.constant 0 : i32
          %dma_wait3A_297 = tpu.memref_slice %arg8[%add3A_226, %dma_wait3A_296] : memref<40x64xi32, #tpu.memory_space<vmem>> -> memref<1x64xi32, #tpu.memory_space<vmem>>
          %dma_wait3A_298 = tpu.memref_squeeze %dma_wait3A_297 : memref<1x64xi32, #tpu.memory_space<vmem>> -> memref<64xi32, #tpu.memory_space<vmem>>
          %dma_wait3A_299 = arith.constant 0 : i32
          %dma_wait3A_300 = arith.constant 0 : i32
          %dma_wait3A_301 = tpu.memref_slice %arg13[%dma_wait3A_299, %dma_wait3A_300] : memref<10112x128xf32, #tpu.memory_space<vmem_shared>> -> memref<10112x128xf32, #tpu.memory_space<vmem_shared>>
          tpu.wait_indirect_dma semaphore(%run_scoped3A : memref<!tpu.dma_semaphore, #tpu.memory_space<semaphore_mem>>) src(%arg9 : memref<64x128xf32, #tpu.memory_space<vmem>>) dst(%dma_wait3A_301 : memref<10112x128xf32, #tpu.memory_space<vmem_shared>>)
          tpu.yield
        }) : () -> ()
        %add3A_232 = arith.constant 4 : i32
        %add3A_233 = arith.addi %add3A_226, %add3A_232 : i32
        %lt3A_234 = arith.constant 40 : i32
        %lt3A_235 = arith.cmpi slt, %add3A_233, %lt3A_234 : i32
        %convert_element_type3A_236 = arith.extui %lt3A_235 : i1 to i32
        %cond3A_237 = arith.constant 0 : i32
        %cond3A_238 = arith.cmpi ne, %convert_element_type3A_236, %cond3A_237 : i32
        scf.if %cond3A_238 {
          %add3A_290 = arith.constant 4 : i32
          %add3A_291 = arith.addi %add3A_226, %add3A_290 : i32
          %dma_start3A_292 = arith.constant 0 : i32
          %dma_start3A_293 = tpu.memref_slice %arg7[%add3A_291, %dma_start3A_292] : memref<40x64xi32, #tpu.memory_space<vmem>> -> memref<1x64xi32, #tpu.memory_space<vmem>>
          %dma_start3A_294 = tpu.memref_squeeze %dma_start3A_293 : memref<1x64xi32, #tpu.memory_space<vmem>> -> memref<64xi32, #tpu.memory_space<vmem>>
          %dma_start3A_295 = arith.constant 0 : i32
          %dma_start3A_296 = arith.constant 0 : i32
          %dma_start3A_297 = tpu.memref_slice %arg2[%dma_start3A_295, %dma_start3A_296] : memref<80000x128xf32, #tpu.memory_space<hbm>> -> memref<80000x128xf32, #tpu.memory_space<hbm>>
          tpu.enqueue_indirect_dma source(%dma_start3A_297 : memref<80000x128xf32, #tpu.memory_space<hbm>>) target(%arg9 : memref<64x128xf32, #tpu.memory_space<vmem>>) offsets(%dma_start3A_294 : memref<64xi32, #tpu.memory_space<vmem>>) semaphore(%arg14 : memref<!tpu.dma_semaphore, #tpu.memory_space<semaphore_mem>>)
        } else {
        }
        %mul3A_239 = arith.constant 4 : i32
        %mul3A_240 = arith.muli %scan3A_222, %mul3A_239 : i32
        %add3A_241 = arith.constant 1 : i32
        %add3A_242 = arith.addi %mul3A_240, %add3A_241 : i32
        %dma_wait3A_243 = arith.constant 0 : i32
        %dma_wait3A_244 = arith.constant 0 : i32
        %dma_wait3A_245 = tpu.memref_slice %arg2[%dma_wait3A_243, %dma_wait3A_244] : memref<80000x128xf32, #tpu.memory_space<hbm>> -> memref<64x128xf32, #tpu.memory_space<hbm>>
        %dma_wait3A_246 = arith.constant 0 : i32
        %dma_wait3A_247 = arith.constant 0 : i32
        %dma_wait3A_248 = tpu.memref_slice %arg2[%dma_wait3A_246, %dma_wait3A_247] : memref<80000x128xf32, #tpu.memory_space<hbm>> -> memref<64x128xf32, #tpu.memory_space<hbm>>
        tpu.wait_dma2 semaphore(%arg15 : memref<!tpu.dma_semaphore, #tpu.memory_space<semaphore_mem>>) src(%dma_wait3A_248 : memref<64x128xf32, #tpu.memory_space<hbm>>) dst(%arg10 : memref<64x128xf32, #tpu.memory_space<vmem>>)
        "tpu.region"() ({
          %run_scoped3A = tpu.sem_alloc : memref<!tpu.dma_semaphore, #tpu.memory_space<semaphore_mem>>
          %dma_start3A_290 = arith.constant 0 : i32
          %dma_start3A_291 = tpu.memref_slice %arg8[%add3A_242, %dma_start3A_290] : memref<40x64xi32, #tpu.memory_space<vmem>> -> memref<1x64xi32, #tpu.memory_space<vmem>>
          %dma_start3A_292 = tpu.memref_squeeze %dma_start3A_291 : memref<1x64xi32, #tpu.memory_space<vmem>> -> memref<64xi32, #tpu.memory_space<vmem>>
          %dma_start3A_293 = arith.constant 0 : i32
          %dma_start3A_294 = arith.constant 0 : i32
          %dma_start3A_295 = tpu.memref_slice %arg13[%dma_start3A_293, %dma_start3A_294] : memref<10112x128xf32, #tpu.memory_space<vmem_shared>> -> memref<10112x128xf32, #tpu.memory_space<vmem_shared>>
          tpu.enqueue_indirect_dma source(%arg10 : memref<64x128xf32, #tpu.memory_space<vmem>>) target(%dma_start3A_295 : memref<10112x128xf32, #tpu.memory_space<vmem_shared>>) offsets(%dma_start3A_292 : memref<64xi32, #tpu.memory_space<vmem>>) semaphore(%run_scoped3A : memref<!tpu.dma_semaphore, #tpu.memory_space<semaphore_mem>>) {add = true}
          %dma_wait3A_296 = arith.constant 0 : i32
          %dma_wait3A_297 = tpu.memref_slice %arg8[%add3A_242, %dma_wait3A_296] : memref<40x64xi32, #tpu.memory_space<vmem>> -> memref<1x64xi32, #tpu.memory_space<vmem>>
          %dma_wait3A_298 = tpu.memref_squeeze %dma_wait3A_297 : memref<1x64xi32, #tpu.memory_space<vmem>> -> memref<64xi32, #tpu.memory_space<vmem>>
          %dma_wait3A_299 = arith.constant 0 : i32
          %dma_wait3A_300 = arith.constant 0 : i32
          %dma_wait3A_301 = tpu.memref_slice %arg13[%dma_wait3A_299, %dma_wait3A_300] : memref<10112x128xf32, #tpu.memory_space<vmem_shared>> -> memref<10112x128xf32, #tpu.memory_space<vmem_shared>>
          tpu.wait_indirect_dma semaphore(%run_scoped3A : memref<!tpu.dma_semaphore, #tpu.memory_space<semaphore_mem>>) src(%arg10 : memref<64x128xf32, #tpu.memory_space<vmem>>) dst(%dma_wait3A_301 : memref<10112x128xf32, #tpu.memory_space<vmem_shared>>)
          tpu.yield
        }) : () -> ()
        %add3A_249 = arith.constant 4 : i32
        %add3A_250 = arith.addi %add3A_242, %add3A_249 : i32
        %lt3A_251 = arith.constant 40 : i32
        %lt3A_252 = arith.cmpi slt, %add3A_250, %lt3A_251 : i32
        %convert_element_type3A_253 = arith.extui %lt3A_252 : i1 to i32
        %cond3A_254 = arith.constant 0 : i32
        %cond3A_255 = arith.cmpi ne, %convert_element_type3A_253, %cond3A_254 : i32
        scf.if %cond3A_255 {
          %add3A_290 = arith.constant 4 : i32
          %add3A_291 = arith.addi %add3A_242, %add3A_290 : i32
          %dma_start3A_292 = arith.constant 0 : i32
          %dma_start3A_293 = tpu.memref_slice %arg7[%add3A_291, %dma_start3A_292] : memref<40x64xi32, #tpu.memory_space<vmem>> -> memref<1x64xi32, #tpu.memory_space<vmem>>
          %dma_start3A_294 = tpu.memref_squeeze %dma_start3A_293 : memref<1x64xi32, #tpu.memory_space<vmem>> -> memref<64xi32, #tpu.memory_space<vmem>>
          %dma_start3A_295 = arith.constant 0 : i32
          %dma_start3A_296 = arith.constant 0 : i32
          %dma_start3A_297 = tpu.memref_slice %arg2[%dma_start3A_295, %dma_start3A_296] : memref<80000x128xf32, #tpu.memory_space<hbm>> -> memref<80000x128xf32, #tpu.memory_space<hbm>>
          tpu.enqueue_indirect_dma source(%dma_start3A_297 : memref<80000x128xf32, #tpu.memory_space<hbm>>) target(%arg10 : memref<64x128xf32, #tpu.memory_space<vmem>>) offsets(%dma_start3A_294 : memref<64xi32, #tpu.memory_space<vmem>>) semaphore(%arg15 : memref<!tpu.dma_semaphore, #tpu.memory_space<semaphore_mem>>)
        } else {
        }
        %mul3A_256 = arith.constant 4 : i32
        %mul3A_257 = arith.muli %scan3A_222, %mul3A_256 : i32
        %add3A_258 = arith.constant 2 : i32
        %add3A_259 = arith.addi %mul3A_257, %add3A_258 : i32
        %dma_wait3A_260 = arith.constant 0 : i32
        %dma_wait3A_261 = arith.constant 0 : i32
        %dma_wait3A_262 = tpu.memref_slice %arg2[%dma_wait3A_260, %dma_wait3A_261] : memref<80000x128xf32, #tpu.memory_space<hbm>> -> memref<64x128xf32, #tpu.memory_space<hbm>>
        %dma_wait3A_263 = arith.constant 0 : i32
        %dma_wait3A_264 = arith.constant 0 : i32
        %dma_wait3A_265 = tpu.memref_slice %arg2[%dma_wait3A_263, %dma_wait3A_264] : memref<80000x128xf32, #tpu.memory_space<hbm>> -> memref<64x128xf32, #tpu.memory_space<hbm>>
        tpu.wait_dma2 semaphore(%arg16 : memref<!tpu.dma_semaphore, #tpu.memory_space<semaphore_mem>>) src(%dma_wait3A_265 : memref<64x128xf32, #tpu.memory_space<hbm>>) dst(%arg11 : memref<64x128xf32, #tpu.memory_space<vmem>>)
        "tpu.region"() ({
          %run_scoped3A = tpu.sem_alloc : memref<!tpu.dma_semaphore, #tpu.memory_space<semaphore_mem>>
          %dma_start3A_290 = arith.constant 0 : i32
          %dma_start3A_291 = tpu.memref_slice %arg8[%add3A_259, %dma_start3A_290] : memref<40x64xi32, #tpu.memory_space<vmem>> -> memref<1x64xi32, #tpu.memory_space<vmem>>
          %dma_start3A_292 = tpu.memref_squeeze %dma_start3A_291 : memref<1x64xi32, #tpu.memory_space<vmem>> -> memref<64xi32, #tpu.memory_space<vmem>>
          %dma_start3A_293 = arith.constant 0 : i32
          %dma_start3A_294 = arith.constant 0 : i32
          %dma_start3A_295 = tpu.memref_slice %arg13[%dma_start3A_293, %dma_start3A_294] : memref<10112x128xf32, #tpu.memory_space<vmem_shared>> -> memref<10112x128xf32, #tpu.memory_space<vmem_shared>>
          tpu.enqueue_indirect_dma source(%arg11 : memref<64x128xf32, #tpu.memory_space<vmem>>) target(%dma_start3A_295 : memref<10112x128xf32, #tpu.memory_space<vmem_shared>>) offsets(%dma_start3A_292 : memref<64xi32, #tpu.memory_space<vmem>>) semaphore(%run_scoped3A : memref<!tpu.dma_semaphore, #tpu.memory_space<semaphore_mem>>) {add = true}
          %dma_wait3A_296 = arith.constant 0 : i32
          %dma_wait3A_297 = tpu.memref_slice %arg8[%add3A_259, %dma_wait3A_296] : memref<40x64xi32, #tpu.memory_space<vmem>> -> memref<1x64xi32, #tpu.memory_space<vmem>>
          %dma_wait3A_298 = tpu.memref_squeeze %dma_wait3A_297 : memref<1x64xi32, #tpu.memory_space<vmem>> -> memref<64xi32, #tpu.memory_space<vmem>>
          %dma_wait3A_299 = arith.constant 0 : i32
          %dma_wait3A_300 = arith.constant 0 : i32
          %dma_wait3A_301 = tpu.memref_slice %arg13[%dma_wait3A_299, %dma_wait3A_300] : memref<10112x128xf32, #tpu.memory_space<vmem_shared>> -> memref<10112x128xf32, #tpu.memory_space<vmem_shared>>
          tpu.wait_indirect_dma semaphore(%run_scoped3A : memref<!tpu.dma_semaphore, #tpu.memory_space<semaphore_mem>>) src(%arg11 : memref<64x128xf32, #tpu.memory_space<vmem>>) dst(%dma_wait3A_301 : memref<10112x128xf32, #tpu.memory_space<vmem_shared>>)
          tpu.yield
        }) : () -> ()
        %add3A_266 = arith.constant 4 : i32
        %add3A_267 = arith.addi %add3A_259, %add3A_266 : i32
        %lt3A_268 = arith.constant 40 : i32
        %lt3A_269 = arith.cmpi slt, %add3A_267, %lt3A_268 : i32
        %convert_element_type3A_270 = arith.extui %lt3A_269 : i1 to i32
        %cond3A_271 = arith.constant 0 : i32
        %cond3A_272 = arith.cmpi ne, %convert_element_type3A_270, %cond3A_271 : i32
        scf.if %cond3A_272 {
          %add3A_290 = arith.constant 4 : i32
          %add3A_291 = arith.addi %add3A_259, %add3A_290 : i32
          %dma_start3A_292 = arith.constant 0 : i32
          %dma_start3A_293 = tpu.memref_slice %arg7[%add3A_291, %dma_start3A_292] : memref<40x64xi32, #tpu.memory_space<vmem>> -> memref<1x64xi32, #tpu.memory_space<vmem>>
          %dma_start3A_294 = tpu.memref_squeeze %dma_start3A_293 : memref<1x64xi32, #tpu.memory_space<vmem>> -> memref<64xi32, #tpu.memory_space<vmem>>
          %dma_start3A_295 = arith.constant 0 : i32
          %dma_start3A_296 = arith.constant 0 : i32
          %dma_start3A_297 = tpu.memref_slice %arg2[%dma_start3A_295, %dma_start3A_296] : memref<80000x128xf32, #tpu.memory_space<hbm>> -> memref<80000x128xf32, #tpu.memory_space<hbm>>
          tpu.enqueue_indirect_dma source(%dma_start3A_297 : memref<80000x128xf32, #tpu.memory_space<hbm>>) target(%arg11 : memref<64x128xf32, #tpu.memory_space<vmem>>) offsets(%dma_start3A_294 : memref<64xi32, #tpu.memory_space<vmem>>) semaphore(%arg16 : memref<!tpu.dma_semaphore, #tpu.memory_space<semaphore_mem>>)
        } else {
        }
        %mul3A_273 = arith.constant 4 : i32
        %mul3A_274 = arith.muli %scan3A_222, %mul3A_273 : i32
        %add3A_275 = arith.constant 3 : i32
        %add3A_276 = arith.addi %mul3A_274, %add3A_275 : i32
        %dma_wait3A_277 = arith.constant 0 : i32
        %dma_wait3A_278 = arith.constant 0 : i32
        %dma_wait3A_279 = tpu.memref_slice %arg2[%dma_wait3A_277, %dma_wait3A_278] : memref<80000x128xf32, #tpu.memory_space<hbm>> -> memref<64x128xf32, #tpu.memory_space<hbm>>
        %dma_wait3A_280 = arith.constant 0 : i32
        %dma_wait3A_281 = arith.constant 0 : i32
        %dma_wait3A_282 = tpu.memref_slice %arg2[%dma_wait3A_280, %dma_wait3A_281] : memref<80000x128xf32, #tpu.memory_space<hbm>> -> memref<64x128xf32, #tpu.memory_space<hbm>>
        tpu.wait_dma2 semaphore(%arg17 : memref<!tpu.dma_semaphore, #tpu.memory_space<semaphore_mem>>) src(%dma_wait3A_282 : memref<64x128xf32, #tpu.memory_space<hbm>>) dst(%arg12 : memref<64x128xf32, #tpu.memory_space<vmem>>)
        "tpu.region"() ({
          %run_scoped3A = tpu.sem_alloc : memref<!tpu.dma_semaphore, #tpu.memory_space<semaphore_mem>>
          %dma_start3A_290 = arith.constant 0 : i32
          %dma_start3A_291 = tpu.memref_slice %arg8[%add3A_276, %dma_start3A_290] : memref<40x64xi32, #tpu.memory_space<vmem>> -> memref<1x64xi32, #tpu.memory_space<vmem>>
          %dma_start3A_292 = tpu.memref_squeeze %dma_start3A_291 : memref<1x64xi32, #tpu.memory_space<vmem>> -> memref<64xi32, #tpu.memory_space<vmem>>
          %dma_start3A_293 = arith.constant 0 : i32
          %dma_start3A_294 = arith.constant 0 : i32
          %dma_start3A_295 = tpu.memref_slice %arg13[%dma_start3A_293, %dma_start3A_294] : memref<10112x128xf32, #tpu.memory_space<vmem_shared>> -> memref<10112x128xf32, #tpu.memory_space<vmem_shared>>
          tpu.enqueue_indirect_dma source(%arg12 : memref<64x128xf32, #tpu.memory_space<vmem>>) target(%dma_start3A_295 : memref<10112x128xf32, #tpu.memory_space<vmem_shared>>) offsets(%dma_start3A_292 : memref<64xi32, #tpu.memory_space<vmem>>) semaphore(%run_scoped3A : memref<!tpu.dma_semaphore, #tpu.memory_space<semaphore_mem>>) {add = true}
          %dma_wait3A_296 = arith.constant 0 : i32
          %dma_wait3A_297 = tpu.memref_slice %arg8[%add3A_276, %dma_wait3A_296] : memref<40x64xi32, #tpu.memory_space<vmem>> -> memref<1x64xi32, #tpu.memory_space<vmem>>
          %dma_wait3A_298 = tpu.memref_squeeze %dma_wait3A_297 : memref<1x64xi32, #tpu.memory_space<vmem>> -> memref<64xi32, #tpu.memory_space<vmem>>
          %dma_wait3A_299 = arith.constant 0 : i32
          %dma_wait3A_300 = arith.constant 0 : i32
          %dma_wait3A_301 = tpu.memref_slice %arg13[%dma_wait3A_299, %dma_wait3A_300] : memref<10112x128xf32, #tpu.memory_space<vmem_shared>> -> memref<10112x128xf32, #tpu.memory_space<vmem_shared>>
          tpu.wait_indirect_dma semaphore(%run_scoped3A : memref<!tpu.dma_semaphore, #tpu.memory_space<semaphore_mem>>) src(%arg12 : memref<64x128xf32, #tpu.memory_space<vmem>>) dst(%dma_wait3A_301 : memref<10112x128xf32, #tpu.memory_space<vmem_shared>>)
          tpu.yield
        }) : () -> ()
        %add3A_283 = arith.constant 4 : i32
        %add3A_284 = arith.addi %add3A_276, %add3A_283 : i32
        %lt3A_285 = arith.constant 40 : i32
        %lt3A_286 = arith.cmpi slt, %add3A_284, %lt3A_285 : i32
        %convert_element_type3A_287 = arith.extui %lt3A_286 : i1 to i32
        %cond3A_288 = arith.constant 0 : i32
        %cond3A_289 = arith.cmpi ne, %convert_element_type3A_287, %cond3A_288 : i32
        scf.if %cond3A_289 {
          %add3A_290 = arith.constant 4 : i32
          %add3A_291 = arith.addi %add3A_276, %add3A_290 : i32
          %dma_start3A_292 = arith.constant 0 : i32
          %dma_start3A_293 = tpu.memref_slice %arg7[%add3A_291, %dma_start3A_292] : memref<40x64xi32, #tpu.memory_space<vmem>> -> memref<1x64xi32, #tpu.memory_space<vmem>>
          %dma_start3A_294 = tpu.memref_squeeze %dma_start3A_293 : memref<1x64xi32, #tpu.memory_space<vmem>> -> memref<64xi32, #tpu.memory_space<vmem>>
          %dma_start3A_295 = arith.constant 0 : i32
          %dma_start3A_296 = arith.constant 0 : i32
          %dma_start3A_297 = tpu.memref_slice %arg2[%dma_start3A_295, %dma_start3A_296] : memref<80000x128xf32, #tpu.memory_space<hbm>> -> memref<80000x128xf32, #tpu.memory_space<hbm>>
          tpu.enqueue_indirect_dma source(%dma_start3A_297 : memref<80000x128xf32, #tpu.memory_space<hbm>>) target(%arg12 : memref<64x128xf32, #tpu.memory_space<vmem>>) offsets(%dma_start3A_294 : memref<64xi32, #tpu.memory_space<vmem>>) semaphore(%arg17 : memref<!tpu.dma_semaphore, #tpu.memory_space<semaphore_mem>>)
        } else {
        }
      }
      %scan3A_85 = arith.constant 10 : i32
      %mul3A_86 = arith.constant 160 : i32
      %mul3A_87 = arith.muli %arg1, %mul3A_86 : i32
      %add3A_88 = arith.constant 40 : i32
      %add3A_89 = arith.addi %mul3A_87, %add3A_88 : i32
      "tpu.region"() ({
        %run_scoped3A = tpu.sem_alloc : memref<!tpu.dma_semaphore, #tpu.memory_space<semaphore_mem>>
        %dma_start3A_222 = arith.constant 0 : i32
        %dma_start3A_223 = arith.constant 0 : i32
        %dma_start3A_224 = tpu.memref_slice %arg7[%dma_start3A_222, %dma_start3A_223] : memref<40x64xi32, #tpu.memory_space<vmem>> -> memref<40x64xi32, #tpu.memory_space<vmem>>
        %dma_start3A_225 = arith.constant 0 : i32
        %dma_start3A_226 = tpu.memref_slice %arg4[%add3A_89, %dma_start3A_225] : memref<2560x64xi32, #tpu.memory_space<hbm>> -> memref<40x64xi32, #tpu.memory_space<hbm>>
        %dma_start3A_227 = arith.constant 0 : i32
        %dma_start3A_228 = arith.constant 0 : i32
        %dma_start3A_229 = tpu.memref_slice %arg7[%dma_start3A_227, %dma_start3A_228] : memref<40x64xi32, #tpu.memory_space<vmem>> -> memref<40x64xi32, #tpu.memory_space<vmem>>
        %dma_start3A_230 = arith.constant 0 : i32
        %dma_start3A_231 = tpu.memref_slice %arg4[%add3A_89, %dma_start3A_230] : memref<2560x64xi32, #tpu.memory_space<hbm>> -> memref<40x64xi32, #tpu.memory_space<hbm>>
        tpu.enqueue_dma source(%dma_start3A_231 : memref<40x64xi32, #tpu.memory_space<hbm>>) target(%dma_start3A_229 : memref<40x64xi32, #tpu.memory_space<vmem>>) target_semaphore(%run_scoped3A : memref<!tpu.dma_semaphore, #tpu.memory_space<semaphore_mem>>)
        %dma_wait3A = arith.constant 0 : i32
        %dma_wait3A_232 = arith.constant 0 : i32
        %dma_wait3A_233 = tpu.memref_slice %arg7[%dma_wait3A, %dma_wait3A_232] : memref<40x64xi32, #tpu.memory_space<vmem>> -> memref<40x64xi32, #tpu.memory_space<vmem>>
        %dma_wait3A_234 = arith.constant 0 : i32
        %dma_wait3A_235 = tpu.memref_slice %arg4[%add3A_89, %dma_wait3A_234] : memref<2560x64xi32, #tpu.memory_space<hbm>> -> memref<40x64xi32, #tpu.memory_space<hbm>>
        %dma_wait3A_236 = arith.constant 0 : i32
        %dma_wait3A_237 = arith.constant 0 : i32
        %dma_wait3A_238 = tpu.memref_slice %arg7[%dma_wait3A_236, %dma_wait3A_237] : memref<40x64xi32, #tpu.memory_space<vmem>> -> memref<40x64xi32, #tpu.memory_space<vmem>>
        %dma_wait3A_239 = arith.constant 0 : i32
        %dma_wait3A_240 = tpu.memref_slice %arg4[%add3A_89, %dma_wait3A_239] : memref<2560x64xi32, #tpu.memory_space<hbm>> -> memref<40x64xi32, #tpu.memory_space<hbm>>
        tpu.wait_dma2 semaphore(%run_scoped3A : memref<!tpu.dma_semaphore, #tpu.memory_space<semaphore_mem>>) src(%dma_wait3A_240 : memref<40x64xi32, #tpu.memory_space<hbm>>) dst(%dma_wait3A_238 : memref<40x64xi32, #tpu.memory_space<vmem>>)
        tpu.yield
      }) : () -> ()
      "tpu.region"() ({
        %run_scoped3A = tpu.sem_alloc : memref<!tpu.dma_semaphore, #tpu.memory_space<semaphore_mem>>
        %dma_start3A_222 = arith.constant 0 : i32
        %dma_start3A_223 = arith.constant 0 : i32
        %dma_start3A_224 = tpu.memref_slice %arg8[%dma_start3A_222, %dma_start3A_223] : memref<40x64xi32, #tpu.memory_space<vmem>> -> memref<40x64xi32, #tpu.memory_space<vmem>>
        %dma_start3A_225 = arith.constant 0 : i32
        %dma_start3A_226 = tpu.memref_slice %arg3[%add3A_89, %dma_start3A_225] : memref<2560x64xi32, #tpu.memory_space<hbm>> -> memref<40x64xi32, #tpu.memory_space<hbm>>
        %dma_start3A_227 = arith.constant 0 : i32
        %dma_start3A_228 = arith.constant 0 : i32
        %dma_start3A_229 = tpu.memref_slice %arg8[%dma_start3A_227, %dma_start3A_228] : memref<40x64xi32, #tpu.memory_space<vmem>> -> memref<40x64xi32, #tpu.memory_space<vmem>>
        %dma_start3A_230 = arith.constant 0 : i32
        %dma_start3A_231 = tpu.memref_slice %arg3[%add3A_89, %dma_start3A_230] : memref<2560x64xi32, #tpu.memory_space<hbm>> -> memref<40x64xi32, #tpu.memory_space<hbm>>
        tpu.enqueue_dma source(%dma_start3A_231 : memref<40x64xi32, #tpu.memory_space<hbm>>) target(%dma_start3A_229 : memref<40x64xi32, #tpu.memory_space<vmem>>) target_semaphore(%run_scoped3A : memref<!tpu.dma_semaphore, #tpu.memory_space<semaphore_mem>>)
        %dma_wait3A = arith.constant 0 : i32
        %dma_wait3A_232 = arith.constant 0 : i32
        %dma_wait3A_233 = tpu.memref_slice %arg8[%dma_wait3A, %dma_wait3A_232] : memref<40x64xi32, #tpu.memory_space<vmem>> -> memref<40x64xi32, #tpu.memory_space<vmem>>
        %dma_wait3A_234 = arith.constant 0 : i32
        %dma_wait3A_235 = tpu.memref_slice %arg3[%add3A_89, %dma_wait3A_234] : memref<2560x64xi32, #tpu.memory_space<hbm>> -> memref<40x64xi32, #tpu.memory_space<hbm>>
        %dma_wait3A_236 = arith.constant 0 : i32
        %dma_wait3A_237 = arith.constant 0 : i32
        %dma_wait3A_238 = tpu.memref_slice %arg8[%dma_wait3A_236, %dma_wait3A_237] : memref<40x64xi32, #tpu.memory_space<vmem>> -> memref<40x64xi32, #tpu.memory_space<vmem>>
        %dma_wait3A_239 = arith.constant 0 : i32
        %dma_wait3A_240 = tpu.memref_slice %arg3[%add3A_89, %dma_wait3A_239] : memref<2560x64xi32, #tpu.memory_space<hbm>> -> memref<40x64xi32, #tpu.memory_space<hbm>>
        tpu.wait_dma2 semaphore(%run_scoped3A : memref<!tpu.dma_semaphore, #tpu.memory_space<semaphore_mem>>) src(%dma_wait3A_240 : memref<40x64xi32, #tpu.memory_space<hbm>>) dst(%dma_wait3A_238 : memref<40x64xi32, #tpu.memory_space<vmem>>)
        tpu.yield
      }) : () -> ()
      %scan3A_90 = arith.constant 0 : i32
      %scan3A_91 = arith.constant 40 : i32
      %scan3A_92 = arith.addi %scan3A_90, %scan3A_91 : i32
      %scan3A_93 = arith.constant 1 : i32
      scf.for %scan3A_222 = %scan3A_90 to %scan3A_92 step %scan3A_93  : i32 {
        %get3A = arith.index_cast %scan3A_222 : i32 to index
        %get3A_223 = arith.constant 0 : index
        %get3A_224 = tpu.vector_load %arg7[%get3A, %get3A_223] {strides = array<i32>} : memref<40x64xi32, #tpu.memory_space<vmem>>, vector<1x16xi32>,
        %get3A_225 = vector.shape_cast %get3A_224 : vector<1x16xi32> to vector<16xi32>
        %mul3A_226 = arith.constant 10000 : i32
        %mul3A_227 = vector.broadcast %mul3A_226 : i32 to vector<16xi32>
        %mul3A_228 = arith.muli %get3A_225, %mul3A_227 : vector<16xi32>
        %get3A_229 = arith.index_cast %scan3A_222 : i32 to index
        %get3A_230 = arith.constant 0 : index
        %get3A_231 = tpu.vector_load %arg8[%get3A_229, %get3A_230] {strides = array<i32>} : memref<40x64xi32, #tpu.memory_space<vmem>>, vector<1x16xi32>,
        %get3A_232 = vector.shape_cast %get3A_231 : vector<1x16xi32> to vector<16xi32>
        %add3A_233 = arith.addi %mul3A_228, %get3A_232 : vector<16xi32>
        %swap3A = arith.index_cast %scan3A_222 : i32 to index
        %swap3A_234 = arith.constant 0 : index
        %swap3A_235 = tpu.vector_load %arg7[%swap3A, %swap3A_234] {strides = array<i32>} : memref<40x64xi32, #tpu.memory_space<vmem>>, vector<1x16xi32>,
        %swap3A_236 = vector.shape_cast %swap3A_235 : vector<1x16xi32> to vector<16xi32>
        %swap3A_237 = vector.shape_cast %add3A_233 : vector<16xi32> to vector<1x16xi32>
        tpu.vector_store %arg7[%swap3A, %swap3A_234], %swap3A_237 {strides = array<i32>} : memref<40x64xi32, #tpu.memory_space<vmem>>, vector<1x16xi32>,
        %get3A_238 = arith.index_cast %scan3A_222 : i32 to index
        %get3A_239 = arith.constant 16 : index
        %get3A_240 = tpu.vector_load %arg7[%get3A_238, %get3A_239] {strides = array<i32>} : memref<40x64xi32, #tpu.memory_space<vmem>>, vector<1x16xi32>,
        %get3A_241 = vector.shape_cast %get3A_240 : vector<1x16xi32> to vector<16xi32>
        %mul3A_242 = arith.constant 10000 : i32
        %mul3A_243 = vector.broadcast %mul3A_242 : i32 to vector<16xi32>
        %mul3A_244 = arith.muli %get3A_241, %mul3A_243 : vector<16xi32>
        %get3A_245 = arith.index_cast %scan3A_222 : i32 to index
        %get3A_246 = arith.constant 16 : index
        %get3A_247 = tpu.vector_load %arg8[%get3A_245, %get3A_246] {strides = array<i32>} : memref<40x64xi32, #tpu.memory_space<vmem>>, vector<1x16xi32>,
        %get3A_248 = vector.shape_cast %get3A_247 : vector<1x16xi32> to vector<16xi32>
        %add3A_249 = arith.addi %mul3A_244, %get3A_248 : vector<16xi32>
        %swap3A_250 = arith.index_cast %scan3A_222 : i32 to index
        %swap3A_251 = arith.constant 16 : index
        %swap3A_252 = tpu.vector_load %arg7[%swap3A_250, %swap3A_251] {strides = array<i32>} : memref<40x64xi32, #tpu.memory_space<vmem>>, vector<1x16xi32>,
        %swap3A_253 = vector.shape_cast %swap3A_252 : vector<1x16xi32> to vector<16xi32>
        %swap3A_254 = vector.shape_cast %add3A_249 : vector<16xi32> to vector<1x16xi32>
        tpu.vector_store %arg7[%swap3A_250, %swap3A_251], %swap3A_254 {strides = array<i32>} : memref<40x64xi32, #tpu.memory_space<vmem>>, vector<1x16xi32>,
        %get3A_255 = arith.index_cast %scan3A_222 : i32 to index
        %get3A_256 = arith.constant 32 : index
        %get3A_257 = tpu.vector_load %arg7[%get3A_255, %get3A_256] {strides = array<i32>} : memref<40x64xi32, #tpu.memory_space<vmem>>, vector<1x16xi32>,
        %get3A_258 = vector.shape_cast %get3A_257 : vector<1x16xi32> to vector<16xi32>
        %mul3A_259 = arith.constant 10000 : i32
        %mul3A_260 = vector.broadcast %mul3A_259 : i32 to vector<16xi32>
        %mul3A_261 = arith.muli %get3A_258, %mul3A_260 : vector<16xi32>
        %get3A_262 = arith.index_cast %scan3A_222 : i32 to index
        %get3A_263 = arith.constant 32 : index
        %get3A_264 = tpu.vector_load %arg8[%get3A_262, %get3A_263] {strides = array<i32>} : memref<40x64xi32, #tpu.memory_space<vmem>>, vector<1x16xi32>,
        %get3A_265 = vector.shape_cast %get3A_264 : vector<1x16xi32> to vector<16xi32>
        %add3A_266 = arith.addi %mul3A_261, %get3A_265 : vector<16xi32>
        %swap3A_267 = arith.index_cast %scan3A_222 : i32 to index
        %swap3A_268 = arith.constant 32 : index
        %swap3A_269 = tpu.vector_load %arg7[%swap3A_267, %swap3A_268] {strides = array<i32>} : memref<40x64xi32, #tpu.memory_space<vmem>>, vector<1x16xi32>,
        %swap3A_270 = vector.shape_cast %swap3A_269 : vector<1x16xi32> to vector<16xi32>
        %swap3A_271 = vector.shape_cast %add3A_266 : vector<16xi32> to vector<1x16xi32>
        tpu.vector_store %arg7[%swap3A_267, %swap3A_268], %swap3A_271 {strides = array<i32>} : memref<40x64xi32, #tpu.memory_space<vmem>>, vector<1x16xi32>,
        %get3A_272 = arith.index_cast %scan3A_222 : i32 to index
        %get3A_273 = arith.constant 48 : index
        %get3A_274 = tpu.vector_load %arg7[%get3A_272, %get3A_273] {strides = array<i32>} : memref<40x64xi32, #tpu.memory_space<vmem>>, vector<1x16xi32>,
        %get3A_275 = vector.shape_cast %get3A_274 : vector<1x16xi32> to vector<16xi32>
        %mul3A_276 = arith.constant 10000 : i32
        %mul3A_277 = vector.broadcast %mul3A_276 : i32 to vector<16xi32>
        %mul3A_278 = arith.muli %get3A_275, %mul3A_277 : vector<16xi32>
        %get3A_279 = arith.index_cast %scan3A_222 : i32 to index
        %get3A_280 = arith.constant 48 : index
        %get3A_281 = tpu.vector_load %arg8[%get3A_279, %get3A_280] {strides = array<i32>} : memref<40x64xi32, #tpu.memory_space<vmem>>, vector<1x16xi32>,
        %get3A_282 = vector.shape_cast %get3A_281 : vector<1x16xi32> to vector<16xi32>
        %add3A_283 = arith.addi %mul3A_278, %get3A_282 : vector<16xi32>
        %swap3A_284 = arith.index_cast %scan3A_222 : i32 to index
        %swap3A_285 = arith.constant 48 : index
        %swap3A_286 = tpu.vector_load %arg7[%swap3A_284, %swap3A_285] {strides = array<i32>} : memref<40x64xi32, #tpu.memory_space<vmem>>, vector<1x16xi32>,
        %swap3A_287 = vector.shape_cast %swap3A_286 : vector<1x16xi32> to vector<16xi32>
        %swap3A_288 = vector.shape_cast %add3A_283 : vector<16xi32> to vector<1x16xi32>
        tpu.vector_store %arg7[%swap3A_284, %swap3A_285], %swap3A_288 {strides = array<i32>} : memref<40x64xi32, #tpu.memory_space<vmem>>, vector<1x16xi32>,
      }
      %scan3A_94 = arith.constant 40 : i32
      "tpu.region"() ({
        %run_scoped3A = tpu.sem_alloc : memref<!tpu.dma_semaphore, #tpu.memory_space<semaphore_mem>>
        %dma_start3A_222 = arith.constant 0 : i32
        %dma_start3A_223 = arith.constant 0 : i32
        %dma_start3A_224 = tpu.memref_slice %arg8[%dma_start3A_222, %dma_start3A_223] : memref<40x64xi32, #tpu.memory_space<vmem>> -> memref<40x64xi32, #tpu.memory_space<vmem>>
        %dma_start3A_225 = arith.constant 0 : i32
        %dma_start3A_226 = tpu.memref_slice %arg5[%add3A_89, %dma_start3A_225] : memref<2560x64xi32, #tpu.memory_space<hbm>> -> memref<40x64xi32, #tpu.memory_space<hbm>>
        %dma_start3A_227 = arith.constant 0 : i32
        %dma_start3A_228 = arith.constant 0 : i32
        %dma_start3A_229 = tpu.memref_slice %arg8[%dma_start3A_227, %dma_start3A_228] : memref<40x64xi32, #tpu.memory_space<vmem>> -> memref<40x64xi32, #tpu.memory_space<vmem>>
        %dma_start3A_230 = arith.constant 0 : i32
        %dma_start3A_231 = tpu.memref_slice %arg5[%add3A_89, %dma_start3A_230] : memref<2560x64xi32, #tpu.memory_space<hbm>> -> memref<40x64xi32, #tpu.memory_space<hbm>>
        tpu.enqueue_dma source(%dma_start3A_231 : memref<40x64xi32, #tpu.memory_space<hbm>>) target(%dma_start3A_229 : memref<40x64xi32, #tpu.memory_space<vmem>>) target_semaphore(%run_scoped3A : memref<!tpu.dma_semaphore, #tpu.memory_space<semaphore_mem>>)
        %dma_wait3A = arith.constant 0 : i32
        %dma_wait3A_232 = arith.constant 0 : i32
        %dma_wait3A_233 = tpu.memref_slice %arg8[%dma_wait3A, %dma_wait3A_232] : memref<40x64xi32, #tpu.memory_space<vmem>> -> memref<40x64xi32, #tpu.memory_space<vmem>>
        %dma_wait3A_234 = arith.constant 0 : i32
        %dma_wait3A_235 = tpu.memref_slice %arg5[%add3A_89, %dma_wait3A_234] : memref<2560x64xi32, #tpu.memory_space<hbm>> -> memref<40x64xi32, #tpu.memory_space<hbm>>
        %dma_wait3A_236 = arith.constant 0 : i32
        %dma_wait3A_237 = arith.constant 0 : i32
        %dma_wait3A_238 = tpu.memref_slice %arg8[%dma_wait3A_236, %dma_wait3A_237] : memref<40x64xi32, #tpu.memory_space<vmem>> -> memref<40x64xi32, #tpu.memory_space<vmem>>
        %dma_wait3A_239 = arith.constant 0 : i32
        %dma_wait3A_240 = tpu.memref_slice %arg5[%add3A_89, %dma_wait3A_239] : memref<2560x64xi32, #tpu.memory_space<hbm>> -> memref<40x64xi32, #tpu.memory_space<hbm>>
        tpu.wait_dma2 semaphore(%run_scoped3A : memref<!tpu.dma_semaphore, #tpu.memory_space<semaphore_mem>>) src(%dma_wait3A_240 : memref<40x64xi32, #tpu.memory_space<hbm>>) dst(%dma_wait3A_238 : memref<40x64xi32, #tpu.memory_space<vmem>>)
        tpu.yield
      }) : () -> ()
      %dma_start3A_95 = arith.constant 0 : i32
      %dma_start3A_96 = arith.constant 0 : i32
      %dma_start3A_97 = tpu.memref_slice %arg7[%dma_start3A_95, %dma_start3A_96] : memref<40x64xi32, #tpu.memory_space<vmem>> -> memref<1x64xi32, #tpu.memory_space<vmem>>
      %dma_start3A_98 = tpu.memref_squeeze %dma_start3A_97 : memref<1x64xi32, #tpu.memory_space<vmem>> -> memref<64xi32, #tpu.memory_space<vmem>>
      %dma_start3A_99 = arith.constant 0 : i32
      %dma_start3A_100 = arith.constant 0 : i32
      %dma_start3A_101 = tpu.memref_slice %arg2[%dma_start3A_99, %dma_start3A_100] : memref<80000x128xf32, #tpu.memory_space<hbm>> -> memref<80000x128xf32, #tpu.memory_space<hbm>>
      tpu.enqueue_indirect_dma source(%dma_start3A_101 : memref<80000x128xf32, #tpu.memory_space<hbm>>) target(%arg9 : memref<64x128xf32, #tpu.memory_space<vmem>>) offsets(%dma_start3A_98 : memref<64xi32, #tpu.memory_space<vmem>>) semaphore(%arg14 : memref<!tpu.dma_semaphore, #tpu.memory_space<semaphore_mem>>)
      %dma_start3A_102 = arith.constant 1 : i32
      %dma_start3A_103 = arith.constant 0 : i32
      %dma_start3A_104 = tpu.memref_slice %arg7[%dma_start3A_102, %dma_start3A_103] : memref<40x64xi32, #tpu.memory_space<vmem>> -> memref<1x64xi32, #tpu.memory_space<vmem>>
      %dma_start3A_105 = tpu.memref_squeeze %dma_start3A_104 : memref<1x64xi32, #tpu.memory_space<vmem>> -> memref<64xi32, #tpu.memory_space<vmem>>
      %dma_start3A_106 = arith.constant 0 : i32
      %dma_start3A_107 = arith.constant 0 : i32
      %dma_start3A_108 = tpu.memref_slice %arg2[%dma_start3A_106, %dma_start3A_107] : memref<80000x128xf32, #tpu.memory_space<hbm>> -> memref<80000x128xf32, #tpu.memory_space<hbm>>
      tpu.enqueue_indirect_dma source(%dma_start3A_108 : memref<80000x128xf32, #tpu.memory_space<hbm>>) target(%arg10 : memref<64x128xf32, #tpu.memory_space<vmem>>) offsets(%dma_start3A_105 : memref<64xi32, #tpu.memory_space<vmem>>) semaphore(%arg15 : memref<!tpu.dma_semaphore, #tpu.memory_space<semaphore_mem>>)
      %dma_start3A_109 = arith.constant 2 : i32
      %dma_start3A_110 = arith.constant 0 : i32
      %dma_start3A_111 = tpu.memref_slice %arg7[%dma_start3A_109, %dma_start3A_110] : memref<40x64xi32, #tpu.memory_space<vmem>> -> memref<1x64xi32, #tpu.memory_space<vmem>>
      %dma_start3A_112 = tpu.memref_squeeze %dma_start3A_111 : memref<1x64xi32, #tpu.memory_space<vmem>> -> memref<64xi32, #tpu.memory_space<vmem>>
      %dma_start3A_113 = arith.constant 0 : i32
      %dma_start3A_114 = arith.constant 0 : i32
      %dma_start3A_115 = tpu.memref_slice %arg2[%dma_start3A_113, %dma_start3A_114] : memref<80000x128xf32, #tpu.memory_space<hbm>> -> memref<80000x128xf32, #tpu.memory_space<hbm>>
      tpu.enqueue_indirect_dma source(%dma_start3A_115 : memref<80000x128xf32, #tpu.memory_space<hbm>>) target(%arg11 : memref<64x128xf32, #tpu.memory_space<vmem>>) offsets(%dma_start3A_112 : memref<64xi32, #tpu.memory_space<vmem>>) semaphore(%arg16 : memref<!tpu.dma_semaphore, #tpu.memory_space<semaphore_mem>>)
      %dma_start3A_116 = arith.constant 3 : i32
      %dma_start3A_117 = arith.constant 0 : i32
      %dma_start3A_118 = tpu.memref_slice %arg7[%dma_start3A_116, %dma_start3A_117] : memref<40x64xi32, #tpu.memory_space<vmem>> -> memref<1x64xi32, #tpu.memory_space<vmem>>
      %dma_start3A_119 = tpu.memref_squeeze %dma_start3A_118 : memref<1x64xi32, #tpu.memory_space<vmem>> -> memref<64xi32, #tpu.memory_space<vmem>>
      %dma_start3A_120 = arith.constant 0 : i32
      %dma_start3A_121 = arith.constant 0 : i32
      %dma_start3A_122 = tpu.memref_slice %arg2[%dma_start3A_120, %dma_start3A_121] : memref<80000x128xf32, #tpu.memory_space<hbm>> -> memref<80000x128xf32, #tpu.memory_space<hbm>>
      tpu.enqueue_indirect_dma source(%dma_start3A_122 : memref<80000x128xf32, #tpu.memory_space<hbm>>) target(%arg12 : memref<64x128xf32, #tpu.memory_space<vmem>>) offsets(%dma_start3A_119 : memref<64xi32, #tpu.memory_space<vmem>>) semaphore(%arg17 : memref<!tpu.dma_semaphore, #tpu.memory_space<semaphore_mem>>)
      %scan3A_123 = arith.constant 0 : i32
      %scan3A_124 = arith.constant 10 : i32
      %scan3A_125 = arith.addi %scan3A_123, %scan3A_124 : i32
      %scan3A_126 = arith.constant 1 : i32
      scf.for %scan3A_222 = %scan3A_123 to %scan3A_125 step %scan3A_126  : i32 {
        %mul3A_223 = arith.constant 4 : i32
        %mul3A_224 = arith.muli %scan3A_222, %mul3A_223 : i32
        %add3A_225 = arith.constant 0 : i32
        %add3A_226 = arith.addi %mul3A_224, %add3A_225 : i32
        %dma_wait3A = arith.constant 0 : i32
        %dma_wait3A_227 = arith.constant 0 : i32
        %dma_wait3A_228 = tpu.memref_slice %arg2[%dma_wait3A, %dma_wait3A_227] : memref<80000x128xf32, #tpu.memory_space<hbm>> -> memref<64x128xf32, #tpu.memory_space<hbm>>
        %dma_wait3A_229 = arith.constant 0 : i32
        %dma_wait3A_230 = arith.constant 0 : i32
        %dma_wait3A_231 = tpu.memref_slice %arg2[%dma_wait3A_229, %dma_wait3A_230] : memref<80000x128xf32, #tpu.memory_space<hbm>> -> memref<64x128xf32, #tpu.memory_space<hbm>>
        tpu.wait_dma2 semaphore(%arg14 : memref<!tpu.dma_semaphore, #tpu.memory_space<semaphore_mem>>) src(%dma_wait3A_231 : memref<64x128xf32, #tpu.memory_space<hbm>>) dst(%arg9 : memref<64x128xf32, #tpu.memory_space<vmem>>)
        "tpu.region"() ({
          %run_scoped3A = tpu.sem_alloc : memref<!tpu.dma_semaphore, #tpu.memory_space<semaphore_mem>>
          %dma_start3A_290 = arith.constant 0 : i32
          %dma_start3A_291 = tpu.memref_slice %arg8[%add3A_226, %dma_start3A_290] : memref<40x64xi32, #tpu.memory_space<vmem>> -> memref<1x64xi32, #tpu.memory_space<vmem>>
          %dma_start3A_292 = tpu.memref_squeeze %dma_start3A_291 : memref<1x64xi32, #tpu.memory_space<vmem>> -> memref<64xi32, #tpu.memory_space<vmem>>
          %dma_start3A_293 = arith.constant 0 : i32
          %dma_start3A_294 = arith.constant 0 : i32
          %dma_start3A_295 = tpu.memref_slice %arg13[%dma_start3A_293, %dma_start3A_294] : memref<10112x128xf32, #tpu.memory_space<vmem_shared>> -> memref<10112x128xf32, #tpu.memory_space<vmem_shared>>
          tpu.enqueue_indirect_dma source(%arg9 : memref<64x128xf32, #tpu.memory_space<vmem>>) target(%dma_start3A_295 : memref<10112x128xf32, #tpu.memory_space<vmem_shared>>) offsets(%dma_start3A_292 : memref<64xi32, #tpu.memory_space<vmem>>) semaphore(%run_scoped3A : memref<!tpu.dma_semaphore, #tpu.memory_space<semaphore_mem>>) {add = true}
          %dma_wait3A_296 = arith.constant 0 : i32
          %dma_wait3A_297 = tpu.memref_slice %arg8[%add3A_226, %dma_wait3A_296] : memref<40x64xi32, #tpu.memory_space<vmem>> -> memref<1x64xi32, #tpu.memory_space<vmem>>
          %dma_wait3A_298 = tpu.memref_squeeze %dma_wait3A_297 : memref<1x64xi32, #tpu.memory_space<vmem>> -> memref<64xi32, #tpu.memory_space<vmem>>
          %dma_wait3A_299 = arith.constant 0 : i32
          %dma_wait3A_300 = arith.constant 0 : i32
          %dma_wait3A_301 = tpu.memref_slice %arg13[%dma_wait3A_299, %dma_wait3A_300] : memref<10112x128xf32, #tpu.memory_space<vmem_shared>> -> memref<10112x128xf32, #tpu.memory_space<vmem_shared>>
          tpu.wait_indirect_dma semaphore(%run_scoped3A : memref<!tpu.dma_semaphore, #tpu.memory_space<semaphore_mem>>) src(%arg9 : memref<64x128xf32, #tpu.memory_space<vmem>>) dst(%dma_wait3A_301 : memref<10112x128xf32, #tpu.memory_space<vmem_shared>>)
          tpu.yield
        }) : () -> ()
        %add3A_232 = arith.constant 4 : i32
        %add3A_233 = arith.addi %add3A_226, %add3A_232 : i32
        %lt3A_234 = arith.constant 40 : i32
        %lt3A_235 = arith.cmpi slt, %add3A_233, %lt3A_234 : i32
        %convert_element_type3A_236 = arith.extui %lt3A_235 : i1 to i32
        %cond3A_237 = arith.constant 0 : i32
        %cond3A_238 = arith.cmpi ne, %convert_element_type3A_236, %cond3A_237 : i32
        scf.if %cond3A_238 {
          %add3A_290 = arith.constant 4 : i32
          %add3A_291 = arith.addi %add3A_226, %add3A_290 : i32
          %dma_start3A_292 = arith.constant 0 : i32
          %dma_start3A_293 = tpu.memref_slice %arg7[%add3A_291, %dma_start3A_292] : memref<40x64xi32, #tpu.memory_space<vmem>> -> memref<1x64xi32, #tpu.memory_space<vmem>>
          %dma_start3A_294 = tpu.memref_squeeze %dma_start3A_293 : memref<1x64xi32, #tpu.memory_space<vmem>> -> memref<64xi32, #tpu.memory_space<vmem>>
          %dma_start3A_295 = arith.constant 0 : i32
          %dma_start3A_296 = arith.constant 0 : i32
          %dma_start3A_297 = tpu.memref_slice %arg2[%dma_start3A_295, %dma_start3A_296] : memref<80000x128xf32, #tpu.memory_space<hbm>> -> memref<80000x128xf32, #tpu.memory_space<hbm>>
          tpu.enqueue_indirect_dma source(%dma_start3A_297 : memref<80000x128xf32, #tpu.memory_space<hbm>>) target(%arg9 : memref<64x128xf32, #tpu.memory_space<vmem>>) offsets(%dma_start3A_294 : memref<64xi32, #tpu.memory_space<vmem>>) semaphore(%arg14 : memref<!tpu.dma_semaphore, #tpu.memory_space<semaphore_mem>>)
        } else {
        }
        %mul3A_239 = arith.constant 4 : i32
        %mul3A_240 = arith.muli %scan3A_222, %mul3A_239 : i32
        %add3A_241 = arith.constant 1 : i32
        %add3A_242 = arith.addi %mul3A_240, %add3A_241 : i32
        %dma_wait3A_243 = arith.constant 0 : i32
        %dma_wait3A_244 = arith.constant 0 : i32
        %dma_wait3A_245 = tpu.memref_slice %arg2[%dma_wait3A_243, %dma_wait3A_244] : memref<80000x128xf32, #tpu.memory_space<hbm>> -> memref<64x128xf32, #tpu.memory_space<hbm>>
        %dma_wait3A_246 = arith.constant 0 : i32
        %dma_wait3A_247 = arith.constant 0 : i32
        %dma_wait3A_248 = tpu.memref_slice %arg2[%dma_wait3A_246, %dma_wait3A_247] : memref<80000x128xf32, #tpu.memory_space<hbm>> -> memref<64x128xf32, #tpu.memory_space<hbm>>
        tpu.wait_dma2 semaphore(%arg15 : memref<!tpu.dma_semaphore, #tpu.memory_space<semaphore_mem>>) src(%dma_wait3A_248 : memref<64x128xf32, #tpu.memory_space<hbm>>) dst(%arg10 : memref<64x128xf32, #tpu.memory_space<vmem>>)
        "tpu.region"() ({
          %run_scoped3A = tpu.sem_alloc : memref<!tpu.dma_semaphore, #tpu.memory_space<semaphore_mem>>
          %dma_start3A_290 = arith.constant 0 : i32
          %dma_start3A_291 = tpu.memref_slice %arg8[%add3A_242, %dma_start3A_290] : memref<40x64xi32, #tpu.memory_space<vmem>> -> memref<1x64xi32, #tpu.memory_space<vmem>>
          %dma_start3A_292 = tpu.memref_squeeze %dma_start3A_291 : memref<1x64xi32, #tpu.memory_space<vmem>> -> memref<64xi32, #tpu.memory_space<vmem>>
          %dma_start3A_293 = arith.constant 0 : i32
          %dma_start3A_294 = arith.constant 0 : i32
          %dma_start3A_295 = tpu.memref_slice %arg13[%dma_start3A_293, %dma_start3A_294] : memref<10112x128xf32, #tpu.memory_space<vmem_shared>> -> memref<10112x128xf32, #tpu.memory_space<vmem_shared>>
          tpu.enqueue_indirect_dma source(%arg10 : memref<64x128xf32, #tpu.memory_space<vmem>>) target(%dma_start3A_295 : memref<10112x128xf32, #tpu.memory_space<vmem_shared>>) offsets(%dma_start3A_292 : memref<64xi32, #tpu.memory_space<vmem>>) semaphore(%run_scoped3A : memref<!tpu.dma_semaphore, #tpu.memory_space<semaphore_mem>>) {add = true}
          %dma_wait3A_296 = arith.constant 0 : i32
          %dma_wait3A_297 = tpu.memref_slice %arg8[%add3A_242, %dma_wait3A_296] : memref<40x64xi32, #tpu.memory_space<vmem>> -> memref<1x64xi32, #tpu.memory_space<vmem>>
          %dma_wait3A_298 = tpu.memref_squeeze %dma_wait3A_297 : memref<1x64xi32, #tpu.memory_space<vmem>> -> memref<64xi32, #tpu.memory_space<vmem>>
          %dma_wait3A_299 = arith.constant 0 : i32
          %dma_wait3A_300 = arith.constant 0 : i32
          %dma_wait3A_301 = tpu.memref_slice %arg13[%dma_wait3A_299, %dma_wait3A_300] : memref<10112x128xf32, #tpu.memory_space<vmem_shared>> -> memref<10112x128xf32, #tpu.memory_space<vmem_shared>>
          tpu.wait_indirect_dma semaphore(%run_scoped3A : memref<!tpu.dma_semaphore, #tpu.memory_space<semaphore_mem>>) src(%arg10 : memref<64x128xf32, #tpu.memory_space<vmem>>) dst(%dma_wait3A_301 : memref<10112x128xf32, #tpu.memory_space<vmem_shared>>)
          tpu.yield
        }) : () -> ()
        %add3A_249 = arith.constant 4 : i32
        %add3A_250 = arith.addi %add3A_242, %add3A_249 : i32
        %lt3A_251 = arith.constant 40 : i32
        %lt3A_252 = arith.cmpi slt, %add3A_250, %lt3A_251 : i32
        %convert_element_type3A_253 = arith.extui %lt3A_252 : i1 to i32
        %cond3A_254 = arith.constant 0 : i32
        %cond3A_255 = arith.cmpi ne, %convert_element_type3A_253, %cond3A_254 : i32
        scf.if %cond3A_255 {
          %add3A_290 = arith.constant 4 : i32
          %add3A_291 = arith.addi %add3A_242, %add3A_290 : i32
          %dma_start3A_292 = arith.constant 0 : i32
          %dma_start3A_293 = tpu.memref_slice %arg7[%add3A_291, %dma_start3A_292] : memref<40x64xi32, #tpu.memory_space<vmem>> -> memref<1x64xi32, #tpu.memory_space<vmem>>
          %dma_start3A_294 = tpu.memref_squeeze %dma_start3A_293 : memref<1x64xi32, #tpu.memory_space<vmem>> -> memref<64xi32, #tpu.memory_space<vmem>>
          %dma_start3A_295 = arith.constant 0 : i32
          %dma_start3A_296 = arith.constant 0 : i32
          %dma_start3A_297 = tpu.memref_slice %arg2[%dma_start3A_295, %dma_start3A_296] : memref<80000x128xf32, #tpu.memory_space<hbm>> -> memref<80000x128xf32, #tpu.memory_space<hbm>>
          tpu.enqueue_indirect_dma source(%dma_start3A_297 : memref<80000x128xf32, #tpu.memory_space<hbm>>) target(%arg10 : memref<64x128xf32, #tpu.memory_space<vmem>>) offsets(%dma_start3A_294 : memref<64xi32, #tpu.memory_space<vmem>>) semaphore(%arg15 : memref<!tpu.dma_semaphore, #tpu.memory_space<semaphore_mem>>)
        } else {
        }
        %mul3A_256 = arith.constant 4 : i32
        %mul3A_257 = arith.muli %scan3A_222, %mul3A_256 : i32
        %add3A_258 = arith.constant 2 : i32
        %add3A_259 = arith.addi %mul3A_257, %add3A_258 : i32
        %dma_wait3A_260 = arith.constant 0 : i32
        %dma_wait3A_261 = arith.constant 0 : i32
        %dma_wait3A_262 = tpu.memref_slice %arg2[%dma_wait3A_260, %dma_wait3A_261] : memref<80000x128xf32, #tpu.memory_space<hbm>> -> memref<64x128xf32, #tpu.memory_space<hbm>>
        %dma_wait3A_263 = arith.constant 0 : i32
        %dma_wait3A_264 = arith.constant 0 : i32
        %dma_wait3A_265 = tpu.memref_slice %arg2[%dma_wait3A_263, %dma_wait3A_264] : memref<80000x128xf32, #tpu.memory_space<hbm>> -> memref<64x128xf32, #tpu.memory_space<hbm>>
        tpu.wait_dma2 semaphore(%arg16 : memref<!tpu.dma_semaphore, #tpu.memory_space<semaphore_mem>>) src(%dma_wait3A_265 : memref<64x128xf32, #tpu.memory_space<hbm>>) dst(%arg11 : memref<64x128xf32, #tpu.memory_space<vmem>>)
        "tpu.region"() ({
          %run_scoped3A = tpu.sem_alloc : memref<!tpu.dma_semaphore, #tpu.memory_space<semaphore_mem>>
          %dma_start3A_290 = arith.constant 0 : i32
          %dma_start3A_291 = tpu.memref_slice %arg8[%add3A_259, %dma_start3A_290] : memref<40x64xi32, #tpu.memory_space<vmem>> -> memref<1x64xi32, #tpu.memory_space<vmem>>
          %dma_start3A_292 = tpu.memref_squeeze %dma_start3A_291 : memref<1x64xi32, #tpu.memory_space<vmem>> -> memref<64xi32, #tpu.memory_space<vmem>>
          %dma_start3A_293 = arith.constant 0 : i32
          %dma_start3A_294 = arith.constant 0 : i32
          %dma_start3A_295 = tpu.memref_slice %arg13[%dma_start3A_293, %dma_start3A_294] : memref<10112x128xf32, #tpu.memory_space<vmem_shared>> -> memref<10112x128xf32, #tpu.memory_space<vmem_shared>>
          tpu.enqueue_indirect_dma source(%arg11 : memref<64x128xf32, #tpu.memory_space<vmem>>) target(%dma_start3A_295 : memref<10112x128xf32, #tpu.memory_space<vmem_shared>>) offsets(%dma_start3A_292 : memref<64xi32, #tpu.memory_space<vmem>>) semaphore(%run_scoped3A : memref<!tpu.dma_semaphore, #tpu.memory_space<semaphore_mem>>) {add = true}
          %dma_wait3A_296 = arith.constant 0 : i32
          %dma_wait3A_297 = tpu.memref_slice %arg8[%add3A_259, %dma_wait3A_296] : memref<40x64xi32, #tpu.memory_space<vmem>> -> memref<1x64xi32, #tpu.memory_space<vmem>>
          %dma_wait3A_298 = tpu.memref_squeeze %dma_wait3A_297 : memref<1x64xi32, #tpu.memory_space<vmem>> -> memref<64xi32, #tpu.memory_space<vmem>>
          %dma_wait3A_299 = arith.constant 0 : i32
          %dma_wait3A_300 = arith.constant 0 : i32
          %dma_wait3A_301 = tpu.memref_slice %arg13[%dma_wait3A_299, %dma_wait3A_300] : memref<10112x128xf32, #tpu.memory_space<vmem_shared>> -> memref<10112x128xf32, #tpu.memory_space<vmem_shared>>
          tpu.wait_indirect_dma semaphore(%run_scoped3A : memref<!tpu.dma_semaphore, #tpu.memory_space<semaphore_mem>>) src(%arg11 : memref<64x128xf32, #tpu.memory_space<vmem>>) dst(%dma_wait3A_301 : memref<10112x128xf32, #tpu.memory_space<vmem_shared>>)
          tpu.yield
        }) : () -> ()
        %add3A_266 = arith.constant 4 : i32
        %add3A_267 = arith.addi %add3A_259, %add3A_266 : i32
        %lt3A_268 = arith.constant 40 : i32
        %lt3A_269 = arith.cmpi slt, %add3A_267, %lt3A_268 : i32
        %convert_element_type3A_270 = arith.extui %lt3A_269 : i1 to i32
        %cond3A_271 = arith.constant 0 : i32
        %cond3A_272 = arith.cmpi ne, %convert_element_type3A_270, %cond3A_271 : i32
        scf.if %cond3A_272 {
          %add3A_290 = arith.constant 4 : i32
          %add3A_291 = arith.addi %add3A_259, %add3A_290 : i32
          %dma_start3A_292 = arith.constant 0 : i32
          %dma_start3A_293 = tpu.memref_slice %arg7[%add3A_291, %dma_start3A_292] : memref<40x64xi32, #tpu.memory_space<vmem>> -> memref<1x64xi32, #tpu.memory_space<vmem>>
          %dma_start3A_294 = tpu.memref_squeeze %dma_start3A_293 : memref<1x64xi32, #tpu.memory_space<vmem>> -> memref<64xi32, #tpu.memory_space<vmem>>
          %dma_start3A_295 = arith.constant 0 : i32
          %dma_start3A_296 = arith.constant 0 : i32
          %dma_start3A_297 = tpu.memref_slice %arg2[%dma_start3A_295, %dma_start3A_296] : memref<80000x128xf32, #tpu.memory_space<hbm>> -> memref<80000x128xf32, #tpu.memory_space<hbm>>
          tpu.enqueue_indirect_dma source(%dma_start3A_297 : memref<80000x128xf32, #tpu.memory_space<hbm>>) target(%arg11 : memref<64x128xf32, #tpu.memory_space<vmem>>) offsets(%dma_start3A_294 : memref<64xi32, #tpu.memory_space<vmem>>) semaphore(%arg16 : memref<!tpu.dma_semaphore, #tpu.memory_space<semaphore_mem>>)
        } else {
        }
        %mul3A_273 = arith.constant 4 : i32
        %mul3A_274 = arith.muli %scan3A_222, %mul3A_273 : i32
        %add3A_275 = arith.constant 3 : i32
        %add3A_276 = arith.addi %mul3A_274, %add3A_275 : i32
        %dma_wait3A_277 = arith.constant 0 : i32
        %dma_wait3A_278 = arith.constant 0 : i32
        %dma_wait3A_279 = tpu.memref_slice %arg2[%dma_wait3A_277, %dma_wait3A_278] : memref<80000x128xf32, #tpu.memory_space<hbm>> -> memref<64x128xf32, #tpu.memory_space<hbm>>
        %dma_wait3A_280 = arith.constant 0 : i32
        %dma_wait3A_281 = arith.constant 0 : i32
        %dma_wait3A_282 = tpu.memref_slice %arg2[%dma_wait3A_280, %dma_wait3A_281] : memref<80000x128xf32, #tpu.memory_space<hbm>> -> memref<64x128xf32, #tpu.memory_space<hbm>>
        tpu.wait_dma2 semaphore(%arg17 : memref<!tpu.dma_semaphore, #tpu.memory_space<semaphore_mem>>) src(%dma_wait3A_282 : memref<64x128xf32, #tpu.memory_space<hbm>>) dst(%arg12 : memref<64x128xf32, #tpu.memory_space<vmem>>)
        "tpu.region"() ({
          %run_scoped3A = tpu.sem_alloc : memref<!tpu.dma_semaphore, #tpu.memory_space<semaphore_mem>>
          %dma_start3A_290 = arith.constant 0 : i32
          %dma_start3A_291 = tpu.memref_slice %arg8[%add3A_276, %dma_start3A_290] : memref<40x64xi32, #tpu.memory_space<vmem>> -> memref<1x64xi32, #tpu.memory_space<vmem>>
          %dma_start3A_292 = tpu.memref_squeeze %dma_start3A_291 : memref<1x64xi32, #tpu.memory_space<vmem>> -> memref<64xi32, #tpu.memory_space<vmem>>
          %dma_start3A_293 = arith.constant 0 : i32
          %dma_start3A_294 = arith.constant 0 : i32
          %dma_start3A_295 = tpu.memref_slice %arg13[%dma_start3A_293, %dma_start3A_294] : memref<10112x128xf32, #tpu.memory_space<vmem_shared>> -> memref<10112x128xf32, #tpu.memory_space<vmem_shared>>
          tpu.enqueue_indirect_dma source(%arg12 : memref<64x128xf32, #tpu.memory_space<vmem>>) target(%dma_start3A_295 : memref<10112x128xf32, #tpu.memory_space<vmem_shared>>) offsets(%dma_start3A_292 : memref<64xi32, #tpu.memory_space<vmem>>) semaphore(%run_scoped3A : memref<!tpu.dma_semaphore, #tpu.memory_space<semaphore_mem>>) {add = true}
          %dma_wait3A_296 = arith.constant 0 : i32
          %dma_wait3A_297 = tpu.memref_slice %arg8[%add3A_276, %dma_wait3A_296] : memref<40x64xi32, #tpu.memory_space<vmem>> -> memref<1x64xi32, #tpu.memory_space<vmem>>
          %dma_wait3A_298 = tpu.memref_squeeze %dma_wait3A_297 : memref<1x64xi32, #tpu.memory_space<vmem>> -> memref<64xi32, #tpu.memory_space<vmem>>
          %dma_wait3A_299 = arith.constant 0 : i32
          %dma_wait3A_300 = arith.constant 0 : i32
          %dma_wait3A_301 = tpu.memref_slice %arg13[%dma_wait3A_299, %dma_wait3A_300] : memref<10112x128xf32, #tpu.memory_space<vmem_shared>> -> memref<10112x128xf32, #tpu.memory_space<vmem_shared>>
          tpu.wait_indirect_dma semaphore(%run_scoped3A : memref<!tpu.dma_semaphore, #tpu.memory_space<semaphore_mem>>) src(%arg12 : memref<64x128xf32, #tpu.memory_space<vmem>>) dst(%dma_wait3A_301 : memref<10112x128xf32, #tpu.memory_space<vmem_shared>>)
          tpu.yield
        }) : () -> ()
        %add3A_283 = arith.constant 4 : i32
        %add3A_284 = arith.addi %add3A_276, %add3A_283 : i32
        %lt3A_285 = arith.constant 40 : i32
        %lt3A_286 = arith.cmpi slt, %add3A_284, %lt3A_285 : i32
        %convert_element_type3A_287 = arith.extui %lt3A_286 : i1 to i32
        %cond3A_288 = arith.constant 0 : i32
        %cond3A_289 = arith.cmpi ne, %convert_element_type3A_287, %cond3A_288 : i32
        scf.if %cond3A_289 {
          %add3A_290 = arith.constant 4 : i32
          %add3A_291 = arith.addi %add3A_276, %add3A_290 : i32
          %dma_start3A_292 = arith.constant 0 : i32
          %dma_start3A_293 = tpu.memref_slice %arg7[%add3A_291, %dma_start3A_292] : memref<40x64xi32, #tpu.memory_space<vmem>> -> memref<1x64xi32, #tpu.memory_space<vmem>>
          %dma_start3A_294 = tpu.memref_squeeze %dma_start3A_293 : memref<1x64xi32, #tpu.memory_space<vmem>> -> memref<64xi32, #tpu.memory_space<vmem>>
          %dma_start3A_295 = arith.constant 0 : i32
          %dma_start3A_296 = arith.constant 0 : i32
          %dma_start3A_297 = tpu.memref_slice %arg2[%dma_start3A_295, %dma_start3A_296] : memref<80000x128xf32, #tpu.memory_space<hbm>> -> memref<80000x128xf32, #tpu.memory_space<hbm>>
          tpu.enqueue_indirect_dma source(%dma_start3A_297 : memref<80000x128xf32, #tpu.memory_space<hbm>>) target(%arg12 : memref<64x128xf32, #tpu.memory_space<vmem>>) offsets(%dma_start3A_294 : memref<64xi32, #tpu.memory_space<vmem>>) semaphore(%arg17 : memref<!tpu.dma_semaphore, #tpu.memory_space<semaphore_mem>>)
        } else {
        }
      }
      %scan3A_127 = arith.constant 10 : i32
      %mul3A_128 = arith.constant 160 : i32
      %mul3A_129 = arith.muli %arg1, %mul3A_128 : i32
      %add3A_130 = arith.constant 80 : i32
      %add3A_131 = arith.addi %mul3A_129, %add3A_130 : i32
      "tpu.region"() ({
        %run_scoped3A = tpu.sem_alloc : memref<!tpu.dma_semaphore, #tpu.memory_space<semaphore_mem>>
        %dma_start3A_222 = arith.constant 0 : i32
        %dma_start3A_223 = arith.constant 0 : i32
        %dma_start3A_224 = tpu.memref_slice %arg7[%dma_start3A_222, %dma_start3A_223] : memref<40x64xi32, #tpu.memory_space<vmem>> -> memref<40x64xi32, #tpu.memory_space<vmem>>
        %dma_start3A_225 = arith.constant 0 : i32
        %dma_start3A_226 = tpu.memref_slice %arg4[%add3A_131, %dma_start3A_225] : memref<2560x64xi32, #tpu.memory_space<hbm>> -> memref<40x64xi32, #tpu.memory_space<hbm>>
        %dma_start3A_227 = arith.constant 0 : i32
        %dma_start3A_228 = arith.constant 0 : i32
        %dma_start3A_229 = tpu.memref_slice %arg7[%dma_start3A_227, %dma_start3A_228] : memref<40x64xi32, #tpu.memory_space<vmem>> -> memref<40x64xi32, #tpu.memory_space<vmem>>
        %dma_start3A_230 = arith.constant 0 : i32
        %dma_start3A_231 = tpu.memref_slice %arg4[%add3A_131, %dma_start3A_230] : memref<2560x64xi32, #tpu.memory_space<hbm>> -> memref<40x64xi32, #tpu.memory_space<hbm>>
        tpu.enqueue_dma source(%dma_start3A_231 : memref<40x64xi32, #tpu.memory_space<hbm>>) target(%dma_start3A_229 : memref<40x64xi32, #tpu.memory_space<vmem>>) target_semaphore(%run_scoped3A : memref<!tpu.dma_semaphore, #tpu.memory_space<semaphore_mem>>)
        %dma_wait3A = arith.constant 0 : i32
        %dma_wait3A_232 = arith.constant 0 : i32
        %dma_wait3A_233 = tpu.memref_slice %arg7[%dma_wait3A, %dma_wait3A_232] : memref<40x64xi32, #tpu.memory_space<vmem>> -> memref<40x64xi32, #tpu.memory_space<vmem>>
        %dma_wait3A_234 = arith.constant 0 : i32
        %dma_wait3A_235 = tpu.memref_slice %arg4[%add3A_131, %dma_wait3A_234] : memref<2560x64xi32, #tpu.memory_space<hbm>> -> memref<40x64xi32, #tpu.memory_space<hbm>>
        %dma_wait3A_236 = arith.constant 0 : i32
        %dma_wait3A_237 = arith.constant 0 : i32
        %dma_wait3A_238 = tpu.memref_slice %arg7[%dma_wait3A_236, %dma_wait3A_237] : memref<40x64xi32, #tpu.memory_space<vmem>> -> memref<40x64xi32, #tpu.memory_space<vmem>>
        %dma_wait3A_239 = arith.constant 0 : i32
        %dma_wait3A_240 = tpu.memref_slice %arg4[%add3A_131, %dma_wait3A_239] : memref<2560x64xi32, #tpu.memory_space<hbm>> -> memref<40x64xi32, #tpu.memory_space<hbm>>
        tpu.wait_dma2 semaphore(%run_scoped3A : memref<!tpu.dma_semaphore, #tpu.memory_space<semaphore_mem>>) src(%dma_wait3A_240 : memref<40x64xi32, #tpu.memory_space<hbm>>) dst(%dma_wait3A_238 : memref<40x64xi32, #tpu.memory_space<vmem>>)
        tpu.yield
      }) : () -> ()
      "tpu.region"() ({
        %run_scoped3A = tpu.sem_alloc : memref<!tpu.dma_semaphore, #tpu.memory_space<semaphore_mem>>
        %dma_start3A_222 = arith.constant 0 : i32
        %dma_start3A_223 = arith.constant 0 : i32
        %dma_start3A_224 = tpu.memref_slice %arg8[%dma_start3A_222, %dma_start3A_223] : memref<40x64xi32, #tpu.memory_space<vmem>> -> memref<40x64xi32, #tpu.memory_space<vmem>>
        %dma_start3A_225 = arith.constant 0 : i32
        %dma_start3A_226 = tpu.memref_slice %arg3[%add3A_131, %dma_start3A_225] : memref<2560x64xi32, #tpu.memory_space<hbm>> -> memref<40x64xi32, #tpu.memory_space<hbm>>
        %dma_start3A_227 = arith.constant 0 : i32
        %dma_start3A_228 = arith.constant 0 : i32
        %dma_start3A_229 = tpu.memref_slice %arg8[%dma_start3A_227, %dma_start3A_228] : memref<40x64xi32, #tpu.memory_space<vmem>> -> memref<40x64xi32, #tpu.memory_space<vmem>>
        %dma_start3A_230 = arith.constant 0 : i32
        %dma_start3A_231 = tpu.memref_slice %arg3[%add3A_131, %dma_start3A_230] : memref<2560x64xi32, #tpu.memory_space<hbm>> -> memref<40x64xi32, #tpu.memory_space<hbm>>
        tpu.enqueue_dma source(%dma_start3A_231 : memref<40x64xi32, #tpu.memory_space<hbm>>) target(%dma_start3A_229 : memref<40x64xi32, #tpu.memory_space<vmem>>) target_semaphore(%run_scoped3A : memref<!tpu.dma_semaphore, #tpu.memory_space<semaphore_mem>>)
        %dma_wait3A = arith.constant 0 : i32
        %dma_wait3A_232 = arith.constant 0 : i32
        %dma_wait3A_233 = tpu.memref_slice %arg8[%dma_wait3A, %dma_wait3A_232] : memref<40x64xi32, #tpu.memory_space<vmem>> -> memref<40x64xi32, #tpu.memory_space<vmem>>
        %dma_wait3A_234 = arith.constant 0 : i32
        %dma_wait3A_235 = tpu.memref_slice %arg3[%add3A_131, %dma_wait3A_234] : memref<2560x64xi32, #tpu.memory_space<hbm>> -> memref<40x64xi32, #tpu.memory_space<hbm>>
        %dma_wait3A_236 = arith.constant 0 : i32
        %dma_wait3A_237 = arith.constant 0 : i32
        %dma_wait3A_238 = tpu.memref_slice %arg8[%dma_wait3A_236, %dma_wait3A_237] : memref<40x64xi32, #tpu.memory_space<vmem>> -> memref<40x64xi32, #tpu.memory_space<vmem>>
        %dma_wait3A_239 = arith.constant 0 : i32
        %dma_wait3A_240 = tpu.memref_slice %arg3[%add3A_131, %dma_wait3A_239] : memref<2560x64xi32, #tpu.memory_space<hbm>> -> memref<40x64xi32, #tpu.memory_space<hbm>>
        tpu.wait_dma2 semaphore(%run_scoped3A : memref<!tpu.dma_semaphore, #tpu.memory_space<semaphore_mem>>) src(%dma_wait3A_240 : memref<40x64xi32, #tpu.memory_space<hbm>>) dst(%dma_wait3A_238 : memref<40x64xi32, #tpu.memory_space<vmem>>)
        tpu.yield
      }) : () -> ()
      %scan3A_132 = arith.constant 0 : i32
      %scan3A_133 = arith.constant 40 : i32
      %scan3A_134 = arith.addi %scan3A_132, %scan3A_133 : i32
      %scan3A_135 = arith.constant 1 : i32
      scf.for %scan3A_222 = %scan3A_132 to %scan3A_134 step %scan3A_135  : i32 {
        %get3A = arith.index_cast %scan3A_222 : i32 to index
        %get3A_223 = arith.constant 0 : index
        %get3A_224 = tpu.vector_load %arg7[%get3A, %get3A_223] {strides = array<i32>} : memref<40x64xi32, #tpu.memory_space<vmem>>, vector<1x16xi32>,
        %get3A_225 = vector.shape_cast %get3A_224 : vector<1x16xi32> to vector<16xi32>
        %mul3A_226 = arith.constant 10000 : i32
        %mul3A_227 = vector.broadcast %mul3A_226 : i32 to vector<16xi32>
        %mul3A_228 = arith.muli %get3A_225, %mul3A_227 : vector<16xi32>
        %get3A_229 = arith.index_cast %scan3A_222 : i32 to index
        %get3A_230 = arith.constant 0 : index
        %get3A_231 = tpu.vector_load %arg8[%get3A_229, %get3A_230] {strides = array<i32>} : memref<40x64xi32, #tpu.memory_space<vmem>>, vector<1x16xi32>,
        %get3A_232 = vector.shape_cast %get3A_231 : vector<1x16xi32> to vector<16xi32>
        %add3A_233 = arith.addi %mul3A_228, %get3A_232 : vector<16xi32>
        %swap3A = arith.index_cast %scan3A_222 : i32 to index
        %swap3A_234 = arith.constant 0 : index
        %swap3A_235 = tpu.vector_load %arg7[%swap3A, %swap3A_234] {strides = array<i32>} : memref<40x64xi32, #tpu.memory_space<vmem>>, vector<1x16xi32>,
        %swap3A_236 = vector.shape_cast %swap3A_235 : vector<1x16xi32> to vector<16xi32>
        %swap3A_237 = vector.shape_cast %add3A_233 : vector<16xi32> to vector<1x16xi32>
        tpu.vector_store %arg7[%swap3A, %swap3A_234], %swap3A_237 {strides = array<i32>} : memref<40x64xi32, #tpu.memory_space<vmem>>, vector<1x16xi32>,
        %get3A_238 = arith.index_cast %scan3A_222 : i32 to index
        %get3A_239 = arith.constant 16 : index
        %get3A_240 = tpu.vector_load %arg7[%get3A_238, %get3A_239] {strides = array<i32>} : memref<40x64xi32, #tpu.memory_space<vmem>>, vector<1x16xi32>,
        %get3A_241 = vector.shape_cast %get3A_240 : vector<1x16xi32> to vector<16xi32>
        %mul3A_242 = arith.constant 10000 : i32
        %mul3A_243 = vector.broadcast %mul3A_242 : i32 to vector<16xi32>
        %mul3A_244 = arith.muli %get3A_241, %mul3A_243 : vector<16xi32>
        %get3A_245 = arith.index_cast %scan3A_222 : i32 to index
        %get3A_246 = arith.constant 16 : index
        %get3A_247 = tpu.vector_load %arg8[%get3A_245, %get3A_246] {strides = array<i32>} : memref<40x64xi32, #tpu.memory_space<vmem>>, vector<1x16xi32>,
        %get3A_248 = vector.shape_cast %get3A_247 : vector<1x16xi32> to vector<16xi32>
        %add3A_249 = arith.addi %mul3A_244, %get3A_248 : vector<16xi32>
        %swap3A_250 = arith.index_cast %scan3A_222 : i32 to index
        %swap3A_251 = arith.constant 16 : index
        %swap3A_252 = tpu.vector_load %arg7[%swap3A_250, %swap3A_251] {strides = array<i32>} : memref<40x64xi32, #tpu.memory_space<vmem>>, vector<1x16xi32>,
        %swap3A_253 = vector.shape_cast %swap3A_252 : vector<1x16xi32> to vector<16xi32>
        %swap3A_254 = vector.shape_cast %add3A_249 : vector<16xi32> to vector<1x16xi32>
        tpu.vector_store %arg7[%swap3A_250, %swap3A_251], %swap3A_254 {strides = array<i32>} : memref<40x64xi32, #tpu.memory_space<vmem>>, vector<1x16xi32>,
        %get3A_255 = arith.index_cast %scan3A_222 : i32 to index
        %get3A_256 = arith.constant 32 : index
        %get3A_257 = tpu.vector_load %arg7[%get3A_255, %get3A_256] {strides = array<i32>} : memref<40x64xi32, #tpu.memory_space<vmem>>, vector<1x16xi32>,
        %get3A_258 = vector.shape_cast %get3A_257 : vector<1x16xi32> to vector<16xi32>
        %mul3A_259 = arith.constant 10000 : i32
        %mul3A_260 = vector.broadcast %mul3A_259 : i32 to vector<16xi32>
        %mul3A_261 = arith.muli %get3A_258, %mul3A_260 : vector<16xi32>
        %get3A_262 = arith.index_cast %scan3A_222 : i32 to index
        %get3A_263 = arith.constant 32 : index
        %get3A_264 = tpu.vector_load %arg8[%get3A_262, %get3A_263] {strides = array<i32>} : memref<40x64xi32, #tpu.memory_space<vmem>>, vector<1x16xi32>,
        %get3A_265 = vector.shape_cast %get3A_264 : vector<1x16xi32> to vector<16xi32>
        %add3A_266 = arith.addi %mul3A_261, %get3A_265 : vector<16xi32>
        %swap3A_267 = arith.index_cast %scan3A_222 : i32 to index
        %swap3A_268 = arith.constant 32 : index
        %swap3A_269 = tpu.vector_load %arg7[%swap3A_267, %swap3A_268] {strides = array<i32>} : memref<40x64xi32, #tpu.memory_space<vmem>>, vector<1x16xi32>,
        %swap3A_270 = vector.shape_cast %swap3A_269 : vector<1x16xi32> to vector<16xi32>
        %swap3A_271 = vector.shape_cast %add3A_266 : vector<16xi32> to vector<1x16xi32>
        tpu.vector_store %arg7[%swap3A_267, %swap3A_268], %swap3A_271 {strides = array<i32>} : memref<40x64xi32, #tpu.memory_space<vmem>>, vector<1x16xi32>,
        %get3A_272 = arith.index_cast %scan3A_222 : i32 to index
        %get3A_273 = arith.constant 48 : index
        %get3A_274 = tpu.vector_load %arg7[%get3A_272, %get3A_273] {strides = array<i32>} : memref<40x64xi32, #tpu.memory_space<vmem>>, vector<1x16xi32>,
        %get3A_275 = vector.shape_cast %get3A_274 : vector<1x16xi32> to vector<16xi32>
        %mul3A_276 = arith.constant 10000 : i32
        %mul3A_277 = vector.broadcast %mul3A_276 : i32 to vector<16xi32>
        %mul3A_278 = arith.muli %get3A_275, %mul3A_277 : vector<16xi32>
        %get3A_279 = arith.index_cast %scan3A_222 : i32 to index
        %get3A_280 = arith.constant 48 : index
        %get3A_281 = tpu.vector_load %arg8[%get3A_279, %get3A_280] {strides = array<i32>} : memref<40x64xi32, #tpu.memory_space<vmem>>, vector<1x16xi32>,
        %get3A_282 = vector.shape_cast %get3A_281 : vector<1x16xi32> to vector<16xi32>
        %add3A_283 = arith.addi %mul3A_278, %get3A_282 : vector<16xi32>
        %swap3A_284 = arith.index_cast %scan3A_222 : i32 to index
        %swap3A_285 = arith.constant 48 : index
        %swap3A_286 = tpu.vector_load %arg7[%swap3A_284, %swap3A_285] {strides = array<i32>} : memref<40x64xi32, #tpu.memory_space<vmem>>, vector<1x16xi32>,
        %swap3A_287 = vector.shape_cast %swap3A_286 : vector<1x16xi32> to vector<16xi32>
        %swap3A_288 = vector.shape_cast %add3A_283 : vector<16xi32> to vector<1x16xi32>
        tpu.vector_store %arg7[%swap3A_284, %swap3A_285], %swap3A_288 {strides = array<i32>} : memref<40x64xi32, #tpu.memory_space<vmem>>, vector<1x16xi32>,
      }
      %scan3A_136 = arith.constant 40 : i32
      "tpu.region"() ({
        %run_scoped3A = tpu.sem_alloc : memref<!tpu.dma_semaphore, #tpu.memory_space<semaphore_mem>>
        %dma_start3A_222 = arith.constant 0 : i32
        %dma_start3A_223 = arith.constant 0 : i32
        %dma_start3A_224 = tpu.memref_slice %arg8[%dma_start3A_222, %dma_start3A_223] : memref<40x64xi32, #tpu.memory_space<vmem>> -> memref<40x64xi32, #tpu.memory_space<vmem>>
        %dma_start3A_225 = arith.constant 0 : i32
        %dma_start3A_226 = tpu.memref_slice %arg5[%add3A_131, %dma_start3A_225] : memref<2560x64xi32, #tpu.memory_space<hbm>> -> memref<40x64xi32, #tpu.memory_space<hbm>>
        %dma_start3A_227 = arith.constant 0 : i32
        %dma_start3A_228 = arith.constant 0 : i32
        %dma_start3A_229 = tpu.memref_slice %arg8[%dma_start3A_227, %dma_start3A_228] : memref<40x64xi32, #tpu.memory_space<vmem>> -> memref<40x64xi32, #tpu.memory_space<vmem>>
        %dma_start3A_230 = arith.constant 0 : i32
        %dma_start3A_231 = tpu.memref_slice %arg5[%add3A_131, %dma_start3A_230] : memref<2560x64xi32, #tpu.memory_space<hbm>> -> memref<40x64xi32, #tpu.memory_space<hbm>>
        tpu.enqueue_dma source(%dma_start3A_231 : memref<40x64xi32, #tpu.memory_space<hbm>>) target(%dma_start3A_229 : memref<40x64xi32, #tpu.memory_space<vmem>>) target_semaphore(%run_scoped3A : memref<!tpu.dma_semaphore, #tpu.memory_space<semaphore_mem>>)
        %dma_wait3A = arith.constant 0 : i32
        %dma_wait3A_232 = arith.constant 0 : i32
        %dma_wait3A_233 = tpu.memref_slice %arg8[%dma_wait3A, %dma_wait3A_232] : memref<40x64xi32, #tpu.memory_space<vmem>> -> memref<40x64xi32, #tpu.memory_space<vmem>>
        %dma_wait3A_234 = arith.constant 0 : i32
        %dma_wait3A_235 = tpu.memref_slice %arg5[%add3A_131, %dma_wait3A_234] : memref<2560x64xi32, #tpu.memory_space<hbm>> -> memref<40x64xi32, #tpu.memory_space<hbm>>
        %dma_wait3A_236 = arith.constant 0 : i32
        %dma_wait3A_237 = arith.constant 0 : i32
        %dma_wait3A_238 = tpu.memref_slice %arg8[%dma_wait3A_236, %dma_wait3A_237] : memref<40x64xi32, #tpu.memory_space<vmem>> -> memref<40x64xi32, #tpu.memory_space<vmem>>
        %dma_wait3A_239 = arith.constant 0 : i32
        %dma_wait3A_240 = tpu.memref_slice %arg5[%add3A_131, %dma_wait3A_239] : memref<2560x64xi32, #tpu.memory_space<hbm>> -> memref<40x64xi32, #tpu.memory_space<hbm>>
        tpu.wait_dma2 semaphore(%run_scoped3A : memref<!tpu.dma_semaphore, #tpu.memory_space<semaphore_mem>>) src(%dma_wait3A_240 : memref<40x64xi32, #tpu.memory_space<hbm>>) dst(%dma_wait3A_238 : memref<40x64xi32, #tpu.memory_space<vmem>>)
        tpu.yield
      }) : () -> ()
      %dma_start3A_137 = arith.constant 0 : i32
      %dma_start3A_138 = arith.constant 0 : i32
      %dma_start3A_139 = tpu.memref_slice %arg7[%dma_start3A_137, %dma_start3A_138] : memref<40x64xi32, #tpu.memory_space<vmem>> -> memref<1x64xi32, #tpu.memory_space<vmem>>
      %dma_start3A_140 = tpu.memref_squeeze %dma_start3A_139 : memref<1x64xi32, #tpu.memory_space<vmem>> -> memref<64xi32, #tpu.memory_space<vmem>>
      %dma_start3A_141 = arith.constant 0 : i32
      %dma_start3A_142 = arith.constant 0 : i32
      %dma_start3A_143 = tpu.memref_slice %arg2[%dma_start3A_141, %dma_start3A_142] : memref<80000x128xf32, #tpu.memory_space<hbm>> -> memref<80000x128xf32, #tpu.memory_space<hbm>>
      tpu.enqueue_indirect_dma source(%dma_start3A_143 : memref<80000x128xf32, #tpu.memory_space<hbm>>) target(%arg9 : memref<64x128xf32, #tpu.memory_space<vmem>>) offsets(%dma_start3A_140 : memref<64xi32, #tpu.memory_space<vmem>>) semaphore(%arg14 : memref<!tpu.dma_semaphore, #tpu.memory_space<semaphore_mem>>)
      %dma_start3A_144 = arith.constant 1 : i32
      %dma_start3A_145 = arith.constant 0 : i32
      %dma_start3A_146 = tpu.memref_slice %arg7[%dma_start3A_144, %dma_start3A_145] : memref<40x64xi32, #tpu.memory_space<vmem>> -> memref<1x64xi32, #tpu.memory_space<vmem>>
      %dma_start3A_147 = tpu.memref_squeeze %dma_start3A_146 : memref<1x64xi32, #tpu.memory_space<vmem>> -> memref<64xi32, #tpu.memory_space<vmem>>
      %dma_start3A_148 = arith.constant 0 : i32
      %dma_start3A_149 = arith.constant 0 : i32
      %dma_start3A_150 = tpu.memref_slice %arg2[%dma_start3A_148, %dma_start3A_149] : memref<80000x128xf32, #tpu.memory_space<hbm>> -> memref<80000x128xf32, #tpu.memory_space<hbm>>
      tpu.enqueue_indirect_dma source(%dma_start3A_150 : memref<80000x128xf32, #tpu.memory_space<hbm>>) target(%arg10 : memref<64x128xf32, #tpu.memory_space<vmem>>) offsets(%dma_start3A_147 : memref<64xi32, #tpu.memory_space<vmem>>) semaphore(%arg15 : memref<!tpu.dma_semaphore, #tpu.memory_space<semaphore_mem>>)
      %dma_start3A_151 = arith.constant 2 : i32
      %dma_start3A_152 = arith.constant 0 : i32
      %dma_start3A_153 = tpu.memref_slice %arg7[%dma_start3A_151, %dma_start3A_152] : memref<40x64xi32, #tpu.memory_space<vmem>> -> memref<1x64xi32, #tpu.memory_space<vmem>>
      %dma_start3A_154 = tpu.memref_squeeze %dma_start3A_153 : memref<1x64xi32, #tpu.memory_space<vmem>> -> memref<64xi32, #tpu.memory_space<vmem>>
      %dma_start3A_155 = arith.constant 0 : i32
      %dma_start3A_156 = arith.constant 0 : i32
      %dma_start3A_157 = tpu.memref_slice %arg2[%dma_start3A_155, %dma_start3A_156] : memref<80000x128xf32, #tpu.memory_space<hbm>> -> memref<80000x128xf32, #tpu.memory_space<hbm>>
      tpu.enqueue_indirect_dma source(%dma_start3A_157 : memref<80000x128xf32, #tpu.memory_space<hbm>>) target(%arg11 : memref<64x128xf32, #tpu.memory_space<vmem>>) offsets(%dma_start3A_154 : memref<64xi32, #tpu.memory_space<vmem>>) semaphore(%arg16 : memref<!tpu.dma_semaphore, #tpu.memory_space<semaphore_mem>>)
      %dma_start3A_158 = arith.constant 3 : i32
      %dma_start3A_159 = arith.constant 0 : i32
      %dma_start3A_160 = tpu.memref_slice %arg7[%dma_start3A_158, %dma_start3A_159] : memref<40x64xi32, #tpu.memory_space<vmem>> -> memref<1x64xi32, #tpu.memory_space<vmem>>
      %dma_start3A_161 = tpu.memref_squeeze %dma_start3A_160 : memref<1x64xi32, #tpu.memory_space<vmem>> -> memref<64xi32, #tpu.memory_space<vmem>>
      %dma_start3A_162 = arith.constant 0 : i32
      %dma_start3A_163 = arith.constant 0 : i32
      %dma_start3A_164 = tpu.memref_slice %arg2[%dma_start3A_162, %dma_start3A_163] : memref<80000x128xf32, #tpu.memory_space<hbm>> -> memref<80000x128xf32, #tpu.memory_space<hbm>>
      tpu.enqueue_indirect_dma source(%dma_start3A_164 : memref<80000x128xf32, #tpu.memory_space<hbm>>) target(%arg12 : memref<64x128xf32, #tpu.memory_space<vmem>>) offsets(%dma_start3A_161 : memref<64xi32, #tpu.memory_space<vmem>>) semaphore(%arg17 : memref<!tpu.dma_semaphore, #tpu.memory_space<semaphore_mem>>)
      %scan3A_165 = arith.constant 0 : i32
      %scan3A_166 = arith.constant 10 : i32
      %scan3A_167 = arith.addi %scan3A_165, %scan3A_166 : i32
      %scan3A_168 = arith.constant 1 : i32
      scf.for %scan3A_222 = %scan3A_165 to %scan3A_167 step %scan3A_168  : i32 {
        %mul3A_223 = arith.constant 4 : i32
        %mul3A_224 = arith.muli %scan3A_222, %mul3A_223 : i32
        %add3A_225 = arith.constant 0 : i32
        %add3A_226 = arith.addi %mul3A_224, %add3A_225 : i32
        %dma_wait3A = arith.constant 0 : i32
        %dma_wait3A_227 = arith.constant 0 : i32
        %dma_wait3A_228 = tpu.memref_slice %arg2[%dma_wait3A, %dma_wait3A_227] : memref<80000x128xf32, #tpu.memory_space<hbm>> -> memref<64x128xf32, #tpu.memory_space<hbm>>
        %dma_wait3A_229 = arith.constant 0 : i32
        %dma_wait3A_230 = arith.constant 0 : i32
        %dma_wait3A_231 = tpu.memref_slice %arg2[%dma_wait3A_229, %dma_wait3A_230] : memref<80000x128xf32, #tpu.memory_space<hbm>> -> memref<64x128xf32, #tpu.memory_space<hbm>>
        tpu.wait_dma2 semaphore(%arg14 : memref<!tpu.dma_semaphore, #tpu.memory_space<semaphore_mem>>) src(%dma_wait3A_231 : memref<64x128xf32, #tpu.memory_space<hbm>>) dst(%arg9 : memref<64x128xf32, #tpu.memory_space<vmem>>)
        "tpu.region"() ({
          %run_scoped3A = tpu.sem_alloc : memref<!tpu.dma_semaphore, #tpu.memory_space<semaphore_mem>>
          %dma_start3A_290 = arith.constant 0 : i32
          %dma_start3A_291 = tpu.memref_slice %arg8[%add3A_226, %dma_start3A_290] : memref<40x64xi32, #tpu.memory_space<vmem>> -> memref<1x64xi32, #tpu.memory_space<vmem>>
          %dma_start3A_292 = tpu.memref_squeeze %dma_start3A_291 : memref<1x64xi32, #tpu.memory_space<vmem>> -> memref<64xi32, #tpu.memory_space<vmem>>
          %dma_start3A_293 = arith.constant 0 : i32
          %dma_start3A_294 = arith.constant 0 : i32
          %dma_start3A_295 = tpu.memref_slice %arg13[%dma_start3A_293, %dma_start3A_294] : memref<10112x128xf32, #tpu.memory_space<vmem_shared>> -> memref<10112x128xf32, #tpu.memory_space<vmem_shared>>
          tpu.enqueue_indirect_dma source(%arg9 : memref<64x128xf32, #tpu.memory_space<vmem>>) target(%dma_start3A_295 : memref<10112x128xf32, #tpu.memory_space<vmem_shared>>) offsets(%dma_start3A_292 : memref<64xi32, #tpu.memory_space<vmem>>) semaphore(%run_scoped3A : memref<!tpu.dma_semaphore, #tpu.memory_space<semaphore_mem>>) {add = true}
          %dma_wait3A_296 = arith.constant 0 : i32
          %dma_wait3A_297 = tpu.memref_slice %arg8[%add3A_226, %dma_wait3A_296] : memref<40x64xi32, #tpu.memory_space<vmem>> -> memref<1x64xi32, #tpu.memory_space<vmem>>
          %dma_wait3A_298 = tpu.memref_squeeze %dma_wait3A_297 : memref<1x64xi32, #tpu.memory_space<vmem>> -> memref<64xi32, #tpu.memory_space<vmem>>
          %dma_wait3A_299 = arith.constant 0 : i32
          %dma_wait3A_300 = arith.constant 0 : i32
          %dma_wait3A_301 = tpu.memref_slice %arg13[%dma_wait3A_299, %dma_wait3A_300] : memref<10112x128xf32, #tpu.memory_space<vmem_shared>> -> memref<10112x128xf32, #tpu.memory_space<vmem_shared>>
          tpu.wait_indirect_dma semaphore(%run_scoped3A : memref<!tpu.dma_semaphore, #tpu.memory_space<semaphore_mem>>) src(%arg9 : memref<64x128xf32, #tpu.memory_space<vmem>>) dst(%dma_wait3A_301 : memref<10112x128xf32, #tpu.memory_space<vmem_shared>>)
          tpu.yield
        }) : () -> ()
        %add3A_232 = arith.constant 4 : i32
        %add3A_233 = arith.addi %add3A_226, %add3A_232 : i32
        %lt3A_234 = arith.constant 40 : i32
        %lt3A_235 = arith.cmpi slt, %add3A_233, %lt3A_234 : i32
        %convert_element_type3A_236 = arith.extui %lt3A_235 : i1 to i32
        %cond3A_237 = arith.constant 0 : i32
        %cond3A_238 = arith.cmpi ne, %convert_element_type3A_236, %cond3A_237 : i32
        scf.if %cond3A_238 {
          %add3A_290 = arith.constant 4 : i32
          %add3A_291 = arith.addi %add3A_226, %add3A_290 : i32
          %dma_start3A_292 = arith.constant 0 : i32
          %dma_start3A_293 = tpu.memref_slice %arg7[%add3A_291, %dma_start3A_292] : memref<40x64xi32, #tpu.memory_space<vmem>> -> memref<1x64xi32, #tpu.memory_space<vmem>>
          %dma_start3A_294 = tpu.memref_squeeze %dma_start3A_293 : memref<1x64xi32, #tpu.memory_space<vmem>> -> memref<64xi32, #tpu.memory_space<vmem>>
          %dma_start3A_295 = arith.constant 0 : i32
          %dma_start3A_296 = arith.constant 0 : i32
          %dma_start3A_297 = tpu.memref_slice %arg2[%dma_start3A_295, %dma_start3A_296] : memref<80000x128xf32, #tpu.memory_space<hbm>> -> memref<80000x128xf32, #tpu.memory_space<hbm>>
          tpu.enqueue_indirect_dma source(%dma_start3A_297 : memref<80000x128xf32, #tpu.memory_space<hbm>>) target(%arg9 : memref<64x128xf32, #tpu.memory_space<vmem>>) offsets(%dma_start3A_294 : memref<64xi32, #tpu.memory_space<vmem>>) semaphore(%arg14 : memref<!tpu.dma_semaphore, #tpu.memory_space<semaphore_mem>>)
        } else {
        }
        %mul3A_239 = arith.constant 4 : i32
        %mul3A_240 = arith.muli %scan3A_222, %mul3A_239 : i32
        %add3A_241 = arith.constant 1 : i32
        %add3A_242 = arith.addi %mul3A_240, %add3A_241 : i32
        %dma_wait3A_243 = arith.constant 0 : i32
        %dma_wait3A_244 = arith.constant 0 : i32
        %dma_wait3A_245 = tpu.memref_slice %arg2[%dma_wait3A_243, %dma_wait3A_244] : memref<80000x128xf32, #tpu.memory_space<hbm>> -> memref<64x128xf32, #tpu.memory_space<hbm>>
        %dma_wait3A_246 = arith.constant 0 : i32
        %dma_wait3A_247 = arith.constant 0 : i32
        %dma_wait3A_248 = tpu.memref_slice %arg2[%dma_wait3A_246, %dma_wait3A_247] : memref<80000x128xf32, #tpu.memory_space<hbm>> -> memref<64x128xf32, #tpu.memory_space<hbm>>
        tpu.wait_dma2 semaphore(%arg15 : memref<!tpu.dma_semaphore, #tpu.memory_space<semaphore_mem>>) src(%dma_wait3A_248 : memref<64x128xf32, #tpu.memory_space<hbm>>) dst(%arg10 : memref<64x128xf32, #tpu.memory_space<vmem>>)
        "tpu.region"() ({
          %run_scoped3A = tpu.sem_alloc : memref<!tpu.dma_semaphore, #tpu.memory_space<semaphore_mem>>
          %dma_start3A_290 = arith.constant 0 : i32
          %dma_start3A_291 = tpu.memref_slice %arg8[%add3A_242, %dma_start3A_290] : memref<40x64xi32, #tpu.memory_space<vmem>> -> memref<1x64xi32, #tpu.memory_space<vmem>>
          %dma_start3A_292 = tpu.memref_squeeze %dma_start3A_291 : memref<1x64xi32, #tpu.memory_space<vmem>> -> memref<64xi32, #tpu.memory_space<vmem>>
          %dma_start3A_293 = arith.constant 0 : i32
          %dma_start3A_294 = arith.constant 0 : i32
          %dma_start3A_295 = tpu.memref_slice %arg13[%dma_start3A_293, %dma_start3A_294] : memref<10112x128xf32, #tpu.memory_space<vmem_shared>> -> memref<10112x128xf32, #tpu.memory_space<vmem_shared>>
          tpu.enqueue_indirect_dma source(%arg10 : memref<64x128xf32, #tpu.memory_space<vmem>>) target(%dma_start3A_295 : memref<10112x128xf32, #tpu.memory_space<vmem_shared>>) offsets(%dma_start3A_292 : memref<64xi32, #tpu.memory_space<vmem>>) semaphore(%run_scoped3A : memref<!tpu.dma_semaphore, #tpu.memory_space<semaphore_mem>>) {add = true}
          %dma_wait3A_296 = arith.constant 0 : i32
          %dma_wait3A_297 = tpu.memref_slice %arg8[%add3A_242, %dma_wait3A_296] : memref<40x64xi32, #tpu.memory_space<vmem>> -> memref<1x64xi32, #tpu.memory_space<vmem>>
          %dma_wait3A_298 = tpu.memref_squeeze %dma_wait3A_297 : memref<1x64xi32, #tpu.memory_space<vmem>> -> memref<64xi32, #tpu.memory_space<vmem>>
          %dma_wait3A_299 = arith.constant 0 : i32
          %dma_wait3A_300 = arith.constant 0 : i32
          %dma_wait3A_301 = tpu.memref_slice %arg13[%dma_wait3A_299, %dma_wait3A_300] : memref<10112x128xf32, #tpu.memory_space<vmem_shared>> -> memref<10112x128xf32, #tpu.memory_space<vmem_shared>>
          tpu.wait_indirect_dma semaphore(%run_scoped3A : memref<!tpu.dma_semaphore, #tpu.memory_space<semaphore_mem>>) src(%arg10 : memref<64x128xf32, #tpu.memory_space<vmem>>) dst(%dma_wait3A_301 : memref<10112x128xf32, #tpu.memory_space<vmem_shared>>)
          tpu.yield
        }) : () -> ()
        %add3A_249 = arith.constant 4 : i32
        %add3A_250 = arith.addi %add3A_242, %add3A_249 : i32
        %lt3A_251 = arith.constant 40 : i32
        %lt3A_252 = arith.cmpi slt, %add3A_250, %lt3A_251 : i32
        %convert_element_type3A_253 = arith.extui %lt3A_252 : i1 to i32
        %cond3A_254 = arith.constant 0 : i32
        %cond3A_255 = arith.cmpi ne, %convert_element_type3A_253, %cond3A_254 : i32
        scf.if %cond3A_255 {
          %add3A_290 = arith.constant 4 : i32
          %add3A_291 = arith.addi %add3A_242, %add3A_290 : i32
          %dma_start3A_292 = arith.constant 0 : i32
          %dma_start3A_293 = tpu.memref_slice %arg7[%add3A_291, %dma_start3A_292] : memref<40x64xi32, #tpu.memory_space<vmem>> -> memref<1x64xi32, #tpu.memory_space<vmem>>
          %dma_start3A_294 = tpu.memref_squeeze %dma_start3A_293 : memref<1x64xi32, #tpu.memory_space<vmem>> -> memref<64xi32, #tpu.memory_space<vmem>>
          %dma_start3A_295 = arith.constant 0 : i32
          %dma_start3A_296 = arith.constant 0 : i32
          %dma_start3A_297 = tpu.memref_slice %arg2[%dma_start3A_295, %dma_start3A_296] : memref<80000x128xf32, #tpu.memory_space<hbm>> -> memref<80000x128xf32, #tpu.memory_space<hbm>>
          tpu.enqueue_indirect_dma source(%dma_start3A_297 : memref<80000x128xf32, #tpu.memory_space<hbm>>) target(%arg10 : memref<64x128xf32, #tpu.memory_space<vmem>>) offsets(%dma_start3A_294 : memref<64xi32, #tpu.memory_space<vmem>>) semaphore(%arg15 : memref<!tpu.dma_semaphore, #tpu.memory_space<semaphore_mem>>)
        } else {
        }
        %mul3A_256 = arith.constant 4 : i32
        %mul3A_257 = arith.muli %scan3A_222, %mul3A_256 : i32
        %add3A_258 = arith.constant 2 : i32
        %add3A_259 = arith.addi %mul3A_257, %add3A_258 : i32
        %dma_wait3A_260 = arith.constant 0 : i32
        %dma_wait3A_261 = arith.constant 0 : i32
        %dma_wait3A_262 = tpu.memref_slice %arg2[%dma_wait3A_260, %dma_wait3A_261] : memref<80000x128xf32, #tpu.memory_space<hbm>> -> memref<64x128xf32, #tpu.memory_space<hbm>>
        %dma_wait3A_263 = arith.constant 0 : i32
        %dma_wait3A_264 = arith.constant 0 : i32
        %dma_wait3A_265 = tpu.memref_slice %arg2[%dma_wait3A_263, %dma_wait3A_264] : memref<80000x128xf32, #tpu.memory_space<hbm>> -> memref<64x128xf32, #tpu.memory_space<hbm>>
        tpu.wait_dma2 semaphore(%arg16 : memref<!tpu.dma_semaphore, #tpu.memory_space<semaphore_mem>>) src(%dma_wait3A_265 : memref<64x128xf32, #tpu.memory_space<hbm>>) dst(%arg11 : memref<64x128xf32, #tpu.memory_space<vmem>>)
        "tpu.region"() ({
          %run_scoped3A = tpu.sem_alloc : memref<!tpu.dma_semaphore, #tpu.memory_space<semaphore_mem>>
          %dma_start3A_290 = arith.constant 0 : i32
          %dma_start3A_291 = tpu.memref_slice %arg8[%add3A_259, %dma_start3A_290] : memref<40x64xi32, #tpu.memory_space<vmem>> -> memref<1x64xi32, #tpu.memory_space<vmem>>
          %dma_start3A_292 = tpu.memref_squeeze %dma_start3A_291 : memref<1x64xi32, #tpu.memory_space<vmem>> -> memref<64xi32, #tpu.memory_space<vmem>>
          %dma_start3A_293 = arith.constant 0 : i32
          %dma_start3A_294 = arith.constant 0 : i32
          %dma_start3A_295 = tpu.memref_slice %arg13[%dma_start3A_293, %dma_start3A_294] : memref<10112x128xf32, #tpu.memory_space<vmem_shared>> -> memref<10112x128xf32, #tpu.memory_space<vmem_shared>>
          tpu.enqueue_indirect_dma source(%arg11 : memref<64x128xf32, #tpu.memory_space<vmem>>) target(%dma_start3A_295 : memref<10112x128xf32, #tpu.memory_space<vmem_shared>>) offsets(%dma_start3A_292 : memref<64xi32, #tpu.memory_space<vmem>>) semaphore(%run_scoped3A : memref<!tpu.dma_semaphore, #tpu.memory_space<semaphore_mem>>) {add = true}
          %dma_wait3A_296 = arith.constant 0 : i32
          %dma_wait3A_297 = tpu.memref_slice %arg8[%add3A_259, %dma_wait3A_296] : memref<40x64xi32, #tpu.memory_space<vmem>> -> memref<1x64xi32, #tpu.memory_space<vmem>>
          %dma_wait3A_298 = tpu.memref_squeeze %dma_wait3A_297 : memref<1x64xi32, #tpu.memory_space<vmem>> -> memref<64xi32, #tpu.memory_space<vmem>>
          %dma_wait3A_299 = arith.constant 0 : i32
          %dma_wait3A_300 = arith.constant 0 : i32
          %dma_wait3A_301 = tpu.memref_slice %arg13[%dma_wait3A_299, %dma_wait3A_300] : memref<10112x128xf32, #tpu.memory_space<vmem_shared>> -> memref<10112x128xf32, #tpu.memory_space<vmem_shared>>
          tpu.wait_indirect_dma semaphore(%run_scoped3A : memref<!tpu.dma_semaphore, #tpu.memory_space<semaphore_mem>>) src(%arg11 : memref<64x128xf32, #tpu.memory_space<vmem>>) dst(%dma_wait3A_301 : memref<10112x128xf32, #tpu.memory_space<vmem_shared>>)
          tpu.yield
        }) : () -> ()
        %add3A_266 = arith.constant 4 : i32
        %add3A_267 = arith.addi %add3A_259, %add3A_266 : i32
        %lt3A_268 = arith.constant 40 : i32
        %lt3A_269 = arith.cmpi slt, %add3A_267, %lt3A_268 : i32
        %convert_element_type3A_270 = arith.extui %lt3A_269 : i1 to i32
        %cond3A_271 = arith.constant 0 : i32
        %cond3A_272 = arith.cmpi ne, %convert_element_type3A_270, %cond3A_271 : i32
        scf.if %cond3A_272 {
          %add3A_290 = arith.constant 4 : i32
          %add3A_291 = arith.addi %add3A_259, %add3A_290 : i32
          %dma_start3A_292 = arith.constant 0 : i32
          %dma_start3A_293 = tpu.memref_slice %arg7[%add3A_291, %dma_start3A_292] : memref<40x64xi32, #tpu.memory_space<vmem>> -> memref<1x64xi32, #tpu.memory_space<vmem>>
          %dma_start3A_294 = tpu.memref_squeeze %dma_start3A_293 : memref<1x64xi32, #tpu.memory_space<vmem>> -> memref<64xi32, #tpu.memory_space<vmem>>
          %dma_start3A_295 = arith.constant 0 : i32
          %dma_start3A_296 = arith.constant 0 : i32
          %dma_start3A_297 = tpu.memref_slice %arg2[%dma_start3A_295, %dma_start3A_296] : memref<80000x128xf32, #tpu.memory_space<hbm>> -> memref<80000x128xf32, #tpu.memory_space<hbm>>
          tpu.enqueue_indirect_dma source(%dma_start3A_297 : memref<80000x128xf32, #tpu.memory_space<hbm>>) target(%arg11 : memref<64x128xf32, #tpu.memory_space<vmem>>) offsets(%dma_start3A_294 : memref<64xi32, #tpu.memory_space<vmem>>) semaphore(%arg16 : memref<!tpu.dma_semaphore, #tpu.memory_space<semaphore_mem>>)
        } else {
        }
        %mul3A_273 = arith.constant 4 : i32
        %mul3A_274 = arith.muli %scan3A_222, %mul3A_273 : i32
        %add3A_275 = arith.constant 3 : i32
        %add3A_276 = arith.addi %mul3A_274, %add3A_275 : i32
        %dma_wait3A_277 = arith.constant 0 : i32
        %dma_wait3A_278 = arith.constant 0 : i32
        %dma_wait3A_279 = tpu.memref_slice %arg2[%dma_wait3A_277, %dma_wait3A_278] : memref<80000x128xf32, #tpu.memory_space<hbm>> -> memref<64x128xf32, #tpu.memory_space<hbm>>
        %dma_wait3A_280 = arith.constant 0 : i32
        %dma_wait3A_281 = arith.constant 0 : i32
        %dma_wait3A_282 = tpu.memref_slice %arg2[%dma_wait3A_280, %dma_wait3A_281] : memref<80000x128xf32, #tpu.memory_space<hbm>> -> memref<64x128xf32, #tpu.memory_space<hbm>>
        tpu.wait_dma2 semaphore(%arg17 : memref<!tpu.dma_semaphore, #tpu.memory_space<semaphore_mem>>) src(%dma_wait3A_282 : memref<64x128xf32, #tpu.memory_space<hbm>>) dst(%arg12 : memref<64x128xf32, #tpu.memory_space<vmem>>)
        "tpu.region"() ({
          %run_scoped3A = tpu.sem_alloc : memref<!tpu.dma_semaphore, #tpu.memory_space<semaphore_mem>>
          %dma_start3A_290 = arith.constant 0 : i32
          %dma_start3A_291 = tpu.memref_slice %arg8[%add3A_276, %dma_start3A_290] : memref<40x64xi32, #tpu.memory_space<vmem>> -> memref<1x64xi32, #tpu.memory_space<vmem>>
          %dma_start3A_292 = tpu.memref_squeeze %dma_start3A_291 : memref<1x64xi32, #tpu.memory_space<vmem>> -> memref<64xi32, #tpu.memory_space<vmem>>
          %dma_start3A_293 = arith.constant 0 : i32
          %dma_start3A_294 = arith.constant 0 : i32
          %dma_start3A_295 = tpu.memref_slice %arg13[%dma_start3A_293, %dma_start3A_294] : memref<10112x128xf32, #tpu.memory_space<vmem_shared>> -> memref<10112x128xf32, #tpu.memory_space<vmem_shared>>
          tpu.enqueue_indirect_dma source(%arg12 : memref<64x128xf32, #tpu.memory_space<vmem>>) target(%dma_start3A_295 : memref<10112x128xf32, #tpu.memory_space<vmem_shared>>) offsets(%dma_start3A_292 : memref<64xi32, #tpu.memory_space<vmem>>) semaphore(%run_scoped3A : memref<!tpu.dma_semaphore, #tpu.memory_space<semaphore_mem>>) {add = true}
          %dma_wait3A_296 = arith.constant 0 : i32
          %dma_wait3A_297 = tpu.memref_slice %arg8[%add3A_276, %dma_wait3A_296] : memref<40x64xi32, #tpu.memory_space<vmem>> -> memref<1x64xi32, #tpu.memory_space<vmem>>
          %dma_wait3A_298 = tpu.memref_squeeze %dma_wait3A_297 : memref<1x64xi32, #tpu.memory_space<vmem>> -> memref<64xi32, #tpu.memory_space<vmem>>
          %dma_wait3A_299 = arith.constant 0 : i32
          %dma_wait3A_300 = arith.constant 0 : i32
          %dma_wait3A_301 = tpu.memref_slice %arg13[%dma_wait3A_299, %dma_wait3A_300] : memref<10112x128xf32, #tpu.memory_space<vmem_shared>> -> memref<10112x128xf32, #tpu.memory_space<vmem_shared>>
          tpu.wait_indirect_dma semaphore(%run_scoped3A : memref<!tpu.dma_semaphore, #tpu.memory_space<semaphore_mem>>) src(%arg12 : memref<64x128xf32, #tpu.memory_space<vmem>>) dst(%dma_wait3A_301 : memref<10112x128xf32, #tpu.memory_space<vmem_shared>>)
          tpu.yield
        }) : () -> ()
        %add3A_283 = arith.constant 4 : i32
        %add3A_284 = arith.addi %add3A_276, %add3A_283 : i32
        %lt3A_285 = arith.constant 40 : i32
        %lt3A_286 = arith.cmpi slt, %add3A_284, %lt3A_285 : i32
        %convert_element_type3A_287 = arith.extui %lt3A_286 : i1 to i32
        %cond3A_288 = arith.constant 0 : i32
        %cond3A_289 = arith.cmpi ne, %convert_element_type3A_287, %cond3A_288 : i32
        scf.if %cond3A_289 {
          %add3A_290 = arith.constant 4 : i32
          %add3A_291 = arith.addi %add3A_276, %add3A_290 : i32
          %dma_start3A_292 = arith.constant 0 : i32
          %dma_start3A_293 = tpu.memref_slice %arg7[%add3A_291, %dma_start3A_292] : memref<40x64xi32, #tpu.memory_space<vmem>> -> memref<1x64xi32, #tpu.memory_space<vmem>>
          %dma_start3A_294 = tpu.memref_squeeze %dma_start3A_293 : memref<1x64xi32, #tpu.memory_space<vmem>> -> memref<64xi32, #tpu.memory_space<vmem>>
          %dma_start3A_295 = arith.constant 0 : i32
          %dma_start3A_296 = arith.constant 0 : i32
          %dma_start3A_297 = tpu.memref_slice %arg2[%dma_start3A_295, %dma_start3A_296] : memref<80000x128xf32, #tpu.memory_space<hbm>> -> memref<80000x128xf32, #tpu.memory_space<hbm>>
          tpu.enqueue_indirect_dma source(%dma_start3A_297 : memref<80000x128xf32, #tpu.memory_space<hbm>>) target(%arg12 : memref<64x128xf32, #tpu.memory_space<vmem>>) offsets(%dma_start3A_294 : memref<64xi32, #tpu.memory_space<vmem>>) semaphore(%arg17 : memref<!tpu.dma_semaphore, #tpu.memory_space<semaphore_mem>>)
        } else {
        }
      }
      %scan3A_169 = arith.constant 10 : i32
      %mul3A_170 = arith.constant 160 : i32
      %mul3A_171 = arith.muli %arg1, %mul3A_170 : i32
      %add3A_172 = arith.constant 120 : i32
      %add3A_173 = arith.addi %mul3A_171, %add3A_172 : i32
      "tpu.region"() ({
        %run_scoped3A = tpu.sem_alloc : memref<!tpu.dma_semaphore, #tpu.memory_space<semaphore_mem>>
        %dma_start3A_222 = arith.constant 0 : i32
        %dma_start3A_223 = arith.constant 0 : i32
        %dma_start3A_224 = tpu.memref_slice %arg7[%dma_start3A_222, %dma_start3A_223] : memref<40x64xi32, #tpu.memory_space<vmem>> -> memref<40x64xi32, #tpu.memory_space<vmem>>
        %dma_start3A_225 = arith.constant 0 : i32
        %dma_start3A_226 = tpu.memref_slice %arg4[%add3A_173, %dma_start3A_225] : memref<2560x64xi32, #tpu.memory_space<hbm>> -> memref<40x64xi32, #tpu.memory_space<hbm>>
        %dma_start3A_227 = arith.constant 0 : i32
        %dma_start3A_228 = arith.constant 0 : i32
        %dma_start3A_229 = tpu.memref_slice %arg7[%dma_start3A_227, %dma_start3A_228] : memref<40x64xi32, #tpu.memory_space<vmem>> -> memref<40x64xi32, #tpu.memory_space<vmem>>
        %dma_start3A_230 = arith.constant 0 : i32
        %dma_start3A_231 = tpu.memref_slice %arg4[%add3A_173, %dma_start3A_230] : memref<2560x64xi32, #tpu.memory_space<hbm>> -> memref<40x64xi32, #tpu.memory_space<hbm>>
        tpu.enqueue_dma source(%dma_start3A_231 : memref<40x64xi32, #tpu.memory_space<hbm>>) target(%dma_start3A_229 : memref<40x64xi32, #tpu.memory_space<vmem>>) target_semaphore(%run_scoped3A : memref<!tpu.dma_semaphore, #tpu.memory_space<semaphore_mem>>)
        %dma_wait3A = arith.constant 0 : i32
        %dma_wait3A_232 = arith.constant 0 : i32
        %dma_wait3A_233 = tpu.memref_slice %arg7[%dma_wait3A, %dma_wait3A_232] : memref<40x64xi32, #tpu.memory_space<vmem>> -> memref<40x64xi32, #tpu.memory_space<vmem>>
        %dma_wait3A_234 = arith.constant 0 : i32
        %dma_wait3A_235 = tpu.memref_slice %arg4[%add3A_173, %dma_wait3A_234] : memref<2560x64xi32, #tpu.memory_space<hbm>> -> memref<40x64xi32, #tpu.memory_space<hbm>>
        %dma_wait3A_236 = arith.constant 0 : i32
        %dma_wait3A_237 = arith.constant 0 : i32
        %dma_wait3A_238 = tpu.memref_slice %arg7[%dma_wait3A_236, %dma_wait3A_237] : memref<40x64xi32, #tpu.memory_space<vmem>> -> memref<40x64xi32, #tpu.memory_space<vmem>>
        %dma_wait3A_239 = arith.constant 0 : i32
        %dma_wait3A_240 = tpu.memref_slice %arg4[%add3A_173, %dma_wait3A_239] : memref<2560x64xi32, #tpu.memory_space<hbm>> -> memref<40x64xi32, #tpu.memory_space<hbm>>
        tpu.wait_dma2 semaphore(%run_scoped3A : memref<!tpu.dma_semaphore, #tpu.memory_space<semaphore_mem>>) src(%dma_wait3A_240 : memref<40x64xi32, #tpu.memory_space<hbm>>) dst(%dma_wait3A_238 : memref<40x64xi32, #tpu.memory_space<vmem>>)
        tpu.yield
      }) : () -> ()
      "tpu.region"() ({
        %run_scoped3A = tpu.sem_alloc : memref<!tpu.dma_semaphore, #tpu.memory_space<semaphore_mem>>
        %dma_start3A_222 = arith.constant 0 : i32
        %dma_start3A_223 = arith.constant 0 : i32
        %dma_start3A_224 = tpu.memref_slice %arg8[%dma_start3A_222, %dma_start3A_223] : memref<40x64xi32, #tpu.memory_space<vmem>> -> memref<40x64xi32, #tpu.memory_space<vmem>>
        %dma_start3A_225 = arith.constant 0 : i32
        %dma_start3A_226 = tpu.memref_slice %arg3[%add3A_173, %dma_start3A_225] : memref<2560x64xi32, #tpu.memory_space<hbm>> -> memref<40x64xi32, #tpu.memory_space<hbm>>
        %dma_start3A_227 = arith.constant 0 : i32
        %dma_start3A_228 = arith.constant 0 : i32
        %dma_start3A_229 = tpu.memref_slice %arg8[%dma_start3A_227, %dma_start3A_228] : memref<40x64xi32, #tpu.memory_space<vmem>> -> memref<40x64xi32, #tpu.memory_space<vmem>>
        %dma_start3A_230 = arith.constant 0 : i32
        %dma_start3A_231 = tpu.memref_slice %arg3[%add3A_173, %dma_start3A_230] : memref<2560x64xi32, #tpu.memory_space<hbm>> -> memref<40x64xi32, #tpu.memory_space<hbm>>
        tpu.enqueue_dma source(%dma_start3A_231 : memref<40x64xi32, #tpu.memory_space<hbm>>) target(%dma_start3A_229 : memref<40x64xi32, #tpu.memory_space<vmem>>) target_semaphore(%run_scoped3A : memref<!tpu.dma_semaphore, #tpu.memory_space<semaphore_mem>>)
        %dma_wait3A = arith.constant 0 : i32
        %dma_wait3A_232 = arith.constant 0 : i32
        %dma_wait3A_233 = tpu.memref_slice %arg8[%dma_wait3A, %dma_wait3A_232] : memref<40x64xi32, #tpu.memory_space<vmem>> -> memref<40x64xi32, #tpu.memory_space<vmem>>
        %dma_wait3A_234 = arith.constant 0 : i32
        %dma_wait3A_235 = tpu.memref_slice %arg3[%add3A_173, %dma_wait3A_234] : memref<2560x64xi32, #tpu.memory_space<hbm>> -> memref<40x64xi32, #tpu.memory_space<hbm>>
        %dma_wait3A_236 = arith.constant 0 : i32
        %dma_wait3A_237 = arith.constant 0 : i32
        %dma_wait3A_238 = tpu.memref_slice %arg8[%dma_wait3A_236, %dma_wait3A_237] : memref<40x64xi32, #tpu.memory_space<vmem>> -> memref<40x64xi32, #tpu.memory_space<vmem>>
        %dma_wait3A_239 = arith.constant 0 : i32
        %dma_wait3A_240 = tpu.memref_slice %arg3[%add3A_173, %dma_wait3A_239] : memref<2560x64xi32, #tpu.memory_space<hbm>> -> memref<40x64xi32, #tpu.memory_space<hbm>>
        tpu.wait_dma2 semaphore(%run_scoped3A : memref<!tpu.dma_semaphore, #tpu.memory_space<semaphore_mem>>) src(%dma_wait3A_240 : memref<40x64xi32, #tpu.memory_space<hbm>>) dst(%dma_wait3A_238 : memref<40x64xi32, #tpu.memory_space<vmem>>)
        tpu.yield
      }) : () -> ()
      %scan3A_174 = arith.constant 0 : i32
      %scan3A_175 = arith.constant 40 : i32
      %scan3A_176 = arith.addi %scan3A_174, %scan3A_175 : i32
      %scan3A_177 = arith.constant 1 : i32
      scf.for %scan3A_222 = %scan3A_174 to %scan3A_176 step %scan3A_177  : i32 {
        %get3A = arith.index_cast %scan3A_222 : i32 to index
        %get3A_223 = arith.constant 0 : index
        %get3A_224 = tpu.vector_load %arg7[%get3A, %get3A_223] {strides = array<i32>} : memref<40x64xi32, #tpu.memory_space<vmem>>, vector<1x16xi32>,
        %get3A_225 = vector.shape_cast %get3A_224 : vector<1x16xi32> to vector<16xi32>
        %mul3A_226 = arith.constant 10000 : i32
        %mul3A_227 = vector.broadcast %mul3A_226 : i32 to vector<16xi32>
        %mul3A_228 = arith.muli %get3A_225, %mul3A_227 : vector<16xi32>
        %get3A_229 = arith.index_cast %scan3A_222 : i32 to index
        %get3A_230 = arith.constant 0 : index
        %get3A_231 = tpu.vector_load %arg8[%get3A_229, %get3A_230] {strides = array<i32>} : memref<40x64xi32, #tpu.memory_space<vmem>>, vector<1x16xi32>,
        %get3A_232 = vector.shape_cast %get3A_231 : vector<1x16xi32> to vector<16xi32>
        %add3A_233 = arith.addi %mul3A_228, %get3A_232 : vector<16xi32>
        %swap3A = arith.index_cast %scan3A_222 : i32 to index
        %swap3A_234 = arith.constant 0 : index
        %swap3A_235 = tpu.vector_load %arg7[%swap3A, %swap3A_234] {strides = array<i32>} : memref<40x64xi32, #tpu.memory_space<vmem>>, vector<1x16xi32>,
        %swap3A_236 = vector.shape_cast %swap3A_235 : vector<1x16xi32> to vector<16xi32>
        %swap3A_237 = vector.shape_cast %add3A_233 : vector<16xi32> to vector<1x16xi32>
        tpu.vector_store %arg7[%swap3A, %swap3A_234], %swap3A_237 {strides = array<i32>} : memref<40x64xi32, #tpu.memory_space<vmem>>, vector<1x16xi32>,
        %get3A_238 = arith.index_cast %scan3A_222 : i32 to index
        %get3A_239 = arith.constant 16 : index
        %get3A_240 = tpu.vector_load %arg7[%get3A_238, %get3A_239] {strides = array<i32>} : memref<40x64xi32, #tpu.memory_space<vmem>>, vector<1x16xi32>,
        %get3A_241 = vector.shape_cast %get3A_240 : vector<1x16xi32> to vector<16xi32>
        %mul3A_242 = arith.constant 10000 : i32
        %mul3A_243 = vector.broadcast %mul3A_242 : i32 to vector<16xi32>
        %mul3A_244 = arith.muli %get3A_241, %mul3A_243 : vector<16xi32>
        %get3A_245 = arith.index_cast %scan3A_222 : i32 to index
        %get3A_246 = arith.constant 16 : index
        %get3A_247 = tpu.vector_load %arg8[%get3A_245, %get3A_246] {strides = array<i32>} : memref<40x64xi32, #tpu.memory_space<vmem>>, vector<1x16xi32>,
        %get3A_248 = vector.shape_cast %get3A_247 : vector<1x16xi32> to vector<16xi32>
        %add3A_249 = arith.addi %mul3A_244, %get3A_248 : vector<16xi32>
        %swap3A_250 = arith.index_cast %scan3A_222 : i32 to index
        %swap3A_251 = arith.constant 16 : index
        %swap3A_252 = tpu.vector_load %arg7[%swap3A_250, %swap3A_251] {strides = array<i32>} : memref<40x64xi32, #tpu.memory_space<vmem>>, vector<1x16xi32>,
        %swap3A_253 = vector.shape_cast %swap3A_252 : vector<1x16xi32> to vector<16xi32>
        %swap3A_254 = vector.shape_cast %add3A_249 : vector<16xi32> to vector<1x16xi32>
        tpu.vector_store %arg7[%swap3A_250, %swap3A_251], %swap3A_254 {strides = array<i32>} : memref<40x64xi32, #tpu.memory_space<vmem>>, vector<1x16xi32>,
        %get3A_255 = arith.index_cast %scan3A_222 : i32 to index
        %get3A_256 = arith.constant 32 : index
        %get3A_257 = tpu.vector_load %arg7[%get3A_255, %get3A_256] {strides = array<i32>} : memref<40x64xi32, #tpu.memory_space<vmem>>, vector<1x16xi32>,
        %get3A_258 = vector.shape_cast %get3A_257 : vector<1x16xi32> to vector<16xi32>
        %mul3A_259 = arith.constant 10000 : i32
        %mul3A_260 = vector.broadcast %mul3A_259 : i32 to vector<16xi32>
        %mul3A_261 = arith.muli %get3A_258, %mul3A_260 : vector<16xi32>
        %get3A_262 = arith.index_cast %scan3A_222 : i32 to index
        %get3A_263 = arith.constant 32 : index
        %get3A_264 = tpu.vector_load %arg8[%get3A_262, %get3A_263] {strides = array<i32>} : memref<40x64xi32, #tpu.memory_space<vmem>>, vector<1x16xi32>,
        %get3A_265 = vector.shape_cast %get3A_264 : vector<1x16xi32> to vector<16xi32>
        %add3A_266 = arith.addi %mul3A_261, %get3A_265 : vector<16xi32>
        %swap3A_267 = arith.index_cast %scan3A_222 : i32 to index
        %swap3A_268 = arith.constant 32 : index
        %swap3A_269 = tpu.vector_load %arg7[%swap3A_267, %swap3A_268] {strides = array<i32>} : memref<40x64xi32, #tpu.memory_space<vmem>>, vector<1x16xi32>,
        %swap3A_270 = vector.shape_cast %swap3A_269 : vector<1x16xi32> to vector<16xi32>
        %swap3A_271 = vector.shape_cast %add3A_266 : vector<16xi32> to vector<1x16xi32>
        tpu.vector_store %arg7[%swap3A_267, %swap3A_268], %swap3A_271 {strides = array<i32>} : memref<40x64xi32, #tpu.memory_space<vmem>>, vector<1x16xi32>,
        %get3A_272 = arith.index_cast %scan3A_222 : i32 to index
        %get3A_273 = arith.constant 48 : index
        %get3A_274 = tpu.vector_load %arg7[%get3A_272, %get3A_273] {strides = array<i32>} : memref<40x64xi32, #tpu.memory_space<vmem>>, vector<1x16xi32>,
        %get3A_275 = vector.shape_cast %get3A_274 : vector<1x16xi32> to vector<16xi32>
        %mul3A_276 = arith.constant 10000 : i32
        %mul3A_277 = vector.broadcast %mul3A_276 : i32 to vector<16xi32>
        %mul3A_278 = arith.muli %get3A_275, %mul3A_277 : vector<16xi32>
        %get3A_279 = arith.index_cast %scan3A_222 : i32 to index
        %get3A_280 = arith.constant 48 : index
        %get3A_281 = tpu.vector_load %arg8[%get3A_279, %get3A_280] {strides = array<i32>} : memref<40x64xi32, #tpu.memory_space<vmem>>, vector<1x16xi32>,
        %get3A_282 = vector.shape_cast %get3A_281 : vector<1x16xi32> to vector<16xi32>
        %add3A_283 = arith.addi %mul3A_278, %get3A_282 : vector<16xi32>
        %swap3A_284 = arith.index_cast %scan3A_222 : i32 to index
        %swap3A_285 = arith.constant 48 : index
        %swap3A_286 = tpu.vector_load %arg7[%swap3A_284, %swap3A_285] {strides = array<i32>} : memref<40x64xi32, #tpu.memory_space<vmem>>, vector<1x16xi32>,
        %swap3A_287 = vector.shape_cast %swap3A_286 : vector<1x16xi32> to vector<16xi32>
        %swap3A_288 = vector.shape_cast %add3A_283 : vector<16xi32> to vector<1x16xi32>
        tpu.vector_store %arg7[%swap3A_284, %swap3A_285], %swap3A_288 {strides = array<i32>} : memref<40x64xi32, #tpu.memory_space<vmem>>, vector<1x16xi32>,
      }
      %scan3A_178 = arith.constant 40 : i32
      "tpu.region"() ({
        %run_scoped3A = tpu.sem_alloc : memref<!tpu.dma_semaphore, #tpu.memory_space<semaphore_mem>>
        %dma_start3A_222 = arith.constant 0 : i32
        %dma_start3A_223 = arith.constant 0 : i32
        %dma_start3A_224 = tpu.memref_slice %arg8[%dma_start3A_222, %dma_start3A_223] : memref<40x64xi32, #tpu.memory_space<vmem>> -> memref<40x64xi32, #tpu.memory_space<vmem>>
        %dma_start3A_225 = arith.constant 0 : i32
        %dma_start3A_226 = tpu.memref_slice %arg5[%add3A_173, %dma_start3A_225] : memref<2560x64xi32, #tpu.memory_space<hbm>> -> memref<40x64xi32, #tpu.memory_space<hbm>>
        %dma_start3A_227 = arith.constant 0 : i32
        %dma_start3A_228 = arith.constant 0 : i32
        %dma_start3A_229 = tpu.memref_slice %arg8[%dma_start3A_227, %dma_start3A_228] : memref<40x64xi32, #tpu.memory_space<vmem>> -> memref<40x64xi32, #tpu.memory_space<vmem>>
        %dma_start3A_230 = arith.constant 0 : i32
        %dma_start3A_231 = tpu.memref_slice %arg5[%add3A_173, %dma_start3A_230] : memref<2560x64xi32, #tpu.memory_space<hbm>> -> memref<40x64xi32, #tpu.memory_space<hbm>>
        tpu.enqueue_dma source(%dma_start3A_231 : memref<40x64xi32, #tpu.memory_space<hbm>>) target(%dma_start3A_229 : memref<40x64xi32, #tpu.memory_space<vmem>>) target_semaphore(%run_scoped3A : memref<!tpu.dma_semaphore, #tpu.memory_space<semaphore_mem>>)
        %dma_wait3A = arith.constant 0 : i32
        %dma_wait3A_232 = arith.constant 0 : i32
        %dma_wait3A_233 = tpu.memref_slice %arg8[%dma_wait3A, %dma_wait3A_232] : memref<40x64xi32, #tpu.memory_space<vmem>> -> memref<40x64xi32, #tpu.memory_space<vmem>>
        %dma_wait3A_234 = arith.constant 0 : i32
        %dma_wait3A_235 = tpu.memref_slice %arg5[%add3A_173, %dma_wait3A_234] : memref<2560x64xi32, #tpu.memory_space<hbm>> -> memref<40x64xi32, #tpu.memory_space<hbm>>
        %dma_wait3A_236 = arith.constant 0 : i32
        %dma_wait3A_237 = arith.constant 0 : i32
        %dma_wait3A_238 = tpu.memref_slice %arg8[%dma_wait3A_236, %dma_wait3A_237] : memref<40x64xi32, #tpu.memory_space<vmem>> -> memref<40x64xi32, #tpu.memory_space<vmem>>
        %dma_wait3A_239 = arith.constant 0 : i32
        %dma_wait3A_240 = tpu.memref_slice %arg5[%add3A_173, %dma_wait3A_239] : memref<2560x64xi32, #tpu.memory_space<hbm>> -> memref<40x64xi32, #tpu.memory_space<hbm>>
        tpu.wait_dma2 semaphore(%run_scoped3A : memref<!tpu.dma_semaphore, #tpu.memory_space<semaphore_mem>>) src(%dma_wait3A_240 : memref<40x64xi32, #tpu.memory_space<hbm>>) dst(%dma_wait3A_238 : memref<40x64xi32, #tpu.memory_space<vmem>>)
        tpu.yield
      }) : () -> ()
      %dma_start3A_179 = arith.constant 0 : i32
      %dma_start3A_180 = arith.constant 0 : i32
      %dma_start3A_181 = tpu.memref_slice %arg7[%dma_start3A_179, %dma_start3A_180] : memref<40x64xi32, #tpu.memory_space<vmem>> -> memref<1x64xi32, #tpu.memory_space<vmem>>
      %dma_start3A_182 = tpu.memref_squeeze %dma_start3A_181 : memref<1x64xi32, #tpu.memory_space<vmem>> -> memref<64xi32, #tpu.memory_space<vmem>>
      %dma_start3A_183 = arith.constant 0 : i32
      %dma_start3A_184 = arith.constant 0 : i32
      %dma_start3A_185 = tpu.memref_slice %arg2[%dma_start3A_183, %dma_start3A_184] : memref<80000x128xf32, #tpu.memory_space<hbm>> -> memref<80000x128xf32, #tpu.memory_space<hbm>>
      tpu.enqueue_indirect_dma source(%dma_start3A_185 : memref<80000x128xf32, #tpu.memory_space<hbm>>) target(%arg9 : memref<64x128xf32, #tpu.memory_space<vmem>>) offsets(%dma_start3A_182 : memref<64xi32, #tpu.memory_space<vmem>>) semaphore(%arg14 : memref<!tpu.dma_semaphore, #tpu.memory_space<semaphore_mem>>)
      %dma_start3A_186 = arith.constant 1 : i32
      %dma_start3A_187 = arith.constant 0 : i32
      %dma_start3A_188 = tpu.memref_slice %arg7[%dma_start3A_186, %dma_start3A_187] : memref<40x64xi32, #tpu.memory_space<vmem>> -> memref<1x64xi32, #tpu.memory_space<vmem>>
      %dma_start3A_189 = tpu.memref_squeeze %dma_start3A_188 : memref<1x64xi32, #tpu.memory_space<vmem>> -> memref<64xi32, #tpu.memory_space<vmem>>
      %dma_start3A_190 = arith.constant 0 : i32
      %dma_start3A_191 = arith.constant 0 : i32
      %dma_start3A_192 = tpu.memref_slice %arg2[%dma_start3A_190, %dma_start3A_191] : memref<80000x128xf32, #tpu.memory_space<hbm>> -> memref<80000x128xf32, #tpu.memory_space<hbm>>
      tpu.enqueue_indirect_dma source(%dma_start3A_192 : memref<80000x128xf32, #tpu.memory_space<hbm>>) target(%arg10 : memref<64x128xf32, #tpu.memory_space<vmem>>) offsets(%dma_start3A_189 : memref<64xi32, #tpu.memory_space<vmem>>) semaphore(%arg15 : memref<!tpu.dma_semaphore, #tpu.memory_space<semaphore_mem>>)
      %dma_start3A_193 = arith.constant 2 : i32
      %dma_start3A_194 = arith.constant 0 : i32
      %dma_start3A_195 = tpu.memref_slice %arg7[%dma_start3A_193, %dma_start3A_194] : memref<40x64xi32, #tpu.memory_space<vmem>> -> memref<1x64xi32, #tpu.memory_space<vmem>>
      %dma_start3A_196 = tpu.memref_squeeze %dma_start3A_195 : memref<1x64xi32, #tpu.memory_space<vmem>> -> memref<64xi32, #tpu.memory_space<vmem>>
      %dma_start3A_197 = arith.constant 0 : i32
      %dma_start3A_198 = arith.constant 0 : i32
      %dma_start3A_199 = tpu.memref_slice %arg2[%dma_start3A_197, %dma_start3A_198] : memref<80000x128xf32, #tpu.memory_space<hbm>> -> memref<80000x128xf32, #tpu.memory_space<hbm>>
      tpu.enqueue_indirect_dma source(%dma_start3A_199 : memref<80000x128xf32, #tpu.memory_space<hbm>>) target(%arg11 : memref<64x128xf32, #tpu.memory_space<vmem>>) offsets(%dma_start3A_196 : memref<64xi32, #tpu.memory_space<vmem>>) semaphore(%arg16 : memref<!tpu.dma_semaphore, #tpu.memory_space<semaphore_mem>>)
      %dma_start3A_200 = arith.constant 3 : i32
      %dma_start3A_201 = arith.constant 0 : i32
      %dma_start3A_202 = tpu.memref_slice %arg7[%dma_start3A_200, %dma_start3A_201] : memref<40x64xi32, #tpu.memory_space<vmem>> -> memref<1x64xi32, #tpu.memory_space<vmem>>
      %dma_start3A_203 = tpu.memref_squeeze %dma_start3A_202 : memref<1x64xi32, #tpu.memory_space<vmem>> -> memref<64xi32, #tpu.memory_space<vmem>>
      %dma_start3A_204 = arith.constant 0 : i32
      %dma_start3A_205 = arith.constant 0 : i32
      %dma_start3A_206 = tpu.memref_slice %arg2[%dma_start3A_204, %dma_start3A_205] : memref<80000x128xf32, #tpu.memory_space<hbm>> -> memref<80000x128xf32, #tpu.memory_space<hbm>>
      tpu.enqueue_indirect_dma source(%dma_start3A_206 : memref<80000x128xf32, #tpu.memory_space<hbm>>) target(%arg12 : memref<64x128xf32, #tpu.memory_space<vmem>>) offsets(%dma_start3A_203 : memref<64xi32, #tpu.memory_space<vmem>>) semaphore(%arg17 : memref<!tpu.dma_semaphore, #tpu.memory_space<semaphore_mem>>)
      %scan3A_207 = arith.constant 0 : i32
      %scan3A_208 = arith.constant 10 : i32
      %scan3A_209 = arith.addi %scan3A_207, %scan3A_208 : i32
      %scan3A_210 = arith.constant 1 : i32
      scf.for %scan3A_222 = %scan3A_207 to %scan3A_209 step %scan3A_210  : i32 {
        %mul3A_223 = arith.constant 4 : i32
        %mul3A_224 = arith.muli %scan3A_222, %mul3A_223 : i32
        %add3A_225 = arith.constant 0 : i32
        %add3A_226 = arith.addi %mul3A_224, %add3A_225 : i32
        %dma_wait3A = arith.constant 0 : i32
        %dma_wait3A_227 = arith.constant 0 : i32
        %dma_wait3A_228 = tpu.memref_slice %arg2[%dma_wait3A, %dma_wait3A_227] : memref<80000x128xf32, #tpu.memory_space<hbm>> -> memref<64x128xf32, #tpu.memory_space<hbm>>
        %dma_wait3A_229 = arith.constant 0 : i32
        %dma_wait3A_230 = arith.constant 0 : i32
        %dma_wait3A_231 = tpu.memref_slice %arg2[%dma_wait3A_229, %dma_wait3A_230] : memref<80000x128xf32, #tpu.memory_space<hbm>> -> memref<64x128xf32, #tpu.memory_space<hbm>>
        tpu.wait_dma2 semaphore(%arg14 : memref<!tpu.dma_semaphore, #tpu.memory_space<semaphore_mem>>) src(%dma_wait3A_231 : memref<64x128xf32, #tpu.memory_space<hbm>>) dst(%arg9 : memref<64x128xf32, #tpu.memory_space<vmem>>)
        "tpu.region"() ({
          %run_scoped3A = tpu.sem_alloc : memref<!tpu.dma_semaphore, #tpu.memory_space<semaphore_mem>>
          %dma_start3A_290 = arith.constant 0 : i32
          %dma_start3A_291 = tpu.memref_slice %arg8[%add3A_226, %dma_start3A_290] : memref<40x64xi32, #tpu.memory_space<vmem>> -> memref<1x64xi32, #tpu.memory_space<vmem>>
          %dma_start3A_292 = tpu.memref_squeeze %dma_start3A_291 : memref<1x64xi32, #tpu.memory_space<vmem>> -> memref<64xi32, #tpu.memory_space<vmem>>
          %dma_start3A_293 = arith.constant 0 : i32
          %dma_start3A_294 = arith.constant 0 : i32
          %dma_start3A_295 = tpu.memref_slice %arg13[%dma_start3A_293, %dma_start3A_294] : memref<10112x128xf32, #tpu.memory_space<vmem_shared>> -> memref<10112x128xf32, #tpu.memory_space<vmem_shared>>
          tpu.enqueue_indirect_dma source(%arg9 : memref<64x128xf32, #tpu.memory_space<vmem>>) target(%dma_start3A_295 : memref<10112x128xf32, #tpu.memory_space<vmem_shared>>) offsets(%dma_start3A_292 : memref<64xi32, #tpu.memory_space<vmem>>) semaphore(%run_scoped3A : memref<!tpu.dma_semaphore, #tpu.memory_space<semaphore_mem>>) {add = true}
          %dma_wait3A_296 = arith.constant 0 : i32
          %dma_wait3A_297 = tpu.memref_slice %arg8[%add3A_226, %dma_wait3A_296] : memref<40x64xi32, #tpu.memory_space<vmem>> -> memref<1x64xi32, #tpu.memory_space<vmem>>
          %dma_wait3A_298 = tpu.memref_squeeze %dma_wait3A_297 : memref<1x64xi32, #tpu.memory_space<vmem>> -> memref<64xi32, #tpu.memory_space<vmem>>
          %dma_wait3A_299 = arith.constant 0 : i32
          %dma_wait3A_300 = arith.constant 0 : i32
          %dma_wait3A_301 = tpu.memref_slice %arg13[%dma_wait3A_299, %dma_wait3A_300] : memref<10112x128xf32, #tpu.memory_space<vmem_shared>> -> memref<10112x128xf32, #tpu.memory_space<vmem_shared>>
          tpu.wait_indirect_dma semaphore(%run_scoped3A : memref<!tpu.dma_semaphore, #tpu.memory_space<semaphore_mem>>) src(%arg9 : memref<64x128xf32, #tpu.memory_space<vmem>>) dst(%dma_wait3A_301 : memref<10112x128xf32, #tpu.memory_space<vmem_shared>>)
          tpu.yield
        }) : () -> ()
        %add3A_232 = arith.constant 4 : i32
        %add3A_233 = arith.addi %add3A_226, %add3A_232 : i32
        %lt3A_234 = arith.constant 40 : i32
        %lt3A_235 = arith.cmpi slt, %add3A_233, %lt3A_234 : i32
        %convert_element_type3A_236 = arith.extui %lt3A_235 : i1 to i32
        %cond3A_237 = arith.constant 0 : i32
        %cond3A_238 = arith.cmpi ne, %convert_element_type3A_236, %cond3A_237 : i32
        scf.if %cond3A_238 {
          %add3A_290 = arith.constant 4 : i32
          %add3A_291 = arith.addi %add3A_226, %add3A_290 : i32
          %dma_start3A_292 = arith.constant 0 : i32
          %dma_start3A_293 = tpu.memref_slice %arg7[%add3A_291, %dma_start3A_292] : memref<40x64xi32, #tpu.memory_space<vmem>> -> memref<1x64xi32, #tpu.memory_space<vmem>>
          %dma_start3A_294 = tpu.memref_squeeze %dma_start3A_293 : memref<1x64xi32, #tpu.memory_space<vmem>> -> memref<64xi32, #tpu.memory_space<vmem>>
          %dma_start3A_295 = arith.constant 0 : i32
          %dma_start3A_296 = arith.constant 0 : i32
          %dma_start3A_297 = tpu.memref_slice %arg2[%dma_start3A_295, %dma_start3A_296] : memref<80000x128xf32, #tpu.memory_space<hbm>> -> memref<80000x128xf32, #tpu.memory_space<hbm>>
          tpu.enqueue_indirect_dma source(%dma_start3A_297 : memref<80000x128xf32, #tpu.memory_space<hbm>>) target(%arg9 : memref<64x128xf32, #tpu.memory_space<vmem>>) offsets(%dma_start3A_294 : memref<64xi32, #tpu.memory_space<vmem>>) semaphore(%arg14 : memref<!tpu.dma_semaphore, #tpu.memory_space<semaphore_mem>>)
        } else {
        }
        %mul3A_239 = arith.constant 4 : i32
        %mul3A_240 = arith.muli %scan3A_222, %mul3A_239 : i32
        %add3A_241 = arith.constant 1 : i32
        %add3A_242 = arith.addi %mul3A_240, %add3A_241 : i32
        %dma_wait3A_243 = arith.constant 0 : i32
        %dma_wait3A_244 = arith.constant 0 : i32
        %dma_wait3A_245 = tpu.memref_slice %arg2[%dma_wait3A_243, %dma_wait3A_244] : memref<80000x128xf32, #tpu.memory_space<hbm>> -> memref<64x128xf32, #tpu.memory_space<hbm>>
        %dma_wait3A_246 = arith.constant 0 : i32
        %dma_wait3A_247 = arith.constant 0 : i32
        %dma_wait3A_248 = tpu.memref_slice %arg2[%dma_wait3A_246, %dma_wait3A_247] : memref<80000x128xf32, #tpu.memory_space<hbm>> -> memref<64x128xf32, #tpu.memory_space<hbm>>
        tpu.wait_dma2 semaphore(%arg15 : memref<!tpu.dma_semaphore, #tpu.memory_space<semaphore_mem>>) src(%dma_wait3A_248 : memref<64x128xf32, #tpu.memory_space<hbm>>) dst(%arg10 : memref<64x128xf32, #tpu.memory_space<vmem>>)
        "tpu.region"() ({
          %run_scoped3A = tpu.sem_alloc : memref<!tpu.dma_semaphore, #tpu.memory_space<semaphore_mem>>
          %dma_start3A_290 = arith.constant 0 : i32
          %dma_start3A_291 = tpu.memref_slice %arg8[%add3A_242, %dma_start3A_290] : memref<40x64xi32, #tpu.memory_space<vmem>> -> memref<1x64xi32, #tpu.memory_space<vmem>>
          %dma_start3A_292 = tpu.memref_squeeze %dma_start3A_291 : memref<1x64xi32, #tpu.memory_space<vmem>> -> memref<64xi32, #tpu.memory_space<vmem>>
          %dma_start3A_293 = arith.constant 0 : i32
          %dma_start3A_294 = arith.constant 0 : i32
          %dma_start3A_295 = tpu.memref_slice %arg13[%dma_start3A_293, %dma_start3A_294] : memref<10112x128xf32, #tpu.memory_space<vmem_shared>> -> memref<10112x128xf32, #tpu.memory_space<vmem_shared>>
          tpu.enqueue_indirect_dma source(%arg10 : memref<64x128xf32, #tpu.memory_space<vmem>>) target(%dma_start3A_295 : memref<10112x128xf32, #tpu.memory_space<vmem_shared>>) offsets(%dma_start3A_292 : memref<64xi32, #tpu.memory_space<vmem>>) semaphore(%run_scoped3A : memref<!tpu.dma_semaphore, #tpu.memory_space<semaphore_mem>>) {add = true}
          %dma_wait3A_296 = arith.constant 0 : i32
          %dma_wait3A_297 = tpu.memref_slice %arg8[%add3A_242, %dma_wait3A_296] : memref<40x64xi32, #tpu.memory_space<vmem>> -> memref<1x64xi32, #tpu.memory_space<vmem>>
          %dma_wait3A_298 = tpu.memref_squeeze %dma_wait3A_297 : memref<1x64xi32, #tpu.memory_space<vmem>> -> memref<64xi32, #tpu.memory_space<vmem>>
          %dma_wait3A_299 = arith.constant 0 : i32
          %dma_wait3A_300 = arith.constant 0 : i32
          %dma_wait3A_301 = tpu.memref_slice %arg13[%dma_wait3A_299, %dma_wait3A_300] : memref<10112x128xf32, #tpu.memory_space<vmem_shared>> -> memref<10112x128xf32, #tpu.memory_space<vmem_shared>>
          tpu.wait_indirect_dma semaphore(%run_scoped3A : memref<!tpu.dma_semaphore, #tpu.memory_space<semaphore_mem>>) src(%arg10 : memref<64x128xf32, #tpu.memory_space<vmem>>) dst(%dma_wait3A_301 : memref<10112x128xf32, #tpu.memory_space<vmem_shared>>)
          tpu.yield
        }) : () -> ()
        %add3A_249 = arith.constant 4 : i32
        %add3A_250 = arith.addi %add3A_242, %add3A_249 : i32
        %lt3A_251 = arith.constant 40 : i32
        %lt3A_252 = arith.cmpi slt, %add3A_250, %lt3A_251 : i32
        %convert_element_type3A_253 = arith.extui %lt3A_252 : i1 to i32
        %cond3A_254 = arith.constant 0 : i32
        %cond3A_255 = arith.cmpi ne, %convert_element_type3A_253, %cond3A_254 : i32
        scf.if %cond3A_255 {
          %add3A_290 = arith.constant 4 : i32
          %add3A_291 = arith.addi %add3A_242, %add3A_290 : i32
          %dma_start3A_292 = arith.constant 0 : i32
          %dma_start3A_293 = tpu.memref_slice %arg7[%add3A_291, %dma_start3A_292] : memref<40x64xi32, #tpu.memory_space<vmem>> -> memref<1x64xi32, #tpu.memory_space<vmem>>
          %dma_start3A_294 = tpu.memref_squeeze %dma_start3A_293 : memref<1x64xi32, #tpu.memory_space<vmem>> -> memref<64xi32, #tpu.memory_space<vmem>>
          %dma_start3A_295 = arith.constant 0 : i32
          %dma_start3A_296 = arith.constant 0 : i32
          %dma_start3A_297 = tpu.memref_slice %arg2[%dma_start3A_295, %dma_start3A_296] : memref<80000x128xf32, #tpu.memory_space<hbm>> -> memref<80000x128xf32, #tpu.memory_space<hbm>>
          tpu.enqueue_indirect_dma source(%dma_start3A_297 : memref<80000x128xf32, #tpu.memory_space<hbm>>) target(%arg10 : memref<64x128xf32, #tpu.memory_space<vmem>>) offsets(%dma_start3A_294 : memref<64xi32, #tpu.memory_space<vmem>>) semaphore(%arg15 : memref<!tpu.dma_semaphore, #tpu.memory_space<semaphore_mem>>)
        } else {
        }
        %mul3A_256 = arith.constant 4 : i32
        %mul3A_257 = arith.muli %scan3A_222, %mul3A_256 : i32
        %add3A_258 = arith.constant 2 : i32
        %add3A_259 = arith.addi %mul3A_257, %add3A_258 : i32
        %dma_wait3A_260 = arith.constant 0 : i32
        %dma_wait3A_261 = arith.constant 0 : i32
        %dma_wait3A_262 = tpu.memref_slice %arg2[%dma_wait3A_260, %dma_wait3A_261] : memref<80000x128xf32, #tpu.memory_space<hbm>> -> memref<64x128xf32, #tpu.memory_space<hbm>>
        %dma_wait3A_263 = arith.constant 0 : i32
        %dma_wait3A_264 = arith.constant 0 : i32
        %dma_wait3A_265 = tpu.memref_slice %arg2[%dma_wait3A_263, %dma_wait3A_264] : memref<80000x128xf32, #tpu.memory_space<hbm>> -> memref<64x128xf32, #tpu.memory_space<hbm>>
        tpu.wait_dma2 semaphore(%arg16 : memref<!tpu.dma_semaphore, #tpu.memory_space<semaphore_mem>>) src(%dma_wait3A_265 : memref<64x128xf32, #tpu.memory_space<hbm>>) dst(%arg11 : memref<64x128xf32, #tpu.memory_space<vmem>>)
        "tpu.region"() ({
          %run_scoped3A = tpu.sem_alloc : memref<!tpu.dma_semaphore, #tpu.memory_space<semaphore_mem>>
          %dma_start3A_290 = arith.constant 0 : i32
          %dma_start3A_291 = tpu.memref_slice %arg8[%add3A_259, %dma_start3A_290] : memref<40x64xi32, #tpu.memory_space<vmem>> -> memref<1x64xi32, #tpu.memory_space<vmem>>
          %dma_start3A_292 = tpu.memref_squeeze %dma_start3A_291 : memref<1x64xi32, #tpu.memory_space<vmem>> -> memref<64xi32, #tpu.memory_space<vmem>>
          %dma_start3A_293 = arith.constant 0 : i32
          %dma_start3A_294 = arith.constant 0 : i32
          %dma_start3A_295 = tpu.memref_slice %arg13[%dma_start3A_293, %dma_start3A_294] : memref<10112x128xf32, #tpu.memory_space<vmem_shared>> -> memref<10112x128xf32, #tpu.memory_space<vmem_shared>>
          tpu.enqueue_indirect_dma source(%arg11 : memref<64x128xf32, #tpu.memory_space<vmem>>) target(%dma_start3A_295 : memref<10112x128xf32, #tpu.memory_space<vmem_shared>>) offsets(%dma_start3A_292 : memref<64xi32, #tpu.memory_space<vmem>>) semaphore(%run_scoped3A : memref<!tpu.dma_semaphore, #tpu.memory_space<semaphore_mem>>) {add = true}
          %dma_wait3A_296 = arith.constant 0 : i32
          %dma_wait3A_297 = tpu.memref_slice %arg8[%add3A_259, %dma_wait3A_296] : memref<40x64xi32, #tpu.memory_space<vmem>> -> memref<1x64xi32, #tpu.memory_space<vmem>>
          %dma_wait3A_298 = tpu.memref_squeeze %dma_wait3A_297 : memref<1x64xi32, #tpu.memory_space<vmem>> -> memref<64xi32, #tpu.memory_space<vmem>>
          %dma_wait3A_299 = arith.constant 0 : i32
          %dma_wait3A_300 = arith.constant 0 : i32
          %dma_wait3A_301 = tpu.memref_slice %arg13[%dma_wait3A_299, %dma_wait3A_300] : memref<10112x128xf32, #tpu.memory_space<vmem_shared>> -> memref<10112x128xf32, #tpu.memory_space<vmem_shared>>
          tpu.wait_indirect_dma semaphore(%run_scoped3A : memref<!tpu.dma_semaphore, #tpu.memory_space<semaphore_mem>>) src(%arg11 : memref<64x128xf32, #tpu.memory_space<vmem>>) dst(%dma_wait3A_301 : memref<10112x128xf32, #tpu.memory_space<vmem_shared>>)
          tpu.yield
        }) : () -> ()
        %add3A_266 = arith.constant 4 : i32
        %add3A_267 = arith.addi %add3A_259, %add3A_266 : i32
        %lt3A_268 = arith.constant 40 : i32
        %lt3A_269 = arith.cmpi slt, %add3A_267, %lt3A_268 : i32
        %convert_element_type3A_270 = arith.extui %lt3A_269 : i1 to i32
        %cond3A_271 = arith.constant 0 : i32
        %cond3A_272 = arith.cmpi ne, %convert_element_type3A_270, %cond3A_271 : i32
        scf.if %cond3A_272 {
          %add3A_290 = arith.constant 4 : i32
          %add3A_291 = arith.addi %add3A_259, %add3A_290 : i32
          %dma_start3A_292 = arith.constant 0 : i32
          %dma_start3A_293 = tpu.memref_slice %arg7[%add3A_291, %dma_start3A_292] : memref<40x64xi32, #tpu.memory_space<vmem>> -> memref<1x64xi32, #tpu.memory_space<vmem>>
          %dma_start3A_294 = tpu.memref_squeeze %dma_start3A_293 : memref<1x64xi32, #tpu.memory_space<vmem>> -> memref<64xi32, #tpu.memory_space<vmem>>
          %dma_start3A_295 = arith.constant 0 : i32
          %dma_start3A_296 = arith.constant 0 : i32
          %dma_start3A_297 = tpu.memref_slice %arg2[%dma_start3A_295, %dma_start3A_296] : memref<80000x128xf32, #tpu.memory_space<hbm>> -> memref<80000x128xf32, #tpu.memory_space<hbm>>
          tpu.enqueue_indirect_dma source(%dma_start3A_297 : memref<80000x128xf32, #tpu.memory_space<hbm>>) target(%arg11 : memref<64x128xf32, #tpu.memory_space<vmem>>) offsets(%dma_start3A_294 : memref<64xi32, #tpu.memory_space<vmem>>) semaphore(%arg16 : memref<!tpu.dma_semaphore, #tpu.memory_space<semaphore_mem>>)
        } else {
        }
        %mul3A_273 = arith.constant 4 : i32
        %mul3A_274 = arith.muli %scan3A_222, %mul3A_273 : i32
        %add3A_275 = arith.constant 3 : i32
        %add3A_276 = arith.addi %mul3A_274, %add3A_275 : i32
        %dma_wait3A_277 = arith.constant 0 : i32
        %dma_wait3A_278 = arith.constant 0 : i32
        %dma_wait3A_279 = tpu.memref_slice %arg2[%dma_wait3A_277, %dma_wait3A_278] : memref<80000x128xf32, #tpu.memory_space<hbm>> -> memref<64x128xf32, #tpu.memory_space<hbm>>
        %dma_wait3A_280 = arith.constant 0 : i32
        %dma_wait3A_281 = arith.constant 0 : i32
        %dma_wait3A_282 = tpu.memref_slice %arg2[%dma_wait3A_280, %dma_wait3A_281] : memref<80000x128xf32, #tpu.memory_space<hbm>> -> memref<64x128xf32, #tpu.memory_space<hbm>>
        tpu.wait_dma2 semaphore(%arg17 : memref<!tpu.dma_semaphore, #tpu.memory_space<semaphore_mem>>) src(%dma_wait3A_282 : memref<64x128xf32, #tpu.memory_space<hbm>>) dst(%arg12 : memref<64x128xf32, #tpu.memory_space<vmem>>)
        "tpu.region"() ({
          %run_scoped3A = tpu.sem_alloc : memref<!tpu.dma_semaphore, #tpu.memory_space<semaphore_mem>>
          %dma_start3A_290 = arith.constant 0 : i32
          %dma_start3A_291 = tpu.memref_slice %arg8[%add3A_276, %dma_start3A_290] : memref<40x64xi32, #tpu.memory_space<vmem>> -> memref<1x64xi32, #tpu.memory_space<vmem>>
          %dma_start3A_292 = tpu.memref_squeeze %dma_start3A_291 : memref<1x64xi32, #tpu.memory_space<vmem>> -> memref<64xi32, #tpu.memory_space<vmem>>
          %dma_start3A_293 = arith.constant 0 : i32
          %dma_start3A_294 = arith.constant 0 : i32
          %dma_start3A_295 = tpu.memref_slice %arg13[%dma_start3A_293, %dma_start3A_294] : memref<10112x128xf32, #tpu.memory_space<vmem_shared>> -> memref<10112x128xf32, #tpu.memory_space<vmem_shared>>
          tpu.enqueue_indirect_dma source(%arg12 : memref<64x128xf32, #tpu.memory_space<vmem>>) target(%dma_start3A_295 : memref<10112x128xf32, #tpu.memory_space<vmem_shared>>) offsets(%dma_start3A_292 : memref<64xi32, #tpu.memory_space<vmem>>) semaphore(%run_scoped3A : memref<!tpu.dma_semaphore, #tpu.memory_space<semaphore_mem>>) {add = true}
          %dma_wait3A_296 = arith.constant 0 : i32
          %dma_wait3A_297 = tpu.memref_slice %arg8[%add3A_276, %dma_wait3A_296] : memref<40x64xi32, #tpu.memory_space<vmem>> -> memref<1x64xi32, #tpu.memory_space<vmem>>
          %dma_wait3A_298 = tpu.memref_squeeze %dma_wait3A_297 : memref<1x64xi32, #tpu.memory_space<vmem>> -> memref<64xi32, #tpu.memory_space<vmem>>
          %dma_wait3A_299 = arith.constant 0 : i32
          %dma_wait3A_300 = arith.constant 0 : i32
          %dma_wait3A_301 = tpu.memref_slice %arg13[%dma_wait3A_299, %dma_wait3A_300] : memref<10112x128xf32, #tpu.memory_space<vmem_shared>> -> memref<10112x128xf32, #tpu.memory_space<vmem_shared>>
          tpu.wait_indirect_dma semaphore(%run_scoped3A : memref<!tpu.dma_semaphore, #tpu.memory_space<semaphore_mem>>) src(%arg12 : memref<64x128xf32, #tpu.memory_space<vmem>>) dst(%dma_wait3A_301 : memref<10112x128xf32, #tpu.memory_space<vmem_shared>>)
          tpu.yield
        }) : () -> ()
        %add3A_283 = arith.constant 4 : i32
        %add3A_284 = arith.addi %add3A_276, %add3A_283 : i32
        %lt3A_285 = arith.constant 40 : i32
        %lt3A_286 = arith.cmpi slt, %add3A_284, %lt3A_285 : i32
        %convert_element_type3A_287 = arith.extui %lt3A_286 : i1 to i32
        %cond3A_288 = arith.constant 0 : i32
        %cond3A_289 = arith.cmpi ne, %convert_element_type3A_287, %cond3A_288 : i32
        scf.if %cond3A_289 {
          %add3A_290 = arith.constant 4 : i32
          %add3A_291 = arith.addi %add3A_276, %add3A_290 : i32
          %dma_start3A_292 = arith.constant 0 : i32
          %dma_start3A_293 = tpu.memref_slice %arg7[%add3A_291, %dma_start3A_292] : memref<40x64xi32, #tpu.memory_space<vmem>> -> memref<1x64xi32, #tpu.memory_space<vmem>>
          %dma_start3A_294 = tpu.memref_squeeze %dma_start3A_293 : memref<1x64xi32, #tpu.memory_space<vmem>> -> memref<64xi32, #tpu.memory_space<vmem>>
          %dma_start3A_295 = arith.constant 0 : i32
          %dma_start3A_296 = arith.constant 0 : i32
          %dma_start3A_297 = tpu.memref_slice %arg2[%dma_start3A_295, %dma_start3A_296] : memref<80000x128xf32, #tpu.memory_space<hbm>> -> memref<80000x128xf32, #tpu.memory_space<hbm>>
          tpu.enqueue_indirect_dma source(%dma_start3A_297 : memref<80000x128xf32, #tpu.memory_space<hbm>>) target(%arg12 : memref<64x128xf32, #tpu.memory_space<vmem>>) offsets(%dma_start3A_294 : memref<64xi32, #tpu.memory_space<vmem>>) semaphore(%arg17 : memref<!tpu.dma_semaphore, #tpu.memory_space<semaphore_mem>>)
        } else {
        }
      }
      %scan3A_211 = arith.constant 10 : i32
      %barrier3A_212 = arith.constant 0 : index
      tpu.barrier barrier_id(%barrier3A_212)
      %lt3A = arith.constant 15 : i32
      %lt3A_213 = arith.cmpi slt, %arg1, %lt3A : i32
      %convert_element_type3A_214 = arith.extui %lt3A_213 : i1 to i32
      %cond3A_215 = arith.constant 0 : i32
      %cond3A_216 = arith.cmpi ne, %convert_element_type3A_214, %cond3A_215 : i32
      scf.if %cond3A_216 {
        %mul3A_222 = arith.constant 632 : i32
        %mul3A_223 = arith.muli %arg1, %mul3A_222 : i32
        %mul3A_224 = arith.constant 632 : i32
        %mul3A_225 = arith.muli %arg1, %mul3A_224 : i32
        "tpu.region"() ({
          %run_scoped3A = tpu.sem_alloc : memref<!tpu.dma_semaphore, #tpu.memory_space<semaphore_mem>>
          %dma_start3A_226 = arith.constant 0 : i32
          %dma_start3A_227 = tpu.memref_slice %arg6[%mul3A_225, %dma_start3A_226] : memref<10000x128xf32, #tpu.memory_space<hbm>> -> memref<632x128xf32, #tpu.memory_space<hbm>>
          %dma_start3A_228 = arith.constant 0 : i32
          %dma_start3A_229 = tpu.memref_slice %arg13[%mul3A_223, %dma_start3A_228] : memref<10112x128xf32, #tpu.memory_space<vmem_shared>> -> memref<632x128xf32, #tpu.memory_space<vmem_shared>>
          tpu.enqueue_dma source(%dma_start3A_229 : memref<632x128xf32, #tpu.memory_space<vmem_shared>>) target(%dma_start3A_227 : memref<632x128xf32, #tpu.memory_space<hbm>>) target_semaphore(%run_scoped3A : memref<!tpu.dma_semaphore, #tpu.memory_space<semaphore_mem>>)
          %dma_wait3A = arith.constant 0 : i32
          %dma_wait3A_230 = tpu.memref_slice %arg6[%mul3A_225, %dma_wait3A] : memref<10000x128xf32, #tpu.memory_space<hbm>> -> memref<632x128xf32, #tpu.memory_space<hbm>>
          %dma_wait3A_231 = arith.constant 0 : i32
          %dma_wait3A_232 = tpu.memref_slice %arg13[%mul3A_223, %dma_wait3A_231] : memref<10112x128xf32, #tpu.memory_space<vmem_shared>> -> memref<632x128xf32, #tpu.memory_space<vmem_shared>>
          tpu.wait_dma2 semaphore(%run_scoped3A : memref<!tpu.dma_semaphore, #tpu.memory_space<semaphore_mem>>) src(%dma_wait3A_232 : memref<632x128xf32, #tpu.memory_space<vmem_shared>>) dst(%dma_wait3A_230 : memref<632x128xf32, #tpu.memory_space<hbm>>)
          tpu.yield
        }) : () -> ()
      } else {
      }
      %eq3A_217 = arith.constant 15 : i32
      %eq3A_218 = arith.cmpi eq, %arg1, %eq3A_217 : i32
      %convert_element_type3A_219 = arith.extui %eq3A_218 : i1 to i32
      %cond3A_220 = arith.constant 0 : i32
      %cond3A_221 = arith.cmpi ne, %convert_element_type3A_219, %cond3A_220 : i32
      scf.if %cond3A_221 {
        "tpu.region"() ({
          %run_scoped3A = tpu.sem_alloc : memref<!tpu.dma_semaphore, #tpu.memory_space<semaphore_mem>>
          %dma_start3A_222 = arith.constant 9480 : i32
          %dma_start3A_223 = arith.constant 0 : i32
          %dma_start3A_224 = tpu.memref_slice %arg6[%dma_start3A_222, %dma_start3A_223] : memref<10000x128xf32, #tpu.memory_space<hbm>> -> memref<520x128xf32, #tpu.memory_space<hbm>>
          %dma_start3A_225 = arith.constant 9480 : i32
          %dma_start3A_226 = arith.constant 0 : i32
          %dma_start3A_227 = tpu.memref_slice %arg13[%dma_start3A_225, %dma_start3A_226] : memref<10112x128xf32, #tpu.memory_space<vmem_shared>> -> memref<520x128xf32, #tpu.memory_space<vmem_shared>>
          tpu.enqueue_dma source(%dma_start3A_227 : memref<520x128xf32, #tpu.memory_space<vmem_shared>>) target(%dma_start3A_224 : memref<520x128xf32, #tpu.memory_space<hbm>>) target_semaphore(%run_scoped3A : memref<!tpu.dma_semaphore, #tpu.memory_space<semaphore_mem>>)
          %dma_wait3A = arith.constant 9480 : i32
          %dma_wait3A_228 = arith.constant 0 : i32
          %dma_wait3A_229 = tpu.memref_slice %arg6[%dma_wait3A, %dma_wait3A_228] : memref<10000x128xf32, #tpu.memory_space<hbm>> -> memref<520x128xf32, #tpu.memory_space<hbm>>
          %dma_wait3A_230 = arith.constant 9480 : i32
          %dma_wait3A_231 = arith.constant 0 : i32
          %dma_wait3A_232 = tpu.memref_slice %arg13[%dma_wait3A_230, %dma_wait3A_231] : memref<10112x128xf32, #tpu.memory_space<vmem_shared>> -> memref<520x128xf32, #tpu.memory_space<vmem_shared>>
          tpu.wait_dma2 semaphore(%run_scoped3A : memref<!tpu.dma_semaphore, #tpu.memory_space<semaphore_mem>>) src(%dma_wait3A_232 : memref<520x128xf32, #tpu.memory_space<vmem_shared>>) dst(%dma_wait3A_229 : memref<520x128xf32, #tpu.memory_space<hbm>>)
          tpu.yield
        }) : () -> ()
      } else {
      }
    } else {
    }
    return
  }
}

module attributes {stable_mosaic.version = 14 : i64} {
  func.func @_relmm_body(%arg0: i32, %arg1: memref<10000x128xf32, #tpu.memory_space<vmem>>, %arg2: memref<1x128x128xf32, #tpu.memory_space<vmem>>, %arg3: memref<1x10000x128xf32, #tpu.memory_space<vmem>>) attributes {dimension_semantics = [#tpu.dimension_semantics<arbitrary>], iteration_bounds = array<i64: 8>, scalar_prefetch = 0 : i64, scratch_operands = 0 : i64, tpu.core_type = #tpu.core_type<tc>, window_params = [{pipeline_mode = #tpu.pipeline_mode<synchronous>, transform_indices = @transform_0, window_bounds = array<i64: 10000, 128>}, {transform_indices = @transform_1, window_bounds = array<i64: 1, 128, 128>}, {transform_indices = @transform_2, window_bounds = array<i64: 1, 10000, 128>}]} {
    %get3A = arith.constant 0 : index
    %get3A_0 = arith.constant 0 : index
    %get3A_1 = vector.load %arg1[%get3A, %get3A_0] : memref<10000x128xf32, #tpu.memory_space<vmem>>, vector<10000x128xf32>
    %get3A_2 = arith.constant 0 : index
    %get3A_3 = arith.constant 0 : index
    %get3A_4 = arith.constant 0 : index
    %get3A_5 = vector.load %arg2[%get3A_2, %get3A_3, %get3A_4] : memref<1x128x128xf32, #tpu.memory_space<vmem>>, vector<1x128x128xf32>
    %get3A_6 = vector.shape_cast %get3A_5 : vector<1x128x128xf32> to vector<128x128xf32>
    %dot_general3A = arith.constant dense<0.000000e+00> : vector<10000x128xf32>
    %dot_general3A_7 = tpu.matmul %get3A_1, %get3A_6, %dot_general3A {dimension_numbers = #tpu.dot_dimension_numbers<[1], [0], [0], [1], [0, 0, 1, 1], [], []>, transpose_lhs_hint = false} : vector<10000x128xf32>, vector<128x128xf32>, vector<10000x128xf32> -> vector<10000x128xf32>
    %swap3A = arith.constant 0 : index
    %swap3A_8 = arith.constant 0 : index
    %swap3A_9 = arith.constant 0 : index
    %swap3A_10 = vector.load %arg3[%swap3A, %swap3A_8, %swap3A_9] : memref<1x10000x128xf32, #tpu.memory_space<vmem>>, vector<1x10000x128xf32>
    %swap3A_11 = vector.shape_cast %swap3A_10 : vector<1x10000x128xf32> to vector<10000x128xf32>
    %swap3A_12 = vector.shape_cast %dot_general3A_7 : vector<10000x128xf32> to vector<1x10000x128xf32>
    tpu.vector_store %arg3[%swap3A, %swap3A_8, %swap3A_9], %swap3A_12 {strides = array<i32>} : memref<1x10000x128xf32, #tpu.memory_space<vmem>>, vector<1x10000x128xf32>,
    return
  }
  func.func @transform_0(%arg0: i32) -> (i32, i32) {
    %c0_i32 = arith.constant 0 : i32
    %c0_i32_0 = arith.constant 0 : i32
    %c0_i32_1 = arith.constant 0 : i32
    return %c0_i32, %c0_i32_0 : i32, i32
  }
  func.func @transform_1(%arg0: i32) -> (i32, i32, i32) {
    %c0_i32 = arith.constant 0 : i32
    %c0_i32_0 = arith.constant 0 : i32
    %c0_i32_1 = arith.constant 0 : i32
    return %arg0, %c0_i32, %c0_i32_0 : i32, i32, i32
  }
  func.func @transform_2(%arg0: i32) -> (i32, i32, i32) {
    %c0_i32 = arith.constant 0 : i32
    %c0_i32_0 = arith.constant 0 : i32
    %c0_i32_1 = arith.constant 0 : i32
    return %arg0, %c0_i32, %c0_i32_0 : i32, i32, i32
  }
}

</mosaic_0001>

<sc_bundles>
// kernel: kernel.4.cloned.1.call-start
scs
__scs_entry_jumppad:
0x0: {  	(pc) =	sbr.rel $0x88, $3  }
0x1: {  	(tag) =	ssettag $0x0;
	lr =	simm.s32 $0x1  }
0x2: {  	[smem:$0x3F9D] =	sst lr;
	_ =	strace $0xD0000000  }
0x3: {  	_ = 	snop  }
0x4: {  	_ = 	snop  }
0x5: {  	_ = 	snop  }
0x6: {  	_ = 	snop  }
0x7: {  	_ = 	snop  }
__scs_overlays_trampoline_lowered:
0x8: {  	[smem:$0x3FAC] =	sst s0  }
0x9: {  	[smem:$0x3FAD] =	sst s1  }
0xa: {  	[smem:$0x3FAE] =	sst s2  }
0xb: {  	[smem:$0x3FAF] =	sst s3  }
0xc: {  	[smem:$0x3FB0] =	sst s4  }
0xd: {  	[smem:$0x3FB1] =	sst s5  }
0xe: {  	[smem:$0x3FB2] =	sst s6  }
0xf: {  	[smem:$0x3FB3] =	sst s7  }
0x10: {  	[smem:$0x3FB4] =	sst s8  }
0x11: {  	[smem:$0x3FB5] =	sst s9;
	s0 =	simm.s32 @!p0 $0x0  }
0x12: {  	s1 =	sld [smem:$0x3F9B];
	s0 =	simm.s32 @p0 $0x1  }
0x13: {  	[smem:$0x3FB6] =	sst s0;
	s0 =	simm.s32 @!p1 $0x0  }
0x14: {  	s2 =	sld [smem:$0x3F9A];
	s0 =	simm.s32 @p1 $0x1  }
0x15: {  	[smem:$0x3FB7] =	sst s0;
	s0 =	simm.s32 @!p2 $0x0  }
0x16: {  	s3 =	sld [smem:$0x3FDB];
	s0 =	simm.s32 @p2 $0x1  }
0x17: {  	s4 =	simm.s32 $0x1BF5;
	[smem:$0x3FB9] =	sst s0  }
0x18: {  	s0 =	sld [smem:$0x3F9C];
	_ =	swait.ge [sflag:s4], $0x0  }
0x19: {  	s7 =	sld [smem:$0x3F9D]  }
0x1a: {  	s8 =	sadd.s32 $0xFFFFE003, lr  }
0x1b: {  	s9 =	sadd.s32 $0xFFFFFEF7, lr;
	s5 =	simm.s32 $0xFFFFFFFF;
	p2 =	slt.u32 s8, $0xFFFFF086  }
0x1c: {  	p1 =	slt.u32 s9, $0xF7A;
	s5 =	simm.s32 @!p2 $0x0  }
0x1d: {  	s5 =	simm.s32 @p1 $0x1;
	p0 =	seq.s32 s7, s2  }
0x1e: {  	s7 =	smul.u32 @!p0 $0xF7A, s2;
	p2 =	seq.s32 @!p0 s5, $0x0  }
0x1f: {  	s9 =	smul.u32 $0xF7A, s1;
	s8 =	simm.s32 @!p0 $0x1BF5;
	p2 =	por !p2, p0  }
0x20: {  	[sflag:s8] =	ssyncset.s32 @!p0 $0xFFFFF086;
	s6 =	sadd.s32 @!p0 s3, s7;
	s7 =	simm.s32 @!p0 $0x108  }
0x21: {  	s3 =	sadd.s32 s3, s9;
	s6 =	sadd.s32 @!p0 $0x88, s6;
	s7 =	simm.s32 @p2 $0x1082  }
0x22: {  	[simem:s7], [sflag:s8] =	dma.local @!p0 [hbm:s6], $0xF7A  }
0x23: {  	s9 =	sor.u32 $0xD0000000, s2;
	s6 =	simm.s32 $0x108;
	_ =	swait.ge @!p0 [sflag:s8], $0x0  }
0x24: {  	s3 =	sadd.s32 $0x88, s3;
	s6 =	simm.s32 @!p1 $0x1082;
	[sflag:s4] =	ssyncset.s32 $0xFFFFF086  }
0x25: {  	[simem:s6], [sflag:s4] =	dma.local [hbm:s3], $0xF7A  }
0x26: {  	[smem:$0x3F9D] =	sst s1;
	(tag) =	ssettag s2;
	_ =	strace s9  }
0x27: {  	s1 =	sld [smem:$0x3FAD]  }
0x28: {  	s2 =	sld [smem:$0x3FAE]  }
0x29: {  	s4 =	sld [smem:$0x3FB0]  }
0x2a: {  	p0 =	seq.s32 s5, $0x0;
	s5 =	sld [smem:$0x3FB1]  }
0x2b: {  	s6 =	sld [smem:$0x3FB2]  }
0x2c: {  	s7 =	sld [smem:$0x3FB3]  }
0x2d: {  	s3 =	simm.s32 $0x108;
	s8 =	sld [smem:$0x3FB4]  }
0x2e: {  	s3 =	simm.s32 @!p0 $0x1082;
	s9 =	sld [smem:$0x3FB5]  }
0x2f: {  	lr =	sadd.s32 s0, s3;
	s0 =	sld [smem:$0x3FAC]  }
0x30: {  	s3 =	sld [smem:$0x3FAF]  }
0x31: {  	[smem:$0x3FB8] =	sst s10  }
0x32: {  	s10 =	sld [smem:$0x3FB6];
	_ =	sdelay $0x3  }
0x33: {  	p0 =	seq.s32 s10, $0x1;
	s10 =	sld [smem:$0x3FB8];
	_ =	sdelay $0x3  }
0x34: {  	[smem:$0x3FB8] =	sst s10  }
0x35: {  	s10 =	sld [smem:$0x3FB7];
	_ =	sdelay $0x3  }
0x36: {  	p1 =	seq.s32 s10, $0x1;
	s10 =	sld [smem:$0x3FB8];
	_ =	sdelay $0x3  }
0x37: {  	[smem:$0x3FB8] =	sst s10  }
0x38: {  	s10 =	sld [smem:$0x3FB9]  }
0x39: {  	_ = 	snop;
	(pc) =	sbr.ind lr, $3  }
0x3a: {  	_ = 	snop  }
0x3b: {  	_ = 	snop  }
0x3c: {  	p2 =	seq.s32 s10, $0x1;
	s10 =	sld [smem:$0x3FB8]  }
0x3d: {  	_ =	shalt  }
0x3e: {  	_ =	shalt  }
0x3f: {  	_ =	shalt  }
0x40: {  	_ =	shalt  }
0x41: {  	_ =	shalt  }
0x42: {  	_ =	shalt  }
0x43: {  	_ =	shalt  }
0x44: {  	_ =	shalt  }
0x45: {  	_ =	shalt  }
0x46: {  	_ =	shalt  }
0x47: {  	_ =	shalt  }
0x48: {  	_ =	shalt  }
0x49: {  	_ =	shalt  }
0x4a: {  	_ =	shalt  }
0x4b: {  	_ =	shalt  }
0x4c: {  	_ =	shalt  }
0x4d: {  	_ =	shalt  }
0x4e: {  	_ =	shalt  }
0x4f: {  	_ =	shalt  }
0x50: {  	_ =	shalt  }
0x51: {  	_ =	shalt  }
0x52: {  	_ =	shalt  }
0x53: {  	_ =	shalt  }
0x54: {  	_ =	shalt  }
0x55: {  	_ =	shalt  }
0x56: {  	_ =	shalt  }
0x57: {  	_ =	shalt  }
0x58: {  	_ =	shalt  }
0x59: {  	_ =	shalt  }
0x5a: {  	_ =	shalt  }
0x5b: {  	_ =	shalt  }
0x5c: {  	_ =	shalt  }
0x5d: {  	_ =	shalt  }
0x5e: {  	_ =	shalt  }
0x5f: {  	_ =	shalt  }
0x60: {  	_ =	shalt  }
0x61: {  	_ =	shalt  }
0x62: {  	_ =	shalt  }
0x63: {  	_ =	shalt  }
0x64: {  	_ =	shalt  }
0x65: {  	_ =	shalt  }
0x66: {  	_ =	shalt  }
0x67: {  	_ =	shalt  }
0x68: {  	_ =	shalt  }
0x69: {  	_ =	shalt  }
0x6a: {  	_ =	shalt  }
0x6b: {  	_ =	shalt  }
0x6c: {  	_ =	shalt  }
0x6d: {  	_ =	shalt  }
0x6e: {  	_ =	shalt  }
0x6f: {  	_ =	shalt  }
0x70: {  	_ =	shalt  }
0x71: {  	_ =	shalt  }
0x72: {  	_ =	shalt  }
0x73: {  	_ =	shalt  }
0x74: {  	_ =	shalt  }
0x75: {  	_ =	shalt  }
0x76: {  	_ =	shalt  }
0x77: {  	_ =	shalt  }
0x78: {  	_ =	shalt  }
0x79: {  	_ =	shalt  }
0x7a: {  	_ =	shalt  }
0x7b: {  	_ =	shalt  }
0x7c: {  	_ =	shalt  }
0x7d: {  	_ =	shalt  }
0x7e: {  	_ =	shalt  }
0x7f: {  	_ =	shalt  }
0x80: {  	_ =	shalt  }
0x81: {  	_ =	shalt  }
0x82: {  	_ =	shalt  }
0x83: {  	_ =	shalt  }
0x84: {  	_ =	shalt  }
0x85: {  	_ =	shalt  }
0x86: {  	_ =	shalt  }
0x87: {  	_ =	shalt  }
.Lfunc_end0:
.L_simem_size_0:
called_computation_lowered:
.L_overlay_start_0:
0x88: {  	s2 =	sld [smem:$0x3FD9]  }
0x89: {  	s3 =	sld [smem:$0x3FFE];
	_ =	sdelay $0x1  }
0x8a: {  	s1 =	srdreg.scid  }
0x8b: {  	s0 =	sand.u32 $0x1, s1  }
0x8c: {  	s17 =	sshll.u32 s0, $0xA;
	s2 =	sadd.s32 s3, s2  }
0x8d: {  	s2 =	sadd.s32 s2, s17  }
0x8e: {  	[smem:$0x3FC4] =	sst s2  }
0x8f: {  	_ = 	snop  }
0x90: {  	s2 =	sld [smem:$0x3FD0];
	(tm) =	ssettm $0x1  }
0x91: {  	s18 =	sld [smem:$0x3FFB];
	_ =	sdelay $0x3  }
0x92: {  	_ =	strace s18  }
0x93: {  	s3 =	sld [smem:$0x3FFC];
	_ =	sdelay $0x3  }
0x94: {  	_ =	strace s3  }
0x95: {  	s3 =	sld [smem:$0x3FFD];
	_ =	sdelay $0x3  }
0x96: {  	_ =	strace s3  }
0x97: {  	_ =	strace $0x8FFFFFFF  }
0x98: {  	s19 =	sld [smem:$0x3FDB];
	_ =	sdelay $0x1  }
0x99: {  	s4 =	simm.s32 $_scs_section_size  }
0x9a: {  	s5 =	simm.s32 $_size__tile_overlayer_lowered;
	s6 =	simm.s32 $_tile_overlayer_lowered  }
0x9b: {  	s22 =	simm.s32 $0x1BFF;
	s21 =	sshll.u32 s6, $0x1;
	s3 =	sadd.s32 s4, s19  }
0x9c: {  	s7 =	simm.s32 $0x0;
	s20 =	sshll.u32 s5, $0x1;
	s5 =	sadd.s32 s21, s3  }
0x9d: {  	[timem:s7], [sflag:s22] =	dma.local [hbm:s5], s20  }
0x9e: {  	_ =	swait.ge [sflag:s22], s20  }
0x9f: {  	s4 =	ssub.s32 $0x0, s20;
	[sflag:s22] =	ssyncset.done $0x0  }
0xa0: {  	[sflag:s22] =	ssyncadd.s32 s4;
	_ =	sdelay $0x1  }
0xa1: {  	s23 =	simm.s32 $0x1B8B  }
0xa2: {  	_ =	swait.ge [sflag:s23], $0x1  }
0xa3: {  	[sflag:s23] =	ssyncset.done $0x0  }
0xa4: {  	s25 =	simm.s32 $0x1B8E;
	s24 =	sld [smem:$0x3FFE];
	[sflag:s23] =	ssyncadd.s32 $0xFFFFFFFF  }
0xa5: {  	s26 =	simm.s32 $execute0_lowered;
	[smem:$0x3FD2] =	sst s25  }
0xa6: {  	s5 =	sshll.u32 s26, $0x1;
	_ =	strace $0x80000046;
	[dreg:$0x1] =	wrdreg $0xFFFFFFFF  }
0xa7: {  	s28 =	simm.s32 $_size_execute0_lowered;
	s3 =	sadd.s32 s3, s5;
	[dreg:$0x0] =	wrdreg $0x0  }
0xa8: {  	s5 =	sshll.u32 s28, $0x1;
	[dreg:$0x2] =	wrdreg s3  }
0xa9: {  	[dreg:$0x3] =	wrdreg s5  }
0xaa: {  	[dreg:$0x4] =	wrdreg $0xC0  }
0xab: {  	_ =	task [dreg:s7], $0x5FFFF  }
0xac: {  	[dreg:$0x1] =	wrdreg $0xFFFFFFFF  }
0xad: {  	[dreg:$0x0] =	wrdreg $0x60  }
0xae: {  	[dreg:$0x2] =	wrdreg s24  }
0xaf: {  	[dreg:$0x3] =	wrdreg s2  }
0xb0: {  	[dreg:$0x4] =	wrdreg $0xA8000  }
0xb1: {  	[dreg:$0x5] =	wrdreg $0x9  }
0xb2: {  	_ =	task.clear_ibuf [dreg:s7], $0x6FFFF;
	_ =	strace $0x90000046  }
0xb3: {  	s29 =	simm.s32 $0x9;
	_ =	strace $0x80000048  }
0xb4: {  	_ =	swait.ge [sflag:s29], $0x1  }
0xb5: {  	[sflag:s29] =	ssyncadd.s32 $0xFFFFFFFF  }
0xb6: {  	_ =	strace $0x90000048  }
0xb7: {  	_ =	sfence  }
0xb8: {  	s30 =	sld [smem:$0x0];
	_ =	sdelay $0x2  }
0xb9: {  	s31 =	sshll.u32 s1, $0xD;
	s1 =	sshrl.u32 s1, $0x2  }
0xba: {  	s3 =	sand.u32 $0x4000, s31;
	s1 =	sadd.s32 s1, s30  }
0xbb: {  	s0 =	sor.u32 s3, s0;
	s1 =	sshll.u32 s1, $0x11  }
0xbc: {  	s0 =	sor.u32 s1, s0  }
0xbd: {  	s0 =	sadd.s32 $0x8F2B, s0  }
0xbe: {  	[sflag:s0] =	ssyncadd.remote.s32 $0x1  }
0xbf: {  	_ =	sfence.sel $0xFFFF  }
0xc0: {  	[dreg:$0x0] =	wrdreg $0xFFFFFFFF;
	(pc) =	sbr.abs _section_cstart, $3  }
0xc1: {  	[dreg:$0x1] =	wrdreg $0xFFFFFFFF  }
0xc2: {  	_ =	task.clear_ibuf [dreg:s7], $0x2FFFF;
	_ =	strace $0x9FFFFFFF  }
0xc3: {  	(tm) =	ssettm $0x7FFFFFFF  }
tec
execute0_lowered:
.L_overlay_start_1:
0x0: {  	(tag) =	ssettag $0x1  }
0x1: {  	s1 =	srdreg.scid  }
0x2: {  	s1 =	sand.u32 $0x1, s1  }
0x3: {  	p0 =	seq.s32 s1, $0x1  }
.Ltmp0:
0x4: {  	s3 =	rddreg [dreg:$0x0];
	(pc) =	sbr.rel @p0 .LBB2_20-.Ltmp0, $4  }
0x5: {  	s5 =	rddreg [dreg:$0x1]  }
0x6: {  	s2 =	rddreg [dreg:$0x2];
	s4 =	simm.s32 $0x0  }
0x7: {  	[smem:$0x7FF] =	sst s4  }
0x8: {  	s0 =	rddreg [dreg:$0x3];
	_ =	strace $0x80000047;
	s1 =	stileid.u32  }
0x9: {  	s4 =	smul.u32 $0x4F000, s1  }
0xa: {  	s7 =	sadd.s32 $0x1E400, s3;
	s6 =	sadd.s32 $0xA400, s3;
	s9 =	smul.u32 $0xA00, s1  }
0xb: {  	s8 =	sadd.s32 $0x400, s3;
	s30 =	sadd.s32 $0x14400, s3;
	s10 =	smul.u32 $0x5000, s1  }
0xc: {  	s31 =	smul.u32 $0x2780, s1;
	s4 =	sshrl.u32 s4, $0x2;
	s19 =	sadd.s32 s8, s9  }
0xd: {  	s18 =	sadd.s32 s6, s9;
	s17 =	sadd.s32 s30, s9;
	s3 =	sadd.s32 s4, s2  }
0xe: {  	s4 =	sshrl.u32 s10, $0x3;
	s29 =	sadd.s32 $0x2000, s3;
	s28 =	sadd.s32 $0x4000, s3  }
0xf: {  	s26 =	sadd.s32 $0x6000, s3;
	s25 =	sadd.s32 $0x8000, s3;
	s24 =	sadd.s32 $0xA000, s3  }
0x10: {  	s23 =	sadd.s32 $0xC000, s3;
	s22 =	sadd.s32 $0xE000, s3;
	s21 =	sadd.s32 $0x10000, s3  }
0x11: {  	s20 =	sadd.s32 $0x12000, s3;
	s10 =	sadd.s32 $0x280, s4;
	s11 =	sadd.s32 $0x500, s4  }
0x12: {  	s4 =	sadd.s32 $0x780, s4;
	s16 =	sadd.s32 s8, s10;
	s15 =	sadd.s32 s6, s10  }
0x13: {  	s14 =	sadd.s32 s30, s10;
	s13 =	sadd.s32 s8, s11;
	s12 =	sadd.s32 s6, s11  }
0x14: {  	s11 =	sadd.s32 s30, s11;
	s10 =	sadd.s32 s8, s4;
	s9 =	sadd.s32 s6, s4  }
0x15: {  	s8 =	sadd.s32 s30, s4;
	s4 =	sadd.s32 s5, s31;
	s6 =	sadd.s32 $0x128400, s2  }
0x16: {  	v0 =	vimm.f32 $0.0e+00;
	s5 =	sadd.s32 $0x25080, s5;
	s30 =	simm.s32 $0x0;
	s31 =	simm.s32 $0x200  }
.LBB2_2:
0x17: {  	p0 =	sne.s32 s31, $0x7E00;
	[tilespmem:s30+$0x2870] =	vst v0  }
0x18: {  	[tilespmem:s30+$0x2800] =	vst v0  }
0x19: {  	[tilespmem:s30+$0x2810] =	vst v0  }
.Ltmp1:
0x1a: {  	[tilespmem:s30+$0x2820] =	vst v0;
	(pc) =	sbr.rel @p0 .LBB2_2-.Ltmp1, $4  }
0x1b: {  	[tilespmem:s30+$0x2830] =	vst v0  }
0x1c: {  	[tilespmem:s30+$0x2840] =	vst v0  }
0x1d: {  	[tilespmem:s30+$0x2850] =	vst v0  }
0x1e: {  	[tilespmem:s30+$0x2860] =	vst v0;
	s30 =	sshra.s32 s31, $0x2;
	s31 =	sadd.s32 $0x200, s31  }
0x1f: {  	[tilespmem:s30+$0x2870] =	vst v0  }
0x20: {  	[tilespmem:s30+$0x2800] =	vst v0  }
0x21: {  	[tilespmem:s30+$0x2810] =	vst v0  }
0x22: {  	[tilespmem:s30+$0x2820] =	vst v0  }
0x23: {  	[tilespmem:s30+$0x2830] =	vst v0  }
0x24: {  	[tilespmem:s30+$0x2840] =	vst v0  }
0x25: {  	[tilespmem:s30+$0x2850] =	vst v0  }
0x26: {  	[tilespmem:s30+$0x2860] =	vst v0;
	s30 =	simm.s32 $0x2800;
	s31 =	simm.s32 $0x5  }
0x27: {  	[spmem:s3] =	stream.linear.scatter [tilespmem:s30], [sflag:$0x5], $0x2000, $0x38;
	[tilespmem:$0x1E400] =	vst v63  }
0x28: {  	_ =	swait.ge [sflag:s31], $0x2000  }
0x29: {  	[sflag:s31] =	ssyncset.done $0x0  }
0x2a: {  	[sflag:s31] =	ssyncadd.s32 $0xFFFFE000  }
0x2b: {  	[spmem:s29] =	stream.linear.scatter [tilespmem:s30], [sflag:$0x5], $0x2000, $0x38;
	[tilespmem:$0x1E400] =	vst v63  }
0x2c: {  	_ =	swait.ge [sflag:s31], $0x2000  }
0x2d: {  	[sflag:s31] =	ssyncset.done $0x0  }
0x2e: {  	[sflag:s31] =	ssyncadd.s32 $0xFFFFE000  }
0x2f: {  	[spmem:s28] =	stream.linear.scatter [tilespmem:s30], [sflag:$0x5], $0x2000, $0x38;
	[tilespmem:$0x1E400] =	vst v63  }
0x30: {  	_ =	swait.ge [sflag:s31], $0x2000  }
0x31: {  	[sflag:s31] =	ssyncset.done $0x0  }
0x32: {  	[sflag:s31] =	ssyncadd.s32 $0xFFFFE000  }
0x33: {  	[spmem:s26] =	stream.linear.scatter [tilespmem:s30], [sflag:$0x5], $0x2000, $0x38;
	[tilespmem:$0x1E400] =	vst v63  }
0x34: {  	_ =	swait.ge [sflag:s31], $0x2000  }
0x35: {  	[sflag:s31] =	ssyncset.done $0x0  }
0x36: {  	[sflag:s31] =	ssyncadd.s32 $0xFFFFE000  }
0x37: {  	[spmem:s25] =	stream.linear.scatter [tilespmem:s30], [sflag:$0x5], $0x2000, $0x38;
	[tilespmem:$0x1E400] =	vst v63  }
0x38: {  	_ =	swait.ge [sflag:s31], $0x2000  }
0x39: {  	[sflag:s31] =	ssyncset.done $0x0  }
0x3a: {  	[sflag:s31] =	ssyncadd.s32 $0xFFFFE000  }
0x3b: {  	[spmem:s24] =	stream.linear.scatter [tilespmem:s30], [sflag:$0x5], $0x2000, $0x38;
	[tilespmem:$0x1E400] =	vst v63  }
0x3c: {  	_ =	swait.ge [sflag:s31], $0x2000  }
0x3d: {  	[sflag:s31] =	ssyncset.done $0x0  }
0x3e: {  	[sflag:s31] =	ssyncadd.s32 $0xFFFFE000  }
0x3f: {  	[spmem:s23] =	stream.linear.scatter [tilespmem:s30], [sflag:$0x5], $0x2000, $0x38;
	[tilespmem:$0x1E400] =	vst v63  }
0x40: {  	_ =	swait.ge [sflag:s31], $0x2000  }
0x41: {  	[sflag:s31] =	ssyncset.done $0x0  }
0x42: {  	[sflag:s31] =	ssyncadd.s32 $0xFFFFE000  }
0x43: {  	[spmem:s22] =	stream.linear.scatter [tilespmem:s30], [sflag:$0x5], $0x2000, $0x38;
	[tilespmem:$0x1E400] =	vst v63  }
0x44: {  	_ =	swait.ge [sflag:s31], $0x2000  }
0x45: {  	[sflag:s31] =	ssyncset.done $0x0  }
0x46: {  	[sflag:s31] =	ssyncadd.s32 $0xFFFFE000  }
0x47: {  	[spmem:s21] =	stream.linear.scatter [tilespmem:s30], [sflag:$0x5], $0x2000, $0x38;
	[tilespmem:$0x1E400] =	vst v63  }
0x48: {  	_ =	swait.ge [sflag:s31], $0x2000  }
0x49: {  	[sflag:s31] =	ssyncset.done $0x0  }
0x4a: {  	[sflag:s31] =	ssyncadd.s32 $0xFFFFE000  }
0x4b: {  	[spmem:s20] =	stream.linear.scatter [tilespmem:s30], [sflag:$0x5], $0x1C00, $0x38;
	[tilespmem:$0x1E400] =	vst v63  }
0x4c: {  	_ =	swait.ge [sflag:s31], $0x1C00  }
0x4d: {  	[sflag:s31] =	ssyncset.done $0x0  }
0x4e: {  	[sflag:s31] =	ssyncadd.s32 $0xFFFFE400  }
0x4f: {  	s29 =	simm.s32 $0x0;
	[bflag:$0x0] =	sbarrier.arrive $0xFFFF  }
0x50: {  	[tilespmem:s29], [sflag:$0x5] =	stream.linear.gather [hbm4b:s19+s29], $0x1400, $0x38;
	[tilespmem:$0x1E400] =	vst v63  }
0x51: {  	_ =	swait.ge [sflag:s31], $0x1400  }
0x52: {  	[sflag:s31] =	ssyncset.done $0x0  }
0x53: {  	s30 =	simm.s32 $0x1400;
	[sflag:s31] =	ssyncadd.s32 $0xFFFFEC00  }
0x54: {  	[tilespmem:s30], [sflag:$0x5] =	stream.linear.gather [hbm4b:s18+s29], $0x1400, $0x38;
	[tilespmem:$0x1E400] =	vst v63  }
0x55: {  	_ =	swait.ge [sflag:s31], $0x1400  }
0x56: {  	[sflag:s31] =	ssyncset.done $0x0  }
0x57: {  	s18 =	simm.s32 $0x0;
	[sflag:s31] =	ssyncadd.s32 $0xFFFFEC00  }
0x58: {  	v1 =	vld [tilespmem:s18+$0x1400]  }
0x59: {  	v0 =	vld [tilespmem:s18+$0x1410]  }
0x5a: {  	v4 =	vld [tilespmem:s18+$0x0]  }
0x5b: {  	v3 =	vld [tilespmem:s18+$0x10]  }
0x5c: {  	s19 =	simm.s32 $0x200;
	v2 =	vld [tilespmem:s18+$0x20]  }
.LBB2_4:
0x5d: {  	p0 =	sne.s32 s19, $0x4E00;
	v5 =	vld [tilespmem:s18+$0x30]  }
0x5e: {  	v6 =	vld [tilespmem:s18+$0x1420]  }
0x5f: {  	v4 =	vmul.u32 $0x2710, v4;
	v7 =	vld [tilespmem:s18+$0x1430]  }
0x60: {  	s20 =	sshra.s32 s19, $0x2;
	v3 =	vmul.u32 $0x2710, v3  }
.Ltmp2:
0x61: {  	v4 =	vadd.s32 v1, v4;
	v1 =	vld [tilespmem:s20+$0x1400];
	v2 =	vmul.u32 $0x2710, v2;
	(pc) =	sbr.rel @p0 .LBB2_4-.Ltmp2, $4  }
0x62: {  	[tilespmem:s18+$0x0] =	vst v4;
	v3 =	vadd.s32 v0, v3;
	v0 =	vld [tilespmem:s20+$0x1410];
	v5 =	vmul.u32 $0x2710, v5  }
0x63: {  	v4 =	vld [tilespmem:s20+$0x0];
	[tilespmem:s18+$0x10] =	vst v3;
	v2 =	vadd.s32 v6, v2  }
0x64: {  	v3 =	vld [tilespmem:s20+$0x10];
	[tilespmem:s18+$0x20] =	vst v2;
	v5 =	vadd.s32 v7, v5  }
0x65: {  	s19 =	sadd.s32 $0x200, s19;
	v2 =	vld [tilespmem:s20+$0x20];
	[tilespmem:s18+$0x30] =	vst v5;
	s18 =	smov.u32 s20  }
0x66: {  	v5 =	vld [tilespmem:s18+$0x30]  }
0x67: {  	v6 =	vld [tilespmem:s18+$0x1420]  }
0x68: {  	v7 =	vld [tilespmem:s18+$0x1430];
	v4 =	vmul.u32 $0x2710, v4  }
0x69: {  	v3 =	vmul.u32 $0x2710, v3  }
0x6a: {  	v1 =	vadd.s32 v1, v4;
	v2 =	vmul.u32 $0x2710, v2  }
0x6b: {  	[tilespmem:s18+$0x0] =	vst v1;
	v0 =	vadd.s32 v0, v3;
	v61 =	vmul.u32 $0x2710, v5  }
0x6c: {  	[tilespmem:s18+$0x10] =	vst v0;
	v62 =	vadd.s32 v6, v2  }
0x6d: {  	[tilespmem:s18+$0x20] =	vst v62;
	v63 =	vadd.s32 v7, v61  }
0x6e: {  	s20 =	simm.s32 $0x0;
	s26 =	simm.s32 $0x1400;
	[tilespmem:s18+$0x30] =	vst v63  }
0x6f: {  	[tilespmem:s26], [sflag:$0x5] =	stream.linear.gather [hbm4b:s17+s20], $0x1400, $0x38;
	[tilespmem:$0x1E400] =	vst v63  }
0x70: {  	s17 =	simm.s32 $0x5  }
0x71: {  	_ =	swait.ge [sflag:s17], $0x1400  }
0x72: {  	[sflag:s17] =	ssyncset.done $0x0  }
0x73: {  	s19 =	simm.s32 $0x2800;
	s18 =	simm.s32 $0x40;
	[sflag:s17] =	ssyncadd.s32 $0xFFFFEC00  }
0x74: {  	[tilespmem:s19], [sflag:$0x1] =	stream.indirect.gather [hbm4b:s7+s18], $0x80, s20, s18, $0xb8;
	[tilespmem:$0x1E400] =	vst v63  }
0x75: {  	s21 =	simm.s32 $0x80;
	s20 =	simm.s32 $0x4800  }
0x76: {  	[tilespmem:s20], [sflag:$0x2] =	stream.indirect.gather [hbm4b:s7+s18], $0x80, s21, s18, $0xb8;
	[tilespmem:$0x1E400] =	vst v63  }
0x77: {  	s22 =	simm.s32 $0x100;
	s21 =	simm.s32 $0x6800  }
0x78: {  	[tilespmem:s21], [sflag:$0x3] =	stream.indirect.gather [hbm4b:s7+s18], $0x80, s22, s18, $0xb8;
	[tilespmem:$0x1E400] =	vst v63  }
0x79: {  	s23 =	simm.s32 $0x180;
	s22 =	simm.s32 $0x8800  }
0x7a: {  	[tilespmem:s22], [sflag:$0x4] =	stream.indirect.gather [hbm4b:s7+s18], $0x80, s23, s18, $0xb8;
	[tilespmem:$0x1E400] =	vst v63  }
0x7b: {  	s23 =	simm.s32 $0x1  }
0x7c: {  	_ =	swait.ge [sflag:s23], $0x2000  }
0x7d: {  	[sflag:s23] =	ssyncset.done $0x0  }
0x7e: {  	s24 =	simm.s32 $0x1400;
	[sflag:s23] =	ssyncadd.s32 $0xFFFFE000  }
0x7f: {  	[spmem:s2] =	stream.indirect.scatter.add.f32 [tilespmem:s19], [sflag:$0x5], $0x80, s24, s18, $0xb8;
	[tilespmem:$0x1E400] =	vst v63  }
0x80: {  	_ =	swait.ge [sflag:s17], $0x2000  }
0x81: {  	[sflag:s17] =	ssyncset.done $0x0  }
0x82: {  	s25 =	simm.s32 $0x200;
	s24 =	simm.s32 $0x2;
	[sflag:s17] =	ssyncadd.s32 $0xFFFFE000  }
0x83: {  	[tilespmem:s19], [sflag:$0x1] =	stream.indirect.gather [hbm4b:s7+s18], $0x80, s25, s18, $0xb8;
	[tilespmem:$0x1E400] =	vst v63  }
0x84: {  	_ =	swait.ge [sflag:s24], $0x2000  }
0x85: {  	[sflag:s24] =	ssyncset.done $0x0  }
0x86: {  	s30 =	simm.s32 $0x1480;
	[sflag:s24] =	ssyncadd.s32 $0xFFFFE000  }
0x87: {  	[spmem:s2] =	stream.indirect.scatter.add.f32 [tilespmem:s20], [sflag:$0x5], $0x80, s30, s18, $0xb8;
	[tilespmem:$0x1E400] =	vst v63  }
0x88: {  	_ =	swait.ge [sflag:s17], $0x2000  }
0x89: {  	[sflag:s17] =	ssyncset.done $0x0  }
0x8a: {  	s26 =	simm.s32 $0x280;
	s25 =	simm.s32 $0x3;
	[sflag:s17] =	ssyncadd.s32 $0xFFFFE000  }
0x8b: {  	[tilespmem:s20], [sflag:$0x2] =	stream.indirect.gather [hbm4b:s7+s18], $0x80, s26, s18, $0xb8;
	[tilespmem:$0x1E400] =	vst v63  }
0x8c: {  	_ =	swait.ge [sflag:s25], $0x2000  }
0x8d: {  	[sflag:s25] =	ssyncset.done $0x0  }
0x8e: {  	s31 =	simm.s32 $0x1500;
	[sflag:s25] =	ssyncadd.s32 $0xFFFFE000  }
0x8f: {  	[spmem:s2] =	stream.indirect.scatter.add.f32 [tilespmem:s21], [sflag:$0x5], $0x80, s31, s18, $0xb8;
	[tilespmem:$0x1E400] =	vst v63  }
0x90: {  	_ =	swait.ge [sflag:s17], $0x2000  }
0x91: {  	[sflag:s17] =	ssyncset.done $0x0  }
0x92: {  	s28 =	simm.s32 $0x300;
	s26 =	simm.s32 $0x4;
	[sflag:s17] =	ssyncadd.s32 $0xFFFFE000  }
0x93: {  	[tilespmem:s21], [sflag:$0x3] =	stream.indirect.gather [hbm4b:s7+s18], $0x80, s28, s18, $0xb8;
	[tilespmem:$0x1E400] =	vst v63  }
0x94: {  	_ =	swait.ge [sflag:s26], $0x2000  }
0x95: {  	[sflag:s26] =	ssyncset.done $0x0  }
0x96: {  	s28 =	simm.s32 $0x1580;
	[sflag:s26] =	ssyncadd.s32 $0xFFFFE000  }
0x97: {  	[spmem:s2] =	stream.indirect.scatter.add.f32 [tilespmem:s22], [sflag:$0x5], $0x80, s28, s18, $0xb8;
	[tilespmem:$0x1E400] =	vst v63  }
0x98: {  	_ =	swait.ge [sflag:s17], $0x2000  }
0x99: {  	[sflag:s17] =	ssyncset.done $0x0  }
0x9a: {  	s29 =	simm.s32 $0x380;
	s28 =	simm.s32 $0x800;
	[sflag:s17] =	ssyncadd.s32 $0xFFFFE000  }
.LBB2_6:
0x9b: {  	[tilespmem:s22], [sflag:$0x4] =	stream.indirect.gather [hbm4b:s7+s18], $0x80, s29, s18, $0xb8;
	[tilespmem:$0x1E400] =	vst v63  }
0x9c: {  	s29 =	smov.u32 s28  }
0x9d: {  	p0 =	sne.s32 s28, $0x4000;
	s28 =	sadd.s32 $0x800, s28;
	_ =	swait.ge [sflag:s23], $0x2000  }
0x9e: {  	s29 =	sshra.s32 s29, $0x2;
	[sflag:s23] =	ssyncset.done $0x0  }
0x9f: {  	s30 =	sadd.s32 $0x1400, s29;
	[sflag:s23] =	ssyncadd.s32 $0xFFFFE000  }
0xa0: {  	[spmem:s2] =	stream.indirect.scatter.add.f32 [tilespmem:s19], [sflag:$0x5], $0x80, s30, s18, $0xb8;
	[tilespmem:$0x1E400] =	vst v63  }
0xa1: {  	_ =	swait.ge [sflag:s17], $0x2000  }
0xa2: {  	[sflag:s17] =	ssyncset.done $0x0  }
0xa3: {  	s30 =	sadd.s32 $0x200, s29;
	[sflag:s17] =	ssyncadd.s32 $0xFFFFE000  }
0xa4: {  	[tilespmem:s19], [sflag:$0x1] =	stream.indirect.gather [hbm4b:s7+s18], $0x80, s30, s18, $0xb8;
	[tilespmem:$0x1E400] =	vst v63  }
0xa5: {  	_ =	swait.ge [sflag:s24], $0x2000  }
0xa6: {  	[sflag:s24] =	ssyncset.done $0x0  }
0xa7: {  	s30 =	sadd.s32 $0x1480, s29;
	[sflag:s24] =	ssyncadd.s32 $0xFFFFE000  }
0xa8: {  	[spmem:s2] =	stream.indirect.scatter.add.f32 [tilespmem:s20], [sflag:$0x5], $0x80, s30, s18, $0xb8;
	[tilespmem:$0x1E400] =	vst v63  }
0xa9: {  	_ =	swait.ge [sflag:s17], $0x2000  }
0xaa: {  	[sflag:s17] =	ssyncset.done $0x0  }
0xab: {  	s30 =	sadd.s32 $0x280, s29;
	[sflag:s17] =	ssyncadd.s32 $0xFFFFE000  }
0xac: {  	[tilespmem:s20], [sflag:$0x2] =	stream.indirect.gather [hbm4b:s7+s18], $0x80, s30, s18, $0xb8;
	[tilespmem:$0x1E400] =	vst v63  }
0xad: {  	_ =	swait.ge [sflag:s25], $0x2000  }
0xae: {  	[sflag:s25] =	ssyncset.done $0x0  }
0xaf: {  	s30 =	sadd.s32 $0x1500, s29;
	[sflag:s25] =	ssyncadd.s32 $0xFFFFE000  }
0xb0: {  	[spmem:s2] =	stream.indirect.scatter.add.f32 [tilespmem:s21], [sflag:$0x5], $0x80, s30, s18, $0xb8;
	[tilespmem:$0x1E400] =	vst v63  }
0xb1: {  	_ =	swait.ge [sflag:s17], $0x2000  }
0xb2: {  	[sflag:s17] =	ssyncset.done $0x0  }
0xb3: {  	s30 =	sadd.s32 $0x300, s29;
	[sflag:s17] =	ssyncadd.s32 $0xFFFFE000  }
0xb4: {  	[tilespmem:s21], [sflag:$0x3] =	stream.indirect.gather [hbm4b:s7+s18], $0x80, s30, s18, $0xb8;
	[tilespmem:$0x1E400] =	vst v63  }
0xb5: {  	_ =	swait.ge [sflag:s26], $0x2000  }
0xb6: {  	[sflag:s26] =	ssyncset.done $0x0  }
.Ltmp3:
0xb7: {  	s30 =	sadd.s32 $0x1580, s29;
	[sflag:s26] =	ssyncadd.s32 $0xFFFFE000;
	(pc) =	sbr.rel @p0 .LBB2_6-.Ltmp3, $4  }
0xb8: {  	[spmem:s2] =	stream.indirect.scatter.add.f32 [tilespmem:s22], [sflag:$0x5], $0x80, s30, s18, $0xb8;
	[tilespmem:$0x1E400] =	vst v63  }
0xb9: {  	_ =	swait.ge [sflag:s17], $0x2000  }
0xba: {  	[sflag:s17] =	ssyncset.done $0x0  }
0xbb: {  	s29 =	sadd.s32 $0x380, s29;
	[sflag:s17] =	ssyncadd.s32 $0xFFFFE000  }
0xbc: {  	[tilespmem:s22], [sflag:$0x4] =	stream.indirect.gather [hbm4b:s7+s18], $0x80, s29, s18, $0xb8;
	[tilespmem:$0x1E400] =	vst v63  }
0xbd: {  	s17 =	simm.s32 $0x1  }
0xbe: {  	_ =	swait.ge [sflag:s17], $0x2000  }
0xbf: {  	s31 =	simm.s32 $0x40;
	s20 =	simm.s32 $0x2600;
	[sflag:s17] =	ssyncset.done $0x0  }
0xc0: {  	s19 =	simm.s32 $0x2800;
	s18 =	simm.s32 $0x5;
	[sflag:s17] =	ssyncadd.s32 $0xFFFFE000  }
0xc1: {  	[spmem:s2] =	stream.indirect.scatter.add.f32 [tilespmem:s19], [sflag:$0x5], $0x80, s20, s31, $0xb8;
	[tilespmem:$0x1E400] =	vst v63  }
0xc2: {  	_ =	swait.ge [sflag:s18], $0x2000  }
0xc3: {  	[sflag:s18] =	ssyncset.done $0x0  }
0xc4: {  	s21 =	simm.s32 $0x2;
	[sflag:s18] =	ssyncadd.s32 $0xFFFFE000  }
0xc5: {  	_ =	swait.ge [sflag:s21], $0x2000  }
0xc6: {  	[sflag:s21] =	ssyncset.done $0x0  }
0xc7: {  	s22 =	simm.s32 $0x2680;
	s20 =	simm.s32 $0x4800;
	[sflag:s21] =	ssyncadd.s32 $0xFFFFE000  }
0xc8: {  	[spmem:s2] =	stream.indirect.scatter.add.f32 [tilespmem:s20], [sflag:$0x5], $0x80, s22, s31, $0xb8;
	[tilespmem:$0x1E400] =	vst v63  }
0xc9: {  	_ =	swait.ge [sflag:s18], $0x2000  }
0xca: {  	[sflag:s18] =	ssyncset.done $0x0  }
0xcb: {  	s23 =	simm.s32 $0x3;
	[sflag:s18] =	ssyncadd.s32 $0xFFFFE000  }
0xcc: {  	_ =	swait.ge [sflag:s23], $0x2000  }
0xcd: {  	[sflag:s23] =	ssyncset.done $0x0  }
0xce: {  	s24 =	simm.s32 $0x2700;
	s25 =	simm.s32 $0x6800;
	[sflag:s23] =	ssyncadd.s32 $0xFFFFE000  }
0xcf: {  	[spmem:s2] =	stream.indirect.scatter.add.f32 [tilespmem:s25], [sflag:$0x5], $0x80, s24, s31, $0xb8;
	[tilespmem:$0x1E400] =	vst v63  }
0xd0: {  	_ =	swait.ge [sflag:s18], $0x2000  }
0xd1: {  	[sflag:s18] =	ssyncset.done $0x0  }
0xd2: {  	s26 =	simm.s32 $0x4;
	[sflag:s18] =	ssyncadd.s32 $0xFFFFE000  }
0xd3: {  	_ =	swait.ge [sflag:s26], $0x2000  }
0xd4: {  	[sflag:s26] =	ssyncset.done $0x0  }
0xd5: {  	s28 =	simm.s32 $0x2780;
	s29 =	simm.s32 $0x8800;
	[sflag:s26] =	ssyncadd.s32 $0xFFFFE000  }
0xd6: {  	[spmem:s2] =	stream.indirect.scatter.add.f32 [tilespmem:s29], [sflag:$0x5], $0x80, s28, s31, $0xb8;
	[tilespmem:$0x1E400] =	vst v63  }
0xd7: {  	_ =	swait.ge [sflag:s18], $0x2000  }
0xd8: {  	[sflag:s18] =	ssyncset.done $0x0  }
0xd9: {  	s30 =	simm.s32 $0x0;
	[sflag:s18] =	ssyncadd.s32 $0xFFFFE000  }
0xda: {  	[tilespmem:s30], [sflag:$0x5] =	stream.linear.gather [hbm4b:s16+s30], $0x1400, $0x38;
	[tilespmem:$0x1E400] =	vst v63  }
0xdb: {  	_ =	swait.ge [sflag:s18], $0x1400  }
0xdc: {  	[sflag:s18] =	ssyncset.done $0x0  }
0xdd: {  	s31 =	simm.s32 $0x1400;
	[sflag:s18] =	ssyncadd.s32 $0xFFFFEC00  }
0xde: {  	[tilespmem:s31], [sflag:$0x5] =	stream.linear.gather [hbm4b:s15+s30], $0x1400, $0x38;
	[tilespmem:$0x1E400] =	vst v63  }
0xdf: {  	_ =	swait.ge [sflag:s18], $0x1400  }
0xe0: {  	[sflag:s18] =	ssyncset.done $0x0  }
0xe1: {  	s15 =	simm.s32 $0x0;
	[sflag:s18] =	ssyncadd.s32 $0xFFFFEC00  }
0xe2: {  	v1 =	vld [tilespmem:s15+$0x1400]  }
0xe3: {  	v0 =	vld [tilespmem:s15+$0x1410]  }
0xe4: {  	v4 =	vld [tilespmem:s15+$0x0]  }
0xe5: {  	v3 =	vld [tilespmem:s15+$0x10]  }
0xe6: {  	s16 =	simm.s32 $0x200;
	v2 =	vld [tilespmem:s15+$0x20]  }
.LBB2_8:
0xe7: {  	p0 =	sne.s32 s16, $0x4E00;
	v5 =	vld [tilespmem:s15+$0x30]  }
0xe8: {  	v6 =	vld [tilespmem:s15+$0x1420]  }
0xe9: {  	v4 =	vmul.u32 $0x2710, v4;
	v7 =	vld [tilespmem:s15+$0x1430]  }
0xea: {  	s17 =	sshra.s32 s16, $0x2;
	v3 =	vmul.u32 $0x2710, v3  }
.Ltmp4:
0xeb: {  	v4 =	vadd.s32 v1, v4;
	v1 =	vld [tilespmem:s17+$0x1400];
	v2 =	vmul.u32 $0x2710, v2;
	(pc) =	sbr.rel @p0 .LBB2_8-.Ltmp4, $4  }
0xec: {  	[tilespmem:s15+$0x0] =	vst v4;
	v3 =	vadd.s32 v0, v3;
	v0 =	vld [tilespmem:s17+$0x1410];
	v5 =	vmul.u32 $0x2710, v5  }
0xed: {  	v4 =	vld [tilespmem:s17+$0x0];
	[tilespmem:s15+$0x10] =	vst v3;
	v2 =	vadd.s32 v6, v2  }
0xee: {  	v3 =	vld [tilespmem:s17+$0x10];
	[tilespmem:s15+$0x20] =	vst v2;
	v5 =	vadd.s32 v7, v5  }
0xef: {  	s16 =	sadd.s32 $0x200, s16;
	v2 =	vld [tilespmem:s17+$0x20];
	[tilespmem:s15+$0x30] =	vst v5;
	s15 =	smov.u32 s17  }
0xf0: {  	v5 =	vld [tilespmem:s15+$0x30]  }
0xf1: {  	v6 =	vld [tilespmem:s15+$0x1420]  }
0xf2: {  	v7 =	vld [tilespmem:s15+$0x1430];
	v4 =	vmul.u32 $0x2710, v4  }
0xf3: {  	v3 =	vmul.u32 $0x2710, v3  }
0xf4: {  	v1 =	vadd.s32 v1, v4;
	v2 =	vmul.u32 $0x2710, v2  }
0xf5: {  	[tilespmem:s15+$0x0] =	vst v1;
	v0 =	vadd.s32 v0, v3;
	v61 =	vmul.u32 $0x2710, v5  }
0xf6: {  	[tilespmem:s15+$0x10] =	vst v0;
	v62 =	vadd.s32 v6, v2  }
0xf7: {  	[tilespmem:s15+$0x20] =	vst v62;
	v63 =	vadd.s32 v7, v61  }
0xf8: {  	s17 =	simm.s32 $0x0;
	s28 =	simm.s32 $0x1400;
	[tilespmem:s15+$0x30] =	vst v63  }
0xf9: {  	[tilespmem:s28], [sflag:$0x5] =	stream.linear.gather [hbm4b:s14+s17], $0x1400, $0x38;
	[tilespmem:$0x1E400] =	vst v63  }
0xfa: {  	s14 =	simm.s32 $0x5  }
0xfb: {  	_ =	swait.ge [sflag:s14], $0x1400  }
0xfc: {  	[sflag:s14] =	ssyncset.done $0x0  }
0xfd: {  	s16 =	simm.s32 $0x2800;
	s15 =	simm.s32 $0x40;
	[sflag:s14] =	ssyncadd.s32 $0xFFFFEC00  }
0xfe: {  	[tilespmem:s16], [sflag:$0x1] =	stream.indirect.gather [hbm4b:s7+s15], $0x80, s17, s15, $0xb8;
	[tilespmem:$0x1E400] =	vst v63  }
0xff: {  	s18 =	simm.s32 $0x80;
	s17 =	simm.s32 $0x4800  }
0x100: {  	[tilespmem:s17], [sflag:$0x2] =	stream.indirect.gather [hbm4b:s7+s15], $0x80, s18, s15, $0xb8;
	[tilespmem:$0x1E400] =	vst v63  }
0x101: {  	s19 =	simm.s32 $0x100;
	s18 =	simm.s32 $0x6800  }
0x102: {  	[tilespmem:s18], [sflag:$0x3] =	stream.indirect.gather [hbm4b:s7+s15], $0x80, s19, s15, $0xb8;
	[tilespmem:$0x1E400] =	vst v63  }
0x103: {  	s20 =	simm.s32 $0x180;
	s19 =	simm.s32 $0x8800  }
0x104: {  	[tilespmem:s19], [sflag:$0x4] =	stream.indirect.gather [hbm4b:s7+s15], $0x80, s20, s15, $0xb8;
	[tilespmem:$0x1E400] =	vst v63  }
0x105: {  	s20 =	simm.s32 $0x1  }
0x106: {  	_ =	swait.ge [sflag:s20], $0x2000  }
0x107: {  	[sflag:s20] =	ssyncset.done $0x0  }
0x108: {  	s21 =	simm.s32 $0x1400;
	[sflag:s20] =	ssyncadd.s32 $0xFFFFE000  }
0x109: {  	[spmem:s2] =	stream.indirect.scatter.add.f32 [tilespmem:s16], [sflag:$0x5], $0x80, s21, s15, $0xb8;
	[tilespmem:$0x1E400] =	vst v63  }
0x10a: {  	_ =	swait.ge [sflag:s14], $0x2000  }
0x10b: {  	[sflag:s14] =	ssyncset.done $0x0  }
0x10c: {  	s22 =	simm.s32 $0x200;
	s21 =	simm.s32 $0x2;
	[sflag:s14] =	ssyncadd.s32 $0xFFFFE000  }
0x10d: {  	[tilespmem:s16], [sflag:$0x1] =	stream.indirect.gather [hbm4b:s7+s15], $0x80, s22, s15, $0xb8;
	[tilespmem:$0x1E400] =	vst v63  }
0x10e: {  	_ =	swait.ge [sflag:s21], $0x2000  }
0x10f: {  	[sflag:s21] =	ssyncset.done $0x0  }
0x110: {  	s29 =	simm.s32 $0x1480;
	[sflag:s21] =	ssyncadd.s32 $0xFFFFE000  }
0x111: {  	[spmem:s2] =	stream.indirect.scatter.add.f32 [tilespmem:s17], [sflag:$0x5], $0x80, s29, s15, $0xb8;
	[tilespmem:$0x1E400] =	vst v63  }
0x112: {  	_ =	swait.ge [sflag:s14], $0x2000  }
0x113: {  	[sflag:s14] =	ssyncset.done $0x0  }
0x114: {  	s23 =	simm.s32 $0x280;
	s22 =	simm.s32 $0x3;
	[sflag:s14] =	ssyncadd.s32 $0xFFFFE000  }
0x115: {  	[tilespmem:s17], [sflag:$0x2] =	stream.indirect.gather [hbm4b:s7+s15], $0x80, s23, s15, $0xb8;
	[tilespmem:$0x1E400] =	vst v63  }
0x116: {  	_ =	swait.ge [sflag:s22], $0x2000  }
0x117: {  	[sflag:s22] =	ssyncset.done $0x0  }
0x118: {  	s30 =	simm.s32 $0x1500;
	[sflag:s22] =	ssyncadd.s32 $0xFFFFE000  }
0x119: {  	[spmem:s2] =	stream.indirect.scatter.add.f32 [tilespmem:s18], [sflag:$0x5], $0x80, s30, s15, $0xb8;
	[tilespmem:$0x1E400] =	vst v63  }
0x11a: {  	_ =	swait.ge [sflag:s14], $0x2000  }
0x11b: {  	[sflag:s14] =	ssyncset.done $0x0  }
0x11c: {  	s24 =	simm.s32 $0x300;
	s23 =	simm.s32 $0x4;
	[sflag:s14] =	ssyncadd.s32 $0xFFFFE000  }
0x11d: {  	[tilespmem:s18], [sflag:$0x3] =	stream.indirect.gather [hbm4b:s7+s15], $0x80, s24, s15, $0xb8;
	[tilespmem:$0x1E400] =	vst v63  }
0x11e: {  	_ =	swait.ge [sflag:s23], $0x2000  }
0x11f: {  	[sflag:s23] =	ssyncset.done $0x0  }
0x120: {  	s31 =	simm.s32 $0x1580;
	[sflag:s23] =	ssyncadd.s32 $0xFFFFE000  }
0x121: {  	[spmem:s2] =	stream.indirect.scatter.add.f32 [tilespmem:s19], [sflag:$0x5], $0x80, s31, s15, $0xb8;
	[tilespmem:$0x1E400] =	vst v63  }
0x122: {  	_ =	swait.ge [sflag:s14], $0x2000  }
0x123: {  	[sflag:s14] =	ssyncset.done $0x0  }
0x124: {  	s25 =	simm.s32 $0x380;
	s24 =	simm.s32 $0x800;
	[sflag:s14] =	ssyncadd.s32 $0xFFFFE000  }
.LBB2_10:
0x125: {  	[tilespmem:s19], [sflag:$0x4] =	stream.indirect.gather [hbm4b:s7+s15], $0x80, s25, s15, $0xb8;
	[tilespmem:$0x1E400] =	vst v63  }
0x126: {  	s25 =	smov.u32 s24  }
0x127: {  	p0 =	sne.s32 s24, $0x4000;
	s24 =	sadd.s32 $0x800, s24;
	_ =	swait.ge [sflag:s20], $0x2000  }
0x128: {  	s25 =	sshra.s32 s25, $0x2;
	[sflag:s20] =	ssyncset.done $0x0  }
0x129: {  	s26 =	sadd.s32 $0x1400, s25;
	[sflag:s20] =	ssyncadd.s32 $0xFFFFE000  }
0x12a: {  	[spmem:s2] =	stream.indirect.scatter.add.f32 [tilespmem:s16], [sflag:$0x5], $0x80, s26, s15, $0xb8;
	[tilespmem:$0x1E400] =	vst v63  }
0x12b: {  	_ =	swait.ge [sflag:s14], $0x2000  }
0x12c: {  	[sflag:s14] =	ssyncset.done $0x0  }
0x12d: {  	s26 =	sadd.s32 $0x200, s25;
	[sflag:s14] =	ssyncadd.s32 $0xFFFFE000  }
0x12e: {  	[tilespmem:s16], [sflag:$0x1] =	stream.indirect.gather [hbm4b:s7+s15], $0x80, s26, s15, $0xb8;
	[tilespmem:$0x1E400] =	vst v63  }
0x12f: {  	_ =	swait.ge [sflag:s21], $0x2000  }
0x130: {  	[sflag:s21] =	ssyncset.done $0x0  }
0x131: {  	s26 =	sadd.s32 $0x1480, s25;
	[sflag:s21] =	ssyncadd.s32 $0xFFFFE000  }
0x132: {  	[spmem:s2] =	stream.indirect.scatter.add.f32 [tilespmem:s17], [sflag:$0x5], $0x80, s26, s15, $0xb8;
	[tilespmem:$0x1E400] =	vst v63  }
0x133: {  	_ =	swait.ge [sflag:s14], $0x2000  }
0x134: {  	[sflag:s14] =	ssyncset.done $0x0  }
0x135: {  	s26 =	sadd.s32 $0x280, s25;
	[sflag:s14] =	ssyncadd.s32 $0xFFFFE000  }
0x136: {  	[tilespmem:s17], [sflag:$0x2] =	stream.indirect.gather [hbm4b:s7+s15], $0x80, s26, s15, $0xb8;
	[tilespmem:$0x1E400] =	vst v63  }
0x137: {  	_ =	swait.ge [sflag:s22], $0x2000  }
0x138: {  	[sflag:s22] =	ssyncset.done $0x0  }
0x139: {  	s26 =	sadd.s32 $0x1500, s25;
	[sflag:s22] =	ssyncadd.s32 $0xFFFFE000  }
0x13a: {  	[spmem:s2] =	stream.indirect.scatter.add.f32 [tilespmem:s18], [sflag:$0x5], $0x80, s26, s15, $0xb8;
	[tilespmem:$0x1E400] =	vst v63  }
0x13b: {  	_ =	swait.ge [sflag:s14], $0x2000  }
0x13c: {  	[sflag:s14] =	ssyncset.done $0x0  }
0x13d: {  	s26 =	sadd.s32 $0x300, s25;
	[sflag:s14] =	ssyncadd.s32 $0xFFFFE000  }
0x13e: {  	[tilespmem:s18], [sflag:$0x3] =	stream.indirect.gather [hbm4b:s7+s15], $0x80, s26, s15, $0xb8;
	[tilespmem:$0x1E400] =	vst v63  }
0x13f: {  	_ =	swait.ge [sflag:s23], $0x2000  }
0x140: {  	[sflag:s23] =	ssyncset.done $0x0  }
.Ltmp5:
0x141: {  	s26 =	sadd.s32 $0x1580, s25;
	[sflag:s23] =	ssyncadd.s32 $0xFFFFE000;
	(pc) =	sbr.rel @p0 .LBB2_10-.Ltmp5, $4  }
0x142: {  	[spmem:s2] =	stream.indirect.scatter.add.f32 [tilespmem:s19], [sflag:$0x5], $0x80, s26, s15, $0xb8;
	[tilespmem:$0x1E400] =	vst v63  }
0x143: {  	_ =	swait.ge [sflag:s14], $0x2000  }
0x144: {  	[sflag:s14] =	ssyncset.done $0x0  }
0x145: {  	s25 =	sadd.s32 $0x380, s25;
	[sflag:s14] =	ssyncadd.s32 $0xFFFFE000  }
0x146: {  	[tilespmem:s19], [sflag:$0x4] =	stream.indirect.gather [hbm4b:s7+s15], $0x80, s25, s15, $0xb8;
	[tilespmem:$0x1E400] =	vst v63  }
0x147: {  	s14 =	simm.s32 $0x1  }
0x148: {  	_ =	swait.ge [sflag:s14], $0x2000  }
0x149: {  	s18 =	simm.s32 $0x40;
	s19 =	simm.s32 $0x2600;
	[sflag:s14] =	ssyncset.done $0x0  }
0x14a: {  	s16 =	simm.s32 $0x2800;
	s20 =	simm.s32 $0x5;
	[sflag:s14] =	ssyncadd.s32 $0xFFFFE000  }
0x14b: {  	[spmem:s2] =	stream.indirect.scatter.add.f32 [tilespmem:s16], [sflag:$0x5], $0x80, s19, s18, $0xb8;
	[tilespmem:$0x1E400] =	vst v63  }
0x14c: {  	_ =	swait.ge [sflag:s20], $0x2000  }
0x14d: {  	[sflag:s20] =	ssyncset.done $0x0  }
0x14e: {  	s21 =	simm.s32 $0x2;
	[sflag:s20] =	ssyncadd.s32 $0xFFFFE000  }
0x14f: {  	_ =	swait.ge [sflag:s21], $0x2000  }
0x150: {  	[sflag:s21] =	ssyncset.done $0x0  }
0x151: {  	s22 =	simm.s32 $0x2680;
	s17 =	simm.s32 $0x4800;
	[sflag:s21] =	ssyncadd.s32 $0xFFFFE000  }
0x152: {  	[spmem:s2] =	stream.indirect.scatter.add.f32 [tilespmem:s17], [sflag:$0x5], $0x80, s22, s18, $0xb8;
	[tilespmem:$0x1E400] =	vst v63  }
0x153: {  	_ =	swait.ge [sflag:s20], $0x2000  }
0x154: {  	[sflag:s20] =	ssyncset.done $0x0  }
0x155: {  	s23 =	simm.s32 $0x3;
	[sflag:s20] =	ssyncadd.s32 $0xFFFFE000  }
0x156: {  	_ =	swait.ge [sflag:s23], $0x2000  }
0x157: {  	[sflag:s23] =	ssyncset.done $0x0  }
0x158: {  	s24 =	simm.s32 $0x2700;
	s25 =	simm.s32 $0x6800;
	[sflag:s23] =	ssyncadd.s32 $0xFFFFE000  }
0x159: {  	[spmem:s2] =	stream.indirect.scatter.add.f32 [tilespmem:s25], [sflag:$0x5], $0x80, s24, s18, $0xb8;
	[tilespmem:$0x1E400] =	vst v63  }
0x15a: {  	_ =	swait.ge [sflag:s20], $0x2000  }
0x15b: {  	[sflag:s20] =	ssyncset.done $0x0  }
0x15c: {  	s26 =	simm.s32 $0x4;
	[sflag:s20] =	ssyncadd.s32 $0xFFFFE000  }
0x15d: {  	_ =	swait.ge [sflag:s26], $0x2000  }
0x15e: {  	[sflag:s26] =	ssyncset.done $0x0  }
0x15f: {  	s28 =	simm.s32 $0x2780;
	s29 =	simm.s32 $0x8800;
	[sflag:s26] =	ssyncadd.s32 $0xFFFFE000  }
0x160: {  	[spmem:s2] =	stream.indirect.scatter.add.f32 [tilespmem:s29], [sflag:$0x5], $0x80, s28, s18, $0xb8;
	[tilespmem:$0x1E400] =	vst v63  }
0x161: {  	_ =	swait.ge [sflag:s20], $0x2000  }
0x162: {  	[sflag:s20] =	ssyncset.done $0x0  }
0x163: {  	s30 =	simm.s32 $0x0;
	[sflag:s20] =	ssyncadd.s32 $0xFFFFE000  }
0x164: {  	[tilespmem:s30], [sflag:$0x5] =	stream.linear.gather [hbm4b:s13+s30], $0x1400, $0x38;
	[tilespmem:$0x1E400] =	vst v63  }
0x165: {  	_ =	swait.ge [sflag:s20], $0x1400  }
0x166: {  	[sflag:s20] =	ssyncset.done $0x0  }
0x167: {  	s31 =	simm.s32 $0x1400;
	[sflag:s20] =	ssyncadd.s32 $0xFFFFEC00  }
0x168: {  	[tilespmem:s31], [sflag:$0x5] =	stream.linear.gather [hbm4b:s12+s30], $0x1400, $0x38;
	[tilespmem:$0x1E400] =	vst v63  }
0x169: {  	_ =	swait.ge [sflag:s20], $0x1400  }
0x16a: {  	[sflag:s20] =	ssyncset.done $0x0  }
0x16b: {  	s12 =	simm.s32 $0x0;
	[sflag:s20] =	ssyncadd.s32 $0xFFFFEC00  }
0x16c: {  	v1 =	vld [tilespmem:s12+$0x1400]  }
0x16d: {  	v0 =	vld [tilespmem:s12+$0x1410]  }
0x16e: {  	v4 =	vld [tilespmem:s12+$0x0]  }
0x16f: {  	v3 =	vld [tilespmem:s12+$0x10]  }
0x170: {  	s13 =	simm.s32 $0x200;
	v2 =	vld [tilespmem:s12+$0x20]  }
.LBB2_12:
0x171: {  	p0 =	sne.s32 s13, $0x4E00;
	v5 =	vld [tilespmem:s12+$0x30]  }
0x172: {  	v6 =	vld [tilespmem:s12+$0x1420]  }
0x173: {  	v4 =	vmul.u32 $0x2710, v4;
	v7 =	vld [tilespmem:s12+$0x1430]  }
0x174: {  	s14 =	sshra.s32 s13, $0x2;
	v3 =	vmul.u32 $0x2710, v3  }
.Ltmp6:
0x175: {  	v4 =	vadd.s32 v1, v4;
	v1 =	vld [tilespmem:s14+$0x1400];
	v2 =	vmul.u32 $0x2710, v2;
	(pc) =	sbr.rel @p0 .LBB2_12-.Ltmp6, $4  }
0x176: {  	[tilespmem:s12+$0x0] =	vst v4;
	v3 =	vadd.s32 v0, v3;
	v0 =	vld [tilespmem:s14+$0x1410];
	v5 =	vmul.u32 $0x2710, v5  }
0x177: {  	v4 =	vld [tilespmem:s14+$0x0];
	[tilespmem:s12+$0x10] =	vst v3;
	v2 =	vadd.s32 v6, v2  }
0x178: {  	v3 =	vld [tilespmem:s14+$0x10];
	[tilespmem:s12+$0x20] =	vst v2;
	v5 =	vadd.s32 v7, v5  }
0x179: {  	s13 =	sadd.s32 $0x200, s13;
	v2 =	vld [tilespmem:s14+$0x20];
	[tilespmem:s12+$0x30] =	vst v5;
	s12 =	smov.u32 s14  }
0x17a: {  	v5 =	vld [tilespmem:s12+$0x30]  }
0x17b: {  	v6 =	vld [tilespmem:s12+$0x1420]  }
0x17c: {  	v7 =	vld [tilespmem:s12+$0x1430];
	v4 =	vmul.u32 $0x2710, v4  }
0x17d: {  	v3 =	vmul.u32 $0x2710, v3  }
0x17e: {  	v1 =	vadd.s32 v1, v4;
	v2 =	vmul.u32 $0x2710, v2  }
0x17f: {  	[tilespmem:s12+$0x0] =	vst v1;
	v0 =	vadd.s32 v0, v3;
	v61 =	vmul.u32 $0x2710, v5  }
0x180: {  	[tilespmem:s12+$0x10] =	vst v0;
	v62 =	vadd.s32 v6, v2  }
0x181: {  	[tilespmem:s12+$0x20] =	vst v62;
	v63 =	vadd.s32 v7, v61  }
0x182: {  	s14 =	simm.s32 $0x0;
	s28 =	simm.s32 $0x1400;
	[tilespmem:s12+$0x30] =	vst v63  }
0x183: {  	[tilespmem:s28], [sflag:$0x5] =	stream.linear.gather [hbm4b:s11+s14], $0x1400, $0x38;
	[tilespmem:$0x1E400] =	vst v63  }
0x184: {  	s11 =	simm.s32 $0x5  }
0x185: {  	_ =	swait.ge [sflag:s11], $0x1400  }
0x186: {  	[sflag:s11] =	ssyncset.done $0x0  }
0x187: {  	s13 =	simm.s32 $0x2800;
	s12 =	simm.s32 $0x40;
	[sflag:s11] =	ssyncadd.s32 $0xFFFFEC00  }
0x188: {  	[tilespmem:s13], [sflag:$0x1] =	stream.indirect.gather [hbm4b:s7+s12], $0x80, s14, s12, $0xb8;
	[tilespmem:$0x1E400] =	vst v63  }
0x189: {  	s15 =	simm.s32 $0x80;
	s14 =	simm.s32 $0x4800  }
0x18a: {  	[tilespmem:s14], [sflag:$0x2] =	stream.indirect.gather [hbm4b:s7+s12], $0x80, s15, s12, $0xb8;
	[tilespmem:$0x1E400] =	vst v63  }
0x18b: {  	s16 =	simm.s32 $0x100;
	s15 =	simm.s32 $0x6800  }
0x18c: {  	[tilespmem:s15], [sflag:$0x3] =	stream.indirect.gather [hbm4b:s7+s12], $0x80, s16, s12, $0xb8;
	[tilespmem:$0x1E400] =	vst v63  }
0x18d: {  	s17 =	simm.s32 $0x180;
	s16 =	simm.s32 $0x8800  }
0x18e: {  	[tilespmem:s16], [sflag:$0x4] =	stream.indirect.gather [hbm4b:s7+s12], $0x80, s17, s12, $0xb8;
	[tilespmem:$0x1E400] =	vst v63  }
0x18f: {  	s17 =	simm.s32 $0x1  }
0x190: {  	_ =	swait.ge [sflag:s17], $0x2000  }
0x191: {  	[sflag:s17] =	ssyncset.done $0x0  }
0x192: {  	s18 =	simm.s32 $0x1400;
	[sflag:s17] =	ssyncadd.s32 $0xFFFFE000  }
0x193: {  	[spmem:s2] =	stream.indirect.scatter.add.f32 [tilespmem:s13], [sflag:$0x5], $0x80, s18, s12, $0xb8;
	[tilespmem:$0x1E400] =	vst v63  }
0x194: {  	_ =	swait.ge [sflag:s11], $0x2000  }
0x195: {  	[sflag:s11] =	ssyncset.done $0x0  }
0x196: {  	s19 =	simm.s32 $0x200;
	s18 =	simm.s32 $0x2;
	[sflag:s11] =	ssyncadd.s32 $0xFFFFE000  }
0x197: {  	[tilespmem:s13], [sflag:$0x1] =	stream.indirect.gather [hbm4b:s7+s12], $0x80, s19, s12, $0xb8;
	[tilespmem:$0x1E400] =	vst v63  }
0x198: {  	_ =	swait.ge [sflag:s18], $0x2000  }
0x199: {  	[sflag:s18] =	ssyncset.done $0x0  }
0x19a: {  	s29 =	simm.s32 $0x1480;
	[sflag:s18] =	ssyncadd.s32 $0xFFFFE000  }
0x19b: {  	[spmem:s2] =	stream.indirect.scatter.add.f32 [tilespmem:s14], [sflag:$0x5], $0x80, s29, s12, $0xb8;
	[tilespmem:$0x1E400] =	vst v63  }
0x19c: {  	_ =	swait.ge [sflag:s11], $0x2000  }
0x19d: {  	[sflag:s11] =	ssyncset.done $0x0  }
0x19e: {  	s20 =	simm.s32 $0x280;
	s19 =	simm.s32 $0x3;
	[sflag:s11] =	ssyncadd.s32 $0xFFFFE000  }
0x19f: {  	[tilespmem:s14], [sflag:$0x2] =	stream.indirect.gather [hbm4b:s7+s12], $0x80, s20, s12, $0xb8;
	[tilespmem:$0x1E400] =	vst v63  }
0x1a0: {  	_ =	swait.ge [sflag:s19], $0x2000  }
0x1a1: {  	[sflag:s19] =	ssyncset.done $0x0  }
0x1a2: {  	s30 =	simm.s32 $0x1500;
	[sflag:s19] =	ssyncadd.s32 $0xFFFFE000  }
0x1a3: {  	[spmem:s2] =	stream.indirect.scatter.add.f32 [tilespmem:s15], [sflag:$0x5], $0x80, s30, s12, $0xb8;
	[tilespmem:$0x1E400] =	vst v63  }
0x1a4: {  	_ =	swait.ge [sflag:s11], $0x2000  }
0x1a5: {  	[sflag:s11] =	ssyncset.done $0x0  }
0x1a6: {  	s21 =	simm.s32 $0x300;
	s20 =	simm.s32 $0x4;
	[sflag:s11] =	ssyncadd.s32 $0xFFFFE000  }
0x1a7: {  	[tilespmem:s15], [sflag:$0x3] =	stream.indirect.gather [hbm4b:s7+s12], $0x80, s21, s12, $0xb8;
	[tilespmem:$0x1E400] =	vst v63  }
0x1a8: {  	_ =	swait.ge [sflag:s20], $0x2000  }
0x1a9: {  	[sflag:s20] =	ssyncset.done $0x0  }
0x1aa: {  	s31 =	simm.s32 $0x1580;
	[sflag:s20] =	ssyncadd.s32 $0xFFFFE000  }
0x1ab: {  	[spmem:s2] =	stream.indirect.scatter.add.f32 [tilespmem:s16], [sflag:$0x5], $0x80, s31, s12, $0xb8;
	[tilespmem:$0x1E400] =	vst v63  }
0x1ac: {  	_ =	swait.ge [sflag:s11], $0x2000  }
0x1ad: {  	[sflag:s11] =	ssyncset.done $0x0  }
0x1ae: {  	s22 =	simm.s32 $0x380;
	s21 =	simm.s32 $0x800;
	[sflag:s11] =	ssyncadd.s32 $0xFFFFE000  }
.LBB2_14:
0x1af: {  	[tilespmem:s16], [sflag:$0x4] =	stream.indirect.gather [hbm4b:s7+s12], $0x80, s22, s12, $0xb8;
	[tilespmem:$0x1E400] =	vst v63  }
0x1b0: {  	s22 =	smov.u32 s21  }
0x1b1: {  	p0 =	sne.s32 s21, $0x4000;
	s21 =	sadd.s32 $0x800, s21;
	_ =	swait.ge [sflag:s17], $0x2000  }
0x1b2: {  	s22 =	sshra.s32 s22, $0x2;
	[sflag:s17] =	ssyncset.done $0x0  }
0x1b3: {  	s23 =	sadd.s32 $0x1400, s22;
	[sflag:s17] =	ssyncadd.s32 $0xFFFFE000  }
0x1b4: {  	[spmem:s2] =	stream.indirect.scatter.add.f32 [tilespmem:s13], [sflag:$0x5], $0x80, s23, s12, $0xb8;
	[tilespmem:$0x1E400] =	vst v63  }
0x1b5: {  	_ =	swait.ge [sflag:s11], $0x2000  }
0x1b6: {  	[sflag:s11] =	ssyncset.done $0x0  }
0x1b7: {  	s23 =	sadd.s32 $0x200, s22;
	[sflag:s11] =	ssyncadd.s32 $0xFFFFE000  }
0x1b8: {  	[tilespmem:s13], [sflag:$0x1] =	stream.indirect.gather [hbm4b:s7+s12], $0x80, s23, s12, $0xb8;
	[tilespmem:$0x1E400] =	vst v63  }
0x1b9: {  	_ =	swait.ge [sflag:s18], $0x2000  }
0x1ba: {  	[sflag:s18] =	ssyncset.done $0x0  }
0x1bb: {  	s23 =	sadd.s32 $0x1480, s22;
	[sflag:s18] =	ssyncadd.s32 $0xFFFFE000  }
0x1bc: {  	[spmem:s2] =	stream.indirect.scatter.add.f32 [tilespmem:s14], [sflag:$0x5], $0x80, s23, s12, $0xb8;
	[tilespmem:$0x1E400] =	vst v63  }
0x1bd: {  	_ =	swait.ge [sflag:s11], $0x2000  }
0x1be: {  	[sflag:s11] =	ssyncset.done $0x0  }
0x1bf: {  	s23 =	sadd.s32 $0x280, s22;
	[sflag:s11] =	ssyncadd.s32 $0xFFFFE000  }
0x1c0: {  	[tilespmem:s14], [sflag:$0x2] =	stream.indirect.gather [hbm4b:s7+s12], $0x80, s23, s12, $0xb8;
	[tilespmem:$0x1E400] =	vst v63  }
0x1c1: {  	_ =	swait.ge [sflag:s19], $0x2000  }
0x1c2: {  	[sflag:s19] =	ssyncset.done $0x0  }
0x1c3: {  	s23 =	sadd.s32 $0x1500, s22;
	[sflag:s19] =	ssyncadd.s32 $0xFFFFE000  }
0x1c4: {  	[spmem:s2] =	stream.indirect.scatter.add.f32 [tilespmem:s15], [sflag:$0x5], $0x80, s23, s12, $0xb8;
	[tilespmem:$0x1E400] =	vst v63  }
0x1c5: {  	_ =	swait.ge [sflag:s11], $0x2000  }
0x1c6: {  	[sflag:s11] =	ssyncset.done $0x0  }
0x1c7: {  	s23 =	sadd.s32 $0x300, s22;
	[sflag:s11] =	ssyncadd.s32 $0xFFFFE000  }
0x1c8: {  	[tilespmem:s15], [sflag:$0x3] =	stream.indirect.gather [hbm4b:s7+s12], $0x80, s23, s12, $0xb8;
	[tilespmem:$0x1E400] =	vst v63  }
0x1c9: {  	_ =	swait.ge [sflag:s20], $0x2000  }
0x1ca: {  	[sflag:s20] =	ssyncset.done $0x0  }
.Ltmp7:
0x1cb: {  	s23 =	sadd.s32 $0x1580, s22;
	[sflag:s20] =	ssyncadd.s32 $0xFFFFE000;
	(pc) =	sbr.rel @p0 .LBB2_14-.Ltmp7, $4  }
0x1cc: {  	[spmem:s2] =	stream.indirect.scatter.add.f32 [tilespmem:s16], [sflag:$0x5], $0x80, s23, s12, $0xb8;
	[tilespmem:$0x1E400] =	vst v63  }
0x1cd: {  	_ =	swait.ge [sflag:s11], $0x2000  }
0x1ce: {  	[sflag:s11] =	ssyncset.done $0x0  }
0x1cf: {  	s22 =	sadd.s32 $0x380, s22;
	[sflag:s11] =	ssyncadd.s32 $0xFFFFE000  }
0x1d0: {  	[tilespmem:s16], [sflag:$0x4] =	stream.indirect.gather [hbm4b:s7+s12], $0x80, s22, s12, $0xb8;
	[tilespmem:$0x1E400] =	vst v63  }
0x1d1: {  	s11 =	simm.s32 $0x1  }
0x1d2: {  	_ =	swait.ge [sflag:s11], $0x2000  }
0x1d3: {  	s18 =	simm.s32 $0x40;
	s19 =	simm.s32 $0x2600;
	[sflag:s11] =	ssyncset.done $0x0  }
0x1d4: {  	s13 =	simm.s32 $0x2800;
	s20 =	simm.s32 $0x5;
	[sflag:s11] =	ssyncadd.s32 $0xFFFFE000  }
0x1d5: {  	[spmem:s2] =	stream.indirect.scatter.add.f32 [tilespmem:s13], [sflag:$0x5], $0x80, s19, s18, $0xb8;
	[tilespmem:$0x1E400] =	vst v63  }
0x1d6: {  	_ =	swait.ge [sflag:s20], $0x2000  }
0x1d7: {  	[sflag:s20] =	ssyncset.done $0x0  }
0x1d8: {  	s21 =	simm.s32 $0x2;
	[sflag:s20] =	ssyncadd.s32 $0xFFFFE000  }
0x1d9: {  	_ =	swait.ge [sflag:s21], $0x2000  }
0x1da: {  	[sflag:s21] =	ssyncset.done $0x0  }
0x1db: {  	s22 =	simm.s32 $0x2680;
	s14 =	simm.s32 $0x4800;
	[sflag:s21] =	ssyncadd.s32 $0xFFFFE000  }
0x1dc: {  	[spmem:s2] =	stream.indirect.scatter.add.f32 [tilespmem:s14], [sflag:$0x5], $0x80, s22, s18, $0xb8;
	[tilespmem:$0x1E400] =	vst v63  }
0x1dd: {  	_ =	swait.ge [sflag:s20], $0x2000  }
0x1de: {  	[sflag:s20] =	ssyncset.done $0x0  }
0x1df: {  	s23 =	simm.s32 $0x3;
	[sflag:s20] =	ssyncadd.s32 $0xFFFFE000  }
0x1e0: {  	_ =	swait.ge [sflag:s23], $0x2000  }
0x1e1: {  	[sflag:s23] =	ssyncset.done $0x0  }
0x1e2: {  	s24 =	simm.s32 $0x2700;
	s25 =	simm.s32 $0x6800;
	[sflag:s23] =	ssyncadd.s32 $0xFFFFE000  }
0x1e3: {  	[spmem:s2] =	stream.indirect.scatter.add.f32 [tilespmem:s25], [sflag:$0x5], $0x80, s24, s18, $0xb8;
	[tilespmem:$0x1E400] =	vst v63  }
0x1e4: {  	_ =	swait.ge [sflag:s20], $0x2000  }
0x1e5: {  	[sflag:s20] =	ssyncset.done $0x0  }
0x1e6: {  	s26 =	simm.s32 $0x4;
	[sflag:s20] =	ssyncadd.s32 $0xFFFFE000  }
0x1e7: {  	_ =	swait.ge [sflag:s26], $0x2000  }
0x1e8: {  	[sflag:s26] =	ssyncset.done $0x0  }
0x1e9: {  	s28 =	simm.s32 $0x2780;
	s29 =	simm.s32 $0x8800;
	[sflag:s26] =	ssyncadd.s32 $0xFFFFE000  }
0x1ea: {  	[spmem:s2] =	stream.indirect.scatter.add.f32 [tilespmem:s29], [sflag:$0x5], $0x80, s28, s18, $0xb8;
	[tilespmem:$0x1E400] =	vst v63  }
0x1eb: {  	_ =	swait.ge [sflag:s20], $0x2000  }
0x1ec: {  	[sflag:s20] =	ssyncset.done $0x0  }
0x1ed: {  	s30 =	simm.s32 $0x0;
	[sflag:s20] =	ssyncadd.s32 $0xFFFFE000  }
0x1ee: {  	[tilespmem:s30], [sflag:$0x5] =	stream.linear.gather [hbm4b:s10+s30], $0x1400, $0x38;
	[tilespmem:$0x1E400] =	vst v63  }
0x1ef: {  	_ =	swait.ge [sflag:s20], $0x1400  }
0x1f0: {  	[sflag:s20] =	ssyncset.done $0x0  }
0x1f1: {  	s31 =	simm.s32 $0x1400;
	[sflag:s20] =	ssyncadd.s32 $0xFFFFEC00  }
0x1f2: {  	[tilespmem:s31], [sflag:$0x5] =	stream.linear.gather [hbm4b:s9+s30], $0x1400, $0x38;
	[tilespmem:$0x1E400] =	vst v63  }
0x1f3: {  	_ =	swait.ge [sflag:s20], $0x1400  }
0x1f4: {  	[sflag:s20] =	ssyncset.done $0x0  }
0x1f5: {  	s9 =	simm.s32 $0x0;
	[sflag:s20] =	ssyncadd.s32 $0xFFFFEC00  }
0x1f6: {  	v1 =	vld [tilespmem:s9+$0x1400]  }
0x1f7: {  	v0 =	vld [tilespmem:s9+$0x1410]  }
0x1f8: {  	v4 =	vld [tilespmem:s9+$0x0]  }
0x1f9: {  	v3 =	vld [tilespmem:s9+$0x10]  }
0x1fa: {  	s10 =	simm.s32 $0x200;
	v2 =	vld [tilespmem:s9+$0x20]  }
.LBB2_16:
0x1fb: {  	p0 =	sne.s32 s10, $0x4E00;
	v5 =	vld [tilespmem:s9+$0x30]  }
0x1fc: {  	v6 =	vld [tilespmem:s9+$0x1420]  }
0x1fd: {  	v4 =	vmul.u32 $0x2710, v4;
	v7 =	vld [tilespmem:s9+$0x1430]  }
0x1fe: {  	s11 =	sshra.s32 s10, $0x2;
	v3 =	vmul.u32 $0x2710, v3  }
.Ltmp8:
0x1ff: {  	v4 =	vadd.s32 v1, v4;
	v1 =	vld [tilespmem:s11+$0x1400];
	v2 =	vmul.u32 $0x2710, v2;
	(pc) =	sbr.rel @p0 .LBB2_16-.Ltmp8, $4  }
0x200: {  	[tilespmem:s9+$0x0] =	vst v4;
	v3 =	vadd.s32 v0, v3;
	v0 =	vld [tilespmem:s11+$0x1410];
	v5 =	vmul.u32 $0x2710, v5  }
0x201: {  	v4 =	vld [tilespmem:s11+$0x0];
	[tilespmem:s9+$0x10] =	vst v3;
	v2 =	vadd.s32 v6, v2  }
0x202: {  	v3 =	vld [tilespmem:s11+$0x10];
	[tilespmem:s9+$0x20] =	vst v2;
	v5 =	vadd.s32 v7, v5  }
0x203: {  	s10 =	sadd.s32 $0x200, s10;
	v2 =	vld [tilespmem:s11+$0x20];
	[tilespmem:s9+$0x30] =	vst v5;
	s9 =	smov.u32 s11  }
0x204: {  	v5 =	vld [tilespmem:s9+$0x30]  }
0x205: {  	v6 =	vld [tilespmem:s9+$0x1420]  }
0x206: {  	v7 =	vld [tilespmem:s9+$0x1430];
	v4 =	vmul.u32 $0x2710, v4  }
0x207: {  	v3 =	vmul.u32 $0x2710, v3  }
0x208: {  	v1 =	vadd.s32 v1, v4;
	v2 =	vmul.u32 $0x2710, v2  }
0x209: {  	[tilespmem:s9+$0x0] =	vst v1;
	v0 =	vadd.s32 v0, v3;
	v61 =	vmul.u32 $0x2710, v5  }
0x20a: {  	[tilespmem:s9+$0x10] =	vst v0;
	v62 =	vadd.s32 v6, v2  }
0x20b: {  	[tilespmem:s9+$0x20] =	vst v62;
	v63 =	vadd.s32 v7, v61  }
0x20c: {  	s11 =	simm.s32 $0x0;
	s28 =	simm.s32 $0x1400;
	[tilespmem:s9+$0x30] =	vst v63  }
0x20d: {  	[tilespmem:s28], [sflag:$0x5] =	stream.linear.gather [hbm4b:s8+s11], $0x1400, $0x38;
	[tilespmem:$0x1E400] =	vst v63  }
0x20e: {  	s8 =	simm.s32 $0x5  }
0x20f: {  	_ =	swait.ge [sflag:s8], $0x1400  }
0x210: {  	[sflag:s8] =	ssyncset.done $0x0  }
0x211: {  	s10 =	simm.s32 $0x2800;
	s9 =	simm.s32 $0x40;
	[sflag:s8] =	ssyncadd.s32 $0xFFFFEC00  }
0x212: {  	[tilespmem:s10], [sflag:$0x1] =	stream.indirect.gather [hbm4b:s7+s9], $0x80, s11, s9, $0xb8;
	[tilespmem:$0x1E400] =	vst v63  }
0x213: {  	s12 =	simm.s32 $0x80;
	s11 =	simm.s32 $0x4800  }
0x214: {  	[tilespmem:s11], [sflag:$0x2] =	stream.indirect.gather [hbm4b:s7+s9], $0x80, s12, s9, $0xb8;
	[tilespmem:$0x1E400] =	vst v63  }
0x215: {  	s13 =	simm.s32 $0x100;
	s12 =	simm.s32 $0x6800  }
0x216: {  	[tilespmem:s12], [sflag:$0x3] =	stream.indirect.gather [hbm4b:s7+s9], $0x80, s13, s9, $0xb8;
	[tilespmem:$0x1E400] =	vst v63  }
0x217: {  	s14 =	simm.s32 $0x180;
	s13 =	simm.s32 $0x8800  }
0x218: {  	[tilespmem:s13], [sflag:$0x4] =	stream.indirect.gather [hbm4b:s7+s9], $0x80, s14, s9, $0xb8;
	[tilespmem:$0x1E400] =	vst v63  }
0x219: {  	s14 =	simm.s32 $0x1  }
0x21a: {  	_ =	swait.ge [sflag:s14], $0x2000  }
0x21b: {  	[sflag:s14] =	ssyncset.done $0x0  }
0x21c: {  	s15 =	simm.s32 $0x1400;
	[sflag:s14] =	ssyncadd.s32 $0xFFFFE000  }
0x21d: {  	[spmem:s2] =	stream.indirect.scatter.add.f32 [tilespmem:s10], [sflag:$0x5], $0x80, s15, s9, $0xb8;
	[tilespmem:$0x1E400] =	vst v63  }
0x21e: {  	_ =	swait.ge [sflag:s8], $0x2000  }
0x21f: {  	[sflag:s8] =	ssyncset.done $0x0  }
0x220: {  	s16 =	simm.s32 $0x200;
	s15 =	simm.s32 $0x2;
	[sflag:s8] =	ssyncadd.s32 $0xFFFFE000  }
0x221: {  	[tilespmem:s10], [sflag:$0x1] =	stream.indirect.gather [hbm4b:s7+s9], $0x80, s16, s9, $0xb8;
	[tilespmem:$0x1E400] =	vst v63  }
0x222: {  	_ =	swait.ge [sflag:s15], $0x2000  }
0x223: {  	[sflag:s15] =	ssyncset.done $0x0  }
0x224: {  	s29 =	simm.s32 $0x1480;
	[sflag:s15] =	ssyncadd.s32 $0xFFFFE000  }
0x225: {  	[spmem:s2] =	stream.indirect.scatter.add.f32 [tilespmem:s11], [sflag:$0x5], $0x80, s29, s9, $0xb8;
	[tilespmem:$0x1E400] =	vst v63  }
0x226: {  	_ =	swait.ge [sflag:s8], $0x2000  }
0x227: {  	[sflag:s8] =	ssyncset.done $0x0  }
0x228: {  	s17 =	simm.s32 $0x280;
	s16 =	simm.s32 $0x3;
	[sflag:s8] =	ssyncadd.s32 $0xFFFFE000  }
0x229: {  	[tilespmem:s11], [sflag:$0x2] =	stream.indirect.gather [hbm4b:s7+s9], $0x80, s17, s9, $0xb8;
	[tilespmem:$0x1E400] =	vst v63  }
0x22a: {  	_ =	swait.ge [sflag:s16], $0x2000  }
0x22b: {  	[sflag:s16] =	ssyncset.done $0x0  }
0x22c: {  	s30 =	simm.s32 $0x1500;
	[sflag:s16] =	ssyncadd.s32 $0xFFFFE000  }
0x22d: {  	[spmem:s2] =	stream.indirect.scatter.add.f32 [tilespmem:s12], [sflag:$0x5], $0x80, s30, s9, $0xb8;
	[tilespmem:$0x1E400] =	vst v63  }
0x22e: {  	_ =	swait.ge [sflag:s8], $0x2000  }
0x22f: {  	[sflag:s8] =	ssyncset.done $0x0  }
0x230: {  	s18 =	simm.s32 $0x300;
	s17 =	simm.s32 $0x4;
	[sflag:s8] =	ssyncadd.s32 $0xFFFFE000  }
0x231: {  	[tilespmem:s12], [sflag:$0x3] =	stream.indirect.gather [hbm4b:s7+s9], $0x80, s18, s9, $0xb8;
	[tilespmem:$0x1E400] =	vst v63  }
0x232: {  	_ =	swait.ge [sflag:s17], $0x2000  }
0x233: {  	[sflag:s17] =	ssyncset.done $0x0  }
0x234: {  	s31 =	simm.s32 $0x1580;
	[sflag:s17] =	ssyncadd.s32 $0xFFFFE000  }
0x235: {  	[spmem:s2] =	stream.indirect.scatter.add.f32 [tilespmem:s13], [sflag:$0x5], $0x80, s31, s9, $0xb8;
	[tilespmem:$0x1E400] =	vst v63  }
0x236: {  	_ =	swait.ge [sflag:s8], $0x2000  }
0x237: {  	[sflag:s8] =	ssyncset.done $0x0  }
0x238: {  	s19 =	simm.s32 $0x380;
	s18 =	simm.s32 $0x800;
	[sflag:s8] =	ssyncadd.s32 $0xFFFFE000  }
.LBB2_18:
0x239: {  	[tilespmem:s13], [sflag:$0x4] =	stream.indirect.gather [hbm4b:s7+s9], $0x80, s19, s9, $0xb8;
	[tilespmem:$0x1E400] =	vst v63  }
0x23a: {  	s19 =	smov.u32 s18  }
0x23b: {  	p0 =	sne.s32 s18, $0x4000;
	s18 =	sadd.s32 $0x800, s18;
	_ =	swait.ge [sflag:s14], $0x2000  }
0x23c: {  	s19 =	sshra.s32 s19, $0x2;
	[sflag:s14] =	ssyncset.done $0x0  }
0x23d: {  	s20 =	sadd.s32 $0x1400, s19;
	[sflag:s14] =	ssyncadd.s32 $0xFFFFE000  }
0x23e: {  	[spmem:s2] =	stream.indirect.scatter.add.f32 [tilespmem:s10], [sflag:$0x5], $0x80, s20, s9, $0xb8;
	[tilespmem:$0x1E400] =	vst v63  }
0x23f: {  	_ =	swait.ge [sflag:s8], $0x2000  }
0x240: {  	[sflag:s8] =	ssyncset.done $0x0  }
0x241: {  	s20 =	sadd.s32 $0x200, s19;
	[sflag:s8] =	ssyncadd.s32 $0xFFFFE000  }
0x242: {  	[tilespmem:s10], [sflag:$0x1] =	stream.indirect.gather [hbm4b:s7+s9], $0x80, s20, s9, $0xb8;
	[tilespmem:$0x1E400] =	vst v63  }
0x243: {  	_ =	swait.ge [sflag:s15], $0x2000  }
0x244: {  	[sflag:s15] =	ssyncset.done $0x0  }
0x245: {  	s20 =	sadd.s32 $0x1480, s19;
	[sflag:s15] =	ssyncadd.s32 $0xFFFFE000  }
0x246: {  	[spmem:s2] =	stream.indirect.scatter.add.f32 [tilespmem:s11], [sflag:$0x5], $0x80, s20, s9, $0xb8;
	[tilespmem:$0x1E400] =	vst v63  }
0x247: {  	_ =	swait.ge [sflag:s8], $0x2000  }
0x248: {  	[sflag:s8] =	ssyncset.done $0x0  }
0x249: {  	s20 =	sadd.s32 $0x280, s19;
	[sflag:s8] =	ssyncadd.s32 $0xFFFFE000  }
0x24a: {  	[tilespmem:s11], [sflag:$0x2] =	stream.indirect.gather [hbm4b:s7+s9], $0x80, s20, s9, $0xb8;
	[tilespmem:$0x1E400] =	vst v63  }
0x24b: {  	_ =	swait.ge [sflag:s16], $0x2000  }
0x24c: {  	[sflag:s16] =	ssyncset.done $0x0  }
0x24d: {  	s20 =	sadd.s32 $0x1500, s19;
	[sflag:s16] =	ssyncadd.s32 $0xFFFFE000  }
0x24e: {  	[spmem:s2] =	stream.indirect.scatter.add.f32 [tilespmem:s12], [sflag:$0x5], $0x80, s20, s9, $0xb8;
	[tilespmem:$0x1E400] =	vst v63  }
0x24f: {  	_ =	swait.ge [sflag:s8], $0x2000  }
0x250: {  	[sflag:s8] =	ssyncset.done $0x0  }
0x251: {  	s20 =	sadd.s32 $0x300, s19;
	[sflag:s8] =	ssyncadd.s32 $0xFFFFE000  }
0x252: {  	[tilespmem:s12], [sflag:$0x3] =	stream.indirect.gather [hbm4b:s7+s9], $0x80, s20, s9, $0xb8;
	[tilespmem:$0x1E400] =	vst v63  }
0x253: {  	_ =	swait.ge [sflag:s17], $0x2000  }
0x254: {  	[sflag:s17] =	ssyncset.done $0x0  }
.Ltmp9:
0x255: {  	s20 =	sadd.s32 $0x1580, s19;
	[sflag:s17] =	ssyncadd.s32 $0xFFFFE000;
	(pc) =	sbr.rel @p0 .LBB2_18-.Ltmp9, $4  }
0x256: {  	[spmem:s2] =	stream.indirect.scatter.add.f32 [tilespmem:s13], [sflag:$0x5], $0x80, s20, s9, $0xb8;
	[tilespmem:$0x1E400] =	vst v63  }
0x257: {  	_ =	swait.ge [sflag:s8], $0x2000  }
0x258: {  	[sflag:s8] =	ssyncset.done $0x0  }
0x259: {  	s19 =	sadd.s32 $0x380, s19;
	[sflag:s8] =	ssyncadd.s32 $0xFFFFE000  }
0x25a: {  	[tilespmem:s13], [sflag:$0x4] =	stream.indirect.gather [hbm4b:s7+s9], $0x80, s19, s9, $0xb8;
	[tilespmem:$0x1E400] =	vst v63  }
0x25b: {  	s19 =	simm.s32 $0x1  }
0x25c: {  	_ =	swait.ge [sflag:s19], $0x2000  }
0x25d: {  	s20 =	simm.s32 $0x40;
	s8 =	simm.s32 $0x2600;
	[sflag:s19] =	ssyncset.done $0x0  }
0x25e: {  	s21 =	simm.s32 $0x2800;
	s22 =	simm.s32 $0x5;
	[sflag:s19] =	ssyncadd.s32 $0xFFFFE000  }
0x25f: {  	[spmem:s2] =	stream.indirect.scatter.add.f32 [tilespmem:s21], [sflag:$0x5], $0x80, s8, s20, $0xb8;
	[tilespmem:$0x1E400] =	vst v63  }
0x260: {  	_ =	swait.ge [sflag:s22], $0x2000  }
0x261: {  	[sflag:s22] =	ssyncset.done $0x0  }
0x262: {  	s23 =	simm.s32 $0x2;
	[sflag:s22] =	ssyncadd.s32 $0xFFFFE000  }
0x263: {  	_ =	swait.ge [sflag:s23], $0x2000  }
0x264: {  	[sflag:s23] =	ssyncset.done $0x0  }
0x265: {  	s24 =	simm.s32 $0x2680;
	s10 =	simm.s32 $0x4800;
	[sflag:s23] =	ssyncadd.s32 $0xFFFFE000  }
0x266: {  	[spmem:s2] =	stream.indirect.scatter.add.f32 [tilespmem:s10], [sflag:$0x5], $0x80, s24, s20, $0xb8;
	[tilespmem:$0x1E400] =	vst v63  }
0x267: {  	_ =	swait.ge [sflag:s22], $0x2000  }
0x268: {  	[sflag:s22] =	ssyncset.done $0x0  }
0x269: {  	s25 =	simm.s32 $0x3;
	[sflag:s22] =	ssyncadd.s32 $0xFFFFE000  }
0x26a: {  	_ =	swait.ge [sflag:s25], $0x2000  }
0x26b: {  	[sflag:s25] =	ssyncset.done $0x0  }
0x26c: {  	s26 =	simm.s32 $0x2700;
	s28 =	simm.s32 $0x6800;
	[sflag:s25] =	ssyncadd.s32 $0xFFFFE000  }
0x26d: {  	[spmem:s2] =	stream.indirect.scatter.add.f32 [tilespmem:s28], [sflag:$0x5], $0x80, s26, s20, $0xb8;
	[tilespmem:$0x1E400] =	vst v63  }
0x26e: {  	_ =	swait.ge [sflag:s22], $0x2000  }
0x26f: {  	[sflag:s22] =	ssyncset.done $0x0  }
0x270: {  	s29 =	simm.s32 $0x4;
	[sflag:s22] =	ssyncadd.s32 $0xFFFFE000  }
0x271: {  	_ =	swait.ge [sflag:s29], $0x2000  }
0x272: {  	[sflag:s29] =	ssyncset.done $0x0  }
0x273: {  	s30 =	simm.s32 $0x2780;
	s31 =	simm.s32 $0x8800;
	[sflag:s29] =	ssyncadd.s32 $0xFFFFE000  }
0x274: {  	[spmem:s2] =	stream.indirect.scatter.add.f32 [tilespmem:s31], [sflag:$0x5], $0x80, s30, s20, $0xb8;
	[tilespmem:$0x1E400] =	vst v63  }
0x275: {  	_ =	swait.ge [sflag:s22], $0x2000  }
0x276: {  	[sflag:s22] =	ssyncset.done $0x0  }
0x277: {  	p0 =	seq.s32 s1, $0xF;
	[sflag:s22] =	ssyncadd.s32 $0xFFFFE000  }
0x278: {  	s2 =	sshrl.u32 @p0 s6, $0x3;
	s6 =	simm.s32 @p0 $0x1FC5;
	[bflag:$0x0] =	sbarrier.arrive $0xFFFF  }
0x279: {  	[hbm:s5], [sflag:s6] =	dma.local @p0 [spmem:s2], $0x2080  }
0x27a: {  	s2 =	simm.s32 @p0 $0x5  }
0x27b: {  	_ =	swait.ge @p0 [sflag:s2], $0x2080  }
0x27c: {  	s5 =	sshll.u32 @!p0 s1, $0x6;
	[sflag:s2] =	ssyncset.done @p0 $0x0  }
0x27d: {  	s3 =	sshrl.u32 @!p0 s3, $0x3;
	[sflag:s2] =	ssyncadd.s32 @p0 $0xFFFFDF80;
	s2 =	sor.u32 @!p0 $0x1C05, s5  }
0x27e: {  	[hbm:s4], [sflag:s2] =	dma.local @!p0 [spmem:s3], $0x2780  }
0x27f: {  	s2 =	simm.s32 @!p0 $0x5  }
0x280: {  	_ =	swait.ge @!p0 [sflag:s2], $0x2780  }
0x281: {  	[sflag:s2] =	ssyncset.done @!p0 $0x0  }
0x282: {  	[sflag:s2] =	ssyncadd.s32 @!p0 $0xFFFFD880  }
.LBB2_20:
0x283: {  	_ =	sfence.sel $0x180000  }
0x284: {  	[bflag:$0x0] =	sbarrier.arrive $0xFFFF  }
0x285: {  	p0 =	sne.s32 s1, $0x0;
	_ =	strace $0x90000047  }
0x286: {  	s0 =	sadd.s32 @!p0 $0x100000, s0;
	[bflag:$0x2] =	sbarrier.arrive $0xFFFF  }
0x287: {  	[sflag:s0] =	ssyncadd.tile.s32 @!p0 $0x1;
	_ =	shalt  }
.Lfunc_end2:
_tile_overlayer_lowered:
.L_overlay_start_2:
0x288: {  	(tag) =	ssettag $0x2  }
0x289: {  	s0 =	rddreg [dreg:$0x0];
	s2 =	stileid.u32  }
0x28a: {  	s1 =	rddreg [dreg:$0x1];
	p0 =	sne.s32 s2, $0x0  }
0x28b: {  	s3 =	rddreg [dreg:$0x2];
	[bflag:$0x3] =	sbarrier.arrive $0xFFFF;
	s2 =	simm.s32 @!p0 $0x1C05  }
0x28c: {  	[timem:s3], [sflag:s2] =	dma.local @!p0 [hbm:s0], s1  }
0x28d: {  	s0 =	simm.s32 @!p0 $0x5  }
0x28e: {  	_ =	swait.ge @!p0 [sflag:s0], s1  }
0x28f: {  	s1 =	ssub.s32 @!p0 $0x0, s1;
	[sflag:s0] =	ssyncset.done @!p0 $0x0  }
0x290: {  	[sflag:s0] =	ssyncadd.s32 @!p0 s1  }
0x291: {  	[bflag:$0x3] =	sbarrier.arrive $0xFFFF  }
0x292: {  	_ =	shalt  }

</sc_bundles>
